<compile_context>
chip_gen: v7x
topology: tpu7x:2x2x1
jax: 0.10.2.dev20260603
libtpu: 0.0.44.dev20260713+nightly
codegen_flags: <defaults>
</compile_context>

<pallas_src>
import functools

import jax
import jax.numpy as jnp
from jax import lax
from jax.experimental import pallas as pl
from jax.experimental.pallas import tpu as pltpu
from jax.experimental.pallas import tpu_sc as plsc

_NC = 2
_NS = 16
_CH = 80
_NB = 3
_NI = 6


def _sc_aggregate(nodes, senders, receivers, pad_n, per_w):
    n_nodes, d = nodes.shape
    assert per_w % _CH == 0 and (per_w * _NC * _NS,) == senders.shape
    n_ch = per_w // _CH
    rows_per_tile = pad_n // _NS
    assert rows_per_tile % 128 == 0

    mesh = plsc.VectorSubcoreMesh(core_axis_name="c", subcore_axis_name="s")

    @functools.partial(
        pl.kernel,
        mesh=mesh,
        out_type=[
            jax.ShapeDtypeStruct((_NC, pad_n, d), jnp.float32),
            jax.ShapeDtypeStruct((_NC, pad_n), jnp.float32),
        ],
        scratch_types=[
            pltpu.VMEM((_NI, _CH), jnp.int32),
            pltpu.VMEM((_NI, _CH), jnp.int32),
            pltpu.VMEM((_CH, d), jnp.float32),
            pltpu.VMEM((_CH, d), jnp.float32),
            pltpu.VMEM((_CH, d), jnp.float32),
            pltpu.VMEM((128,), jnp.float32),
            pltpu.VMEM((32, d), jnp.float32),
            pltpu.VMEM((rows_per_tile,), jnp.float32),
            pltpu.VMEM_SHARED((pad_n, d), jnp.float32),
            pltpu.VMEM_SHARED((pad_n,), jnp.float32),
            pltpu.SemaphoreType.DMA,
            pltpu.SemaphoreType.DMA,
            pltpu.SemaphoreType.DMA,
            pltpu.SemaphoreType.DMA,
            pltpu.SemaphoreType.DMA,
            pltpu.SemaphoreType.DMA,
            pltpu.SemaphoreType.DMA,
            pltpu.SemaphoreType.DMA,
        ],
    )
    def agg(nodes_h, send_h, recv_h, sum_h, cnt_h,
            sidx, ridx, rows0, rows1, rows2, ones, zrows, zcnt,
            acc, cnt,
            rsem0, rsem1, rsem2, isem0, isem1, isem2, ssem, csem):
        c = lax.axis_index("c")
        s = lax.axis_index("s")
        wid = c * _NS + s
        rows = (rows0, rows1, rows2)
        rsems = (rsem0, rsem1, rsem2)
        isems = (isem0, isem1, isem2)

        def idx_start(j, bi):
            off = wid * per_w + j * _CH
            pltpu.async_copy(send_h.at[pl.ds(off, _CH)], sidx.at[bi],
                             isems[bi % _NB])
            pltpu.async_copy(recv_h.at[pl.ds(off, _CH)], ridx.at[bi],
                             isems[bi % _NB])

        def idx_wait(bi):
            pltpu.make_async_copy(send_h.at[pl.ds(0, _CH)], sidx.at[bi],
                                  isems[bi % _NB]).wait()
            pltpu.make_async_copy(recv_h.at[pl.ds(0, _CH)], ridx.at[bi],
                                  isems[bi % _NB]).wait()

        def gather_start(bi, br):
            pltpu.async_copy(nodes_h.at[sidx.at[bi]], rows[br], rsems[br])

        def gather_wait(bi, br):
            pltpu.make_async_copy(nodes_h.at[sidx.at[bi]], rows[br],
                                  rsems[br]).wait()

        def scatter_issue(bi, br):
            pltpu.async_copy(rows[br], acc.at[ridx.at[bi]], ssem, add=True)
            pltpu.async_copy(ones.at[pl.ds(0, _CH)], cnt.at[ridx.at[bi]],
                             csem, add=True)

        def scatter_wait(bi, br):
            pltpu.make_async_copy(rows[br], acc.at[ridx.at[bi]],
                                  ssem).wait()
            pltpu.make_async_copy(ones.at[pl.ds(0, _CH)],
                                  cnt.at[ridx.at[bi]], csem).wait()

        for b in range(_NI - 1):
            idx_start(b, b)

        zero16 = jnp.zeros((16,), jnp.float32)
        one16 = jnp.ones((16,), jnp.float32)

        def zrow_body(i, carry):
            for k in range(d // 16):
                zrows[i, pl.ds(k * 16, 16)] = zero16
            return carry

        lax.fori_loop(0, 32, zrow_body, 0)

        def zcnt_body(i, carry):
            zcnt[pl.ds(i * 16, 16)] = zero16
            return carry

        lax.fori_loop(0, rows_per_tile // 16, zcnt_body, 0)

        for k in range(128 // 16):
            ones[pl.ds(k * 16, 16)] = one16

        r0 = s * rows_per_tile
        for b in range(rows_per_tile // 32):
            pltpu.sync_copy(zrows, acc.at[pl.ds(r0 + b * 32, 32)])
        pltpu.sync_copy(zcnt, cnt.at[pl.ds(r0, rows_per_tile)])
        plsc.subcore_barrier()

        idx_wait(0)
        gather_start(0, 0)

        @pl.when(1 < n_ch)
        def _():
            idx_wait(1)
            gather_start(1, 1)

        def group_body(g, carry):
            j0 = _NI * g
            for u in range(_NI):
                j = j0 + u

                @pl.when(jnp.logical_and(j >= 1, j <= n_ch))
                def _():
                    scatter_wait((u - 1) % _NI, (u - 1) % _NB)

                @pl.when(j + 5 < n_ch)
                def _():
                    idx_start(j + 5, (u + 5) % _NI)

                @pl.when(j + 2 < n_ch)
                def _():
                    idx_wait((u + 2) % _NI)
                    gather_start((u + 2) % _NI, (u + 2) % _NB)

                @pl.when(j < n_ch)
                def _():
                    gather_wait(u, u % _NB)
                    scatter_issue(u, u % _NB)

            return carry

        lax.fori_loop(0, (n_ch + _NI) // _NI, group_body, 0)
        plsc.subcore_barrier()

        pltpu.sync_copy(acc.at[pl.ds(r0, rows_per_tile)],
                        sum_h.at[c, pl.ds(r0, rows_per_tile)])
        pltpu.sync_copy(cnt.at[pl.ds(r0, rows_per_tile)],
                        cnt_h.at[c, pl.ds(r0, rows_per_tile)])

    return agg(nodes, senders, receivers)


def _tc_dense(nodes, w_left, b_left, w_right):
    n, d = nodes.shape
    out_ch = w_right.shape[1]
    blk = 2000
    assert n % blk == 0

    def body(n_ref, wl_ref, b_ref, wr_ref, o_ref):
        w_comb = wl_ref[0:d, :] + wr_ref[...]
        out = jnp.dot(n_ref[...], w_comb, preferred_element_type=jnp.float32)
        o_ref[...] = out + b_ref[...]

    return pl.pallas_call(
        body,
        grid=(n // blk,),
        in_specs=[
            pl.BlockSpec((blk, d), lambda i: (i, 0)),
            pl.BlockSpec((2 * d, out_ch), lambda i: (0, 0)),
            pl.BlockSpec((1, out_ch), lambda i: (0, 0)),
            pl.BlockSpec((d, out_ch), lambda i: (0, 0)),
        ],
        out_specs=pl.BlockSpec((blk, out_ch), lambda i: (i, 0)),
        out_shape=jax.ShapeDtypeStruct((n, out_ch), jnp.float32),
    )(nodes, w_left, b_left, w_right)


def _tc_combine(z, sums, counts, w_left):
    n, out_ch = z.shape
    d = sums.shape[2]
    blk = 2000
    assert n % blk == 0

    def body(z_ref, s_ref, c_ref, wl_ref, o_ref):
        cnt = jnp.maximum(c_ref[0] + c_ref[1], 1.0)
        h_agg = (s_ref[0] + s_ref[1]) / cnt
        o_ref[...] = z_ref[...] + jnp.dot(
            h_agg, wl_ref[d:, :], preferred_element_type=jnp.float32)

    return pl.pallas_call(
        body,
        grid=(n // blk,),
        in_specs=[
            pl.BlockSpec((blk, out_ch), lambda i: (i, 0)),
            pl.BlockSpec((_NC, blk, d), lambda i: (0, i, 0)),
            pl.BlockSpec((_NC, blk, 1), lambda i: (0, i, 0)),
            pl.BlockSpec((2 * d, out_ch), lambda i: (0, 0)),
        ],
        out_specs=pl.BlockSpec((blk, out_ch), lambda i: (i, 0)),
        out_shape=jax.ShapeDtypeStruct((n, out_ch), jnp.float32),
    )(z, sums, counts, w_left)


def kernel(nodes, senders, receivers, W_left, b_left, W_right):
    n_nodes, d = nodes.shape
    n_edges = senders.shape[0]
    nw = _NC * _NS
    per_w = n_edges // nw
    assert per_w * nw == n_edges and per_w % _CH == 0
    pad_n = ((n_nodes + 1023) // 1024) * 1024
    sums, counts = _sc_aggregate(nodes, senders, receivers, pad_n, per_w)
    z = _tc_dense(nodes, W_left, b_left.reshape(1, -1), W_right)
    return _tc_combine(z, sums, counts.reshape(_NC, pad_n, 1), W_left)

# --- scband reference (transcript-rebuilt; emitter-appended) ---
"""Pipeline reference for scband-sageconv-86277303042057 (READ-ONLY COPY).

The authoritative reference and input builder live on the scoring server;
editing this copy changes nothing except your own understanding.
"""

import jax, jax.numpy as jnp
import numpy as np

N_NODES = 10000
N_EDGES = 320000
D_FEAT = 128
OUT_CH = 128


def setup_inputs(seed: int = 0) -> dict:
    key = jax.random.key(seed)
    k1, k2, k3, k4, k5 = jax.random.split(key, 5)
    nodes = jax.random.normal(k1, (N_NODES, D_FEAT), dtype=jnp.float32)
    senders = jax.random.randint(k2, (N_EDGES,), 0, N_NODES, dtype=jnp.int32)
    receivers = jax.random.randint(k3, (N_EDGES,), 0, N_NODES, dtype=jnp.int32)
    # hk.Linear(out_channels, with_bias=True) applied to concat(nodes, aggr) of width 2*D_FEAT
    W_left = jax.random.normal(k4, (2 * D_FEAT, OUT_CH), dtype=jnp.float32) / np.sqrt(2 * D_FEAT)
    b_left = jnp.zeros((OUT_CH,), dtype=jnp.float32)
    # hk.Linear(out_channels, with_bias=False) applied to nodes (root weight)
    W_right = jax.random.normal(k5, (D_FEAT, OUT_CH), dtype=jnp.float32) / np.sqrt(D_FEAT)
    return {"nodes": nodes, "senders": senders, "receivers": receivers,
            "W_left": W_left, "b_left": b_left, "W_right": W_right}


def reference(nodes, senders, receivers, W_left, b_left, W_right):
    num_nodes = nodes.shape[0]
    # mean aggregation: scatter-add messages by receiver, divide by in-degree
    msgs = nodes[senders]  # gather [E, D]
    summed = jax.ops.segment_sum(msgs, receivers, num_segments=num_nodes)
    counts = jax.ops.segment_sum(jnp.ones((senders.shape[0],), dtype=nodes.dtype),
                                 receivers, num_segments=num_nodes)
    h_agg = summed / jnp.clip(counts, 1.0)[:, None]
    h = jnp.concatenate((nodes, h_agg), axis=1)
    out = h @ W_left + b_left
    out = out + nodes @ W_right
    return out

if __name__ == "__main__":
    import jax
    _d = setup_inputs()
    print(jax.jit(kernel)(*tuple(_d.values())))

</pallas_src>

<mosaic_0001>
#map = affine_map<(d0, d1) -> (0, 0)>
#map1 = affine_map<(d0, d1) -> (0)>
#map2 = affine_map<(d0, d1) -> (0, 0, 0)>
module attributes {stable_mosaic.version = 14 : i64} {
  func.func @agg(%arg0: i32, %arg1: i32, %arg2: memref<10000x128xf32, #tpu.memory_space<hbm>>, %arg3: memref<320000xi32, #tpu.memory_space<hbm>>, %arg4: memref<320000xi32, #tpu.memory_space<hbm>>, %arg5: memref<2x10240x128xf32, #tpu.memory_space<hbm>>, %arg6: memref<2x10240xf32, #tpu.memory_space<hbm>>, %arg7: memref<6x80xi32, #tpu.memory_space<vmem>>, %arg8: memref<6x80xi32, #tpu.memory_space<vmem>>, %arg9: memref<80x128xf32, #tpu.memory_space<vmem>>, %arg10: memref<80x128xf32, #tpu.memory_space<vmem>>, %arg11: memref<80x128xf32, #tpu.memory_space<vmem>>, %arg12: memref<128xf32, #tpu.memory_space<vmem>>, %arg13: memref<32x128xf32, #tpu.memory_space<vmem>>, %arg14: memref<640xf32, #tpu.memory_space<vmem>>, %arg15: memref<10240x128xf32, #tpu.memory_space<vmem_shared>>, %arg16: memref<10240xf32, #tpu.memory_space<vmem_shared>>, %arg17: memref<!tpu.dma_semaphore, #tpu.memory_space<semaphore_mem>>, %arg18: memref<!tpu.dma_semaphore, #tpu.memory_space<semaphore_mem>>, %arg19: memref<!tpu.dma_semaphore, #tpu.memory_space<semaphore_mem>>, %arg20: memref<!tpu.dma_semaphore, #tpu.memory_space<semaphore_mem>>, %arg21: memref<!tpu.dma_semaphore, #tpu.memory_space<semaphore_mem>>, %arg22: memref<!tpu.dma_semaphore, #tpu.memory_space<semaphore_mem>>, %arg23: memref<!tpu.dma_semaphore, #tpu.memory_space<semaphore_mem>>, %arg24: memref<!tpu.dma_semaphore, #tpu.memory_space<semaphore_mem>>) attributes {dimension_semantics = [#tpu.dimension_semantics<core_parallel>, #tpu.dimension_semantics<subcore_parallel>], iteration_bounds = array<i64: 2, 16>, scalar_prefetch = 0 : i64, scratch_operands = 18 : i64, tpu.core_type = #tpu.core_type<sc_vector_subcore>, window_params = [{transform_indices = #map}, {transform_indices = #map1}, {transform_indices = #map1}, {transform_indices = #map2}, {transform_indices = #map}]} {
    %mul3A = arith.constant 16 : i32
    %mul3A_0 = arith.muli %arg0, %mul3A : i32
    %add3A = arith.addi %mul3A_0, %arg1 : i32
    %mul3A_1 = arith.constant 10000 : i32
    %mul3A_2 = arith.muli %add3A, %mul3A_1 : i32
    %add3A_3 = arith.constant 0 : i32
    %add3A_4 = arith.addi %mul3A_2, %add3A_3 : i32
    %dma_start3A = arith.constant 0 : i32
    %dma_start3A_5 = arith.constant 0 : i32
    %dma_start3A_6 = tpu.memref_slice %arg7[%dma_start3A, %dma_start3A_5] : memref<6x80xi32, #tpu.memory_space<vmem>> -> memref<1x80xi32, #tpu.memory_space<vmem>>
    %dma_start3A_7 = tpu.memref_squeeze %dma_start3A_6 : memref<1x80xi32, #tpu.memory_space<vmem>> -> memref<80xi32, #tpu.memory_space<vmem>>
    %dma_start3A_8 = tpu.memref_slice %arg3[%add3A_4] : memref<320000xi32, #tpu.memory_space<hbm>> -> memref<80xi32, #tpu.memory_space<hbm>>
    %dma_start3A_9 = arith.constant 0 : i32
    %dma_start3A_10 = tpu.memref_slice %arg7[%dma_start3A, %dma_start3A_9] : memref<6x80xi32, #tpu.memory_space<vmem>> -> memref<1x80xi32, #tpu.memory_space<vmem>>
    %dma_start3A_11 = tpu.memref_squeeze %dma_start3A_10 : memref<1x80xi32, #tpu.memory_space<vmem>> -> memref<80xi32, #tpu.memory_space<vmem>>
    %dma_start3A_12 = tpu.memref_slice %arg3[%add3A_4] : memref<320000xi32, #tpu.memory_space<hbm>> -> memref<80xi32, #tpu.memory_space<hbm>>
    tpu.enqueue_dma source(%dma_start3A_12 : memref<80xi32, #tpu.memory_space<hbm>>) target(%dma_start3A_11 : memref<80xi32, #tpu.memory_space<vmem>>) target_semaphore(%arg20 : memref<!tpu.dma_semaphore, #tpu.memory_space<semaphore_mem>>)
    %dma_start3A_13 = arith.constant 0 : i32
    %dma_start3A_14 = arith.constant 0 : i32
    %dma_start3A_15 = tpu.memref_slice %arg8[%dma_start3A_13, %dma_start3A_14] : memref<6x80xi32, #tpu.memory_space<vmem>> -> memref<1x80xi32, #tpu.memory_space<vmem>>
    %dma_start3A_16 = tpu.memref_squeeze %dma_start3A_15 : memref<1x80xi32, #tpu.memory_space<vmem>> -> memref<80xi32, #tpu.memory_space<vmem>>
    %dma_start3A_17 = tpu.memref_slice %arg4[%add3A_4] : memref<320000xi32, #tpu.memory_space<hbm>> -> memref<80xi32, #tpu.memory_space<hbm>>
    %dma_start3A_18 = arith.constant 0 : i32
    %dma_start3A_19 = tpu.memref_slice %arg8[%dma_start3A_13, %dma_start3A_18] : memref<6x80xi32, #tpu.memory_space<vmem>> -> memref<1x80xi32, #tpu.memory_space<vmem>>
    %dma_start3A_20 = tpu.memref_squeeze %dma_start3A_19 : memref<1x80xi32, #tpu.memory_space<vmem>> -> memref<80xi32, #tpu.memory_space<vmem>>
    %dma_start3A_21 = tpu.memref_slice %arg4[%add3A_4] : memref<320000xi32, #tpu.memory_space<hbm>> -> memref<80xi32, #tpu.memory_space<hbm>>
    tpu.enqueue_dma source(%dma_start3A_21 : memref<80xi32, #tpu.memory_space<hbm>>) target(%dma_start3A_20 : memref<80xi32, #tpu.memory_space<vmem>>) target_semaphore(%arg20 : memref<!tpu.dma_semaphore, #tpu.memory_space<semaphore_mem>>)
    %mul3A_22 = arith.constant 10000 : i32
    %mul3A_23 = arith.muli %add3A, %mul3A_22 : i32
    %add3A_24 = arith.constant 80 : i32
    %add3A_25 = arith.addi %mul3A_23, %add3A_24 : i32
    %dma_start3A_26 = arith.constant 1 : i32
    %dma_start3A_27 = arith.constant 0 : i32
    %dma_start3A_28 = tpu.memref_slice %arg7[%dma_start3A_26, %dma_start3A_27] : memref<6x80xi32, #tpu.memory_space<vmem>> -> memref<1x80xi32, #tpu.memory_space<vmem>>
    %dma_start3A_29 = tpu.memref_squeeze %dma_start3A_28 : memref<1x80xi32, #tpu.memory_space<vmem>> -> memref<80xi32, #tpu.memory_space<vmem>>
    %dma_start3A_30 = tpu.memref_slice %arg3[%add3A_25] : memref<320000xi32, #tpu.memory_space<hbm>> -> memref<80xi32, #tpu.memory_space<hbm>>
    %dma_start3A_31 = arith.constant 0 : i32
    %dma_start3A_32 = tpu.memref_slice %arg7[%dma_start3A_26, %dma_start3A_31] : memref<6x80xi32, #tpu.memory_space<vmem>> -> memref<1x80xi32, #tpu.memory_space<vmem>>
    %dma_start3A_33 = tpu.memref_squeeze %dma_start3A_32 : memref<1x80xi32, #tpu.memory_space<vmem>> -> memref<80xi32, #tpu.memory_space<vmem>>
    %dma_start3A_34 = tpu.memref_slice %arg3[%add3A_25] : memref<320000xi32, #tpu.memory_space<hbm>> -> memref<80xi32, #tpu.memory_space<hbm>>
    tpu.enqueue_dma source(%dma_start3A_34 : memref<80xi32, #tpu.memory_space<hbm>>) target(%dma_start3A_33 : memref<80xi32, #tpu.memory_space<vmem>>) target_semaphore(%arg21 : memref<!tpu.dma_semaphore, #tpu.memory_space<semaphore_mem>>)
    %dma_start3A_35 = arith.constant 1 : i32
    %dma_start3A_36 = arith.constant 0 : i32
    %dma_start3A_37 = tpu.memref_slice %arg8[%dma_start3A_35, %dma_start3A_36] : memref<6x80xi32, #tpu.memory_space<vmem>> -> memref<1x80xi32, #tpu.memory_space<vmem>>
    %dma_start3A_38 = tpu.memref_squeeze %dma_start3A_37 : memref<1x80xi32, #tpu.memory_space<vmem>> -> memref<80xi32, #tpu.memory_space<vmem>>
    %dma_start3A_39 = tpu.memref_slice %arg4[%add3A_25] : memref<320000xi32, #tpu.memory_space<hbm>> -> memref<80xi32, #tpu.memory_space<hbm>>
    %dma_start3A_40 = arith.constant 0 : i32
    %dma_start3A_41 = tpu.memref_slice %arg8[%dma_start3A_35, %dma_start3A_40] : memref<6x80xi32, #tpu.memory_space<vmem>> -> memref<1x80xi32, #tpu.memory_space<vmem>>
    %dma_start3A_42 = tpu.memref_squeeze %dma_start3A_41 : memref<1x80xi32, #tpu.memory_space<vmem>> -> memref<80xi32, #tpu.memory_space<vmem>>
    %dma_start3A_43 = tpu.memref_slice %arg4[%add3A_25] : memref<320000xi32, #tpu.memory_space<hbm>> -> memref<80xi32, #tpu.memory_space<hbm>>
    tpu.enqueue_dma source(%dma_start3A_43 : memref<80xi32, #tpu.memory_space<hbm>>) target(%dma_start3A_42 : memref<80xi32, #tpu.memory_space<vmem>>) target_semaphore(%arg21 : memref<!tpu.dma_semaphore, #tpu.memory_space<semaphore_mem>>)
    %mul3A_44 = arith.constant 10000 : i32
    %mul3A_45 = arith.muli %add3A, %mul3A_44 : i32
    %add3A_46 = arith.constant 160 : i32
    %add3A_47 = arith.addi %mul3A_45, %add3A_46 : i32
    %dma_start3A_48 = arith.constant 2 : i32
    %dma_start3A_49 = arith.constant 0 : i32
    %dma_start3A_50 = tpu.memref_slice %arg7[%dma_start3A_48, %dma_start3A_49] : memref<6x80xi32, #tpu.memory_space<vmem>> -> memref<1x80xi32, #tpu.memory_space<vmem>>
    %dma_start3A_51 = tpu.memref_squeeze %dma_start3A_50 : memref<1x80xi32, #tpu.memory_space<vmem>> -> memref<80xi32, #tpu.memory_space<vmem>>
    %dma_start3A_52 = tpu.memref_slice %arg3[%add3A_47] : memref<320000xi32, #tpu.memory_space<hbm>> -> memref<80xi32, #tpu.memory_space<hbm>>
    %dma_start3A_53 = arith.constant 0 : i32
    %dma_start3A_54 = tpu.memref_slice %arg7[%dma_start3A_48, %dma_start3A_53] : memref<6x80xi32, #tpu.memory_space<vmem>> -> memref<1x80xi32, #tpu.memory_space<vmem>>
    %dma_start3A_55 = tpu.memref_squeeze %dma_start3A_54 : memref<1x80xi32, #tpu.memory_space<vmem>> -> memref<80xi32, #tpu.memory_space<vmem>>
    %dma_start3A_56 = tpu.memref_slice %arg3[%add3A_47] : memref<320000xi32, #tpu.memory_space<hbm>> -> memref<80xi32, #tpu.memory_space<hbm>>
    tpu.enqueue_dma source(%dma_start3A_56 : memref<80xi32, #tpu.memory_space<hbm>>) target(%dma_start3A_55 : memref<80xi32, #tpu.memory_space<vmem>>) target_semaphore(%arg22 : memref<!tpu.dma_semaphore, #tpu.memory_space<semaphore_mem>>)
    %dma_start3A_57 = arith.constant 2 : i32
    %dma_start3A_58 = arith.constant 0 : i32
    %dma_start3A_59 = tpu.memref_slice %arg8[%dma_start3A_57, %dma_start3A_58] : memref<6x80xi32, #tpu.memory_space<vmem>> -> memref<1x80xi32, #tpu.memory_space<vmem>>
    %dma_start3A_60 = tpu.memref_squeeze %dma_start3A_59 : memref<1x80xi32, #tpu.memory_space<vmem>> -> memref<80xi32, #tpu.memory_space<vmem>>
    %dma_start3A_61 = tpu.memref_slice %arg4[%add3A_47] : memref<320000xi32, #tpu.memory_space<hbm>> -> memref<80xi32, #tpu.memory_space<hbm>>
    %dma_start3A_62 = arith.constant 0 : i32
    %dma_start3A_63 = tpu.memref_slice %arg8[%dma_start3A_57, %dma_start3A_62] : memref<6x80xi32, #tpu.memory_space<vmem>> -> memref<1x80xi32, #tpu.memory_space<vmem>>
    %dma_start3A_64 = tpu.memref_squeeze %dma_start3A_63 : memref<1x80xi32, #tpu.memory_space<vmem>> -> memref<80xi32, #tpu.memory_space<vmem>>
    %dma_start3A_65 = tpu.memref_slice %arg4[%add3A_47] : memref<320000xi32, #tpu.memory_space<hbm>> -> memref<80xi32, #tpu.memory_space<hbm>>
    tpu.enqueue_dma source(%dma_start3A_65 : memref<80xi32, #tpu.memory_space<hbm>>) target(%dma_start3A_64 : memref<80xi32, #tpu.memory_space<vmem>>) target_semaphore(%arg22 : memref<!tpu.dma_semaphore, #tpu.memory_space<semaphore_mem>>)
    %mul3A_66 = arith.constant 10000 : i32
    %mul3A_67 = arith.muli %add3A, %mul3A_66 : i32
    %add3A_68 = arith.constant 240 : i32
    %add3A_69 = arith.addi %mul3A_67, %add3A_68 : i32
    %dma_start3A_70 = arith.constant 3 : i32
    %dma_start3A_71 = arith.constant 0 : i32
    %dma_start3A_72 = tpu.memref_slice %arg7[%dma_start3A_70, %dma_start3A_71] : memref<6x80xi32, #tpu.memory_space<vmem>> -> memref<1x80xi32, #tpu.memory_space<vmem>>
    %dma_start3A_73 = tpu.memref_squeeze %dma_start3A_72 : memref<1x80xi32, #tpu.memory_space<vmem>> -> memref<80xi32, #tpu.memory_space<vmem>>
    %dma_start3A_74 = tpu.memref_slice %arg3[%add3A_69] : memref<320000xi32, #tpu.memory_space<hbm>> -> memref<80xi32, #tpu.memory_space<hbm>>
    %dma_start3A_75 = arith.constant 0 : i32
    %dma_start3A_76 = tpu.memref_slice %arg7[%dma_start3A_70, %dma_start3A_75] : memref<6x80xi32, #tpu.memory_space<vmem>> -> memref<1x80xi32, #tpu.memory_space<vmem>>
    %dma_start3A_77 = tpu.memref_squeeze %dma_start3A_76 : memref<1x80xi32, #tpu.memory_space<vmem>> -> memref<80xi32, #tpu.memory_space<vmem>>
    %dma_start3A_78 = tpu.memref_slice %arg3[%add3A_69] : memref<320000xi32, #tpu.memory_space<hbm>> -> memref<80xi32, #tpu.memory_space<hbm>>
    tpu.enqueue_dma source(%dma_start3A_78 : memref<80xi32, #tpu.memory_space<hbm>>) target(%dma_start3A_77 : memref<80xi32, #tpu.memory_space<vmem>>) target_semaphore(%arg20 : memref<!tpu.dma_semaphore, #tpu.memory_space<semaphore_mem>>)
    %dma_start3A_79 = arith.constant 3 : i32
    %dma_start3A_80 = arith.constant 0 : i32
    %dma_start3A_81 = tpu.memref_slice %arg8[%dma_start3A_79, %dma_start3A_80] : memref<6x80xi32, #tpu.memory_space<vmem>> -> memref<1x80xi32, #tpu.memory_space<vmem>>
    %dma_start3A_82 = tpu.memref_squeeze %dma_start3A_81 : memref<1x80xi32, #tpu.memory_space<vmem>> -> memref<80xi32, #tpu.memory_space<vmem>>
    %dma_start3A_83 = tpu.memref_slice %arg4[%add3A_69] : memref<320000xi32, #tpu.memory_space<hbm>> -> memref<80xi32, #tpu.memory_space<hbm>>
    %dma_start3A_84 = arith.constant 0 : i32
    %dma_start3A_85 = tpu.memref_slice %arg8[%dma_start3A_79, %dma_start3A_84] : memref<6x80xi32, #tpu.memory_space<vmem>> -> memref<1x80xi32, #tpu.memory_space<vmem>>
    %dma_start3A_86 = tpu.memref_squeeze %dma_start3A_85 : memref<1x80xi32, #tpu.memory_space<vmem>> -> memref<80xi32, #tpu.memory_space<vmem>>
    %dma_start3A_87 = tpu.memref_slice %arg4[%add3A_69] : memref<320000xi32, #tpu.memory_space<hbm>> -> memref<80xi32, #tpu.memory_space<hbm>>
    tpu.enqueue_dma source(%dma_start3A_87 : memref<80xi32, #tpu.memory_space<hbm>>) target(%dma_start3A_86 : memref<80xi32, #tpu.memory_space<vmem>>) target_semaphore(%arg20 : memref<!tpu.dma_semaphore, #tpu.memory_space<semaphore_mem>>)
    %mul3A_88 = arith.constant 10000 : i32
    %mul3A_89 = arith.muli %add3A, %mul3A_88 : i32
    %add3A_90 = arith.constant 320 : i32
    %add3A_91 = arith.addi %mul3A_89, %add3A_90 : i32
    %dma_start3A_92 = arith.constant 4 : i32
    %dma_start3A_93 = arith.constant 0 : i32
    %dma_start3A_94 = tpu.memref_slice %arg7[%dma_start3A_92, %dma_start3A_93] : memref<6x80xi32, #tpu.memory_space<vmem>> -> memref<1x80xi32, #tpu.memory_space<vmem>>
    %dma_start3A_95 = tpu.memref_squeeze %dma_start3A_94 : memref<1x80xi32, #tpu.memory_space<vmem>> -> memref<80xi32, #tpu.memory_space<vmem>>
    %dma_start3A_96 = tpu.memref_slice %arg3[%add3A_91] : memref<320000xi32, #tpu.memory_space<hbm>> -> memref<80xi32, #tpu.memory_space<hbm>>
    %dma_start3A_97 = arith.constant 0 : i32
    %dma_start3A_98 = tpu.memref_slice %arg7[%dma_start3A_92, %dma_start3A_97] : memref<6x80xi32, #tpu.memory_space<vmem>> -> memref<1x80xi32, #tpu.memory_space<vmem>>
    %dma_start3A_99 = tpu.memref_squeeze %dma_start3A_98 : memref<1x80xi32, #tpu.memory_space<vmem>> -> memref<80xi32, #tpu.memory_space<vmem>>
    %dma_start3A_100 = tpu.memref_slice %arg3[%add3A_91] : memref<320000xi32, #tpu.memory_space<hbm>> -> memref<80xi32, #tpu.memory_space<hbm>>
    tpu.enqueue_dma source(%dma_start3A_100 : memref<80xi32, #tpu.memory_space<hbm>>) target(%dma_start3A_99 : memref<80xi32, #tpu.memory_space<vmem>>) target_semaphore(%arg21 : memref<!tpu.dma_semaphore, #tpu.memory_space<semaphore_mem>>)
    %dma_start3A_101 = arith.constant 4 : i32
    %dma_start3A_102 = arith.constant 0 : i32
    %dma_start3A_103 = tpu.memref_slice %arg8[%dma_start3A_101, %dma_start3A_102] : memref<6x80xi32, #tpu.memory_space<vmem>> -> memref<1x80xi32, #tpu.memory_space<vmem>>
    %dma_start3A_104 = tpu.memref_squeeze %dma_start3A_103 : memref<1x80xi32, #tpu.memory_space<vmem>> -> memref<80xi32, #tpu.memory_space<vmem>>
    %dma_start3A_105 = tpu.memref_slice %arg4[%add3A_91] : memref<320000xi32, #tpu.memory_space<hbm>> -> memref<80xi32, #tpu.memory_space<hbm>>
    %dma_start3A_106 = arith.constant 0 : i32
    %dma_start3A_107 = tpu.memref_slice %arg8[%dma_start3A_101, %dma_start3A_106] : memref<6x80xi32, #tpu.memory_space<vmem>> -> memref<1x80xi32, #tpu.memory_space<vmem>>
    %dma_start3A_108 = tpu.memref_squeeze %dma_start3A_107 : memref<1x80xi32, #tpu.memory_space<vmem>> -> memref<80xi32, #tpu.memory_space<vmem>>
    %dma_start3A_109 = tpu.memref_slice %arg4[%add3A_91] : memref<320000xi32, #tpu.memory_space<hbm>> -> memref<80xi32, #tpu.memory_space<hbm>>
    tpu.enqueue_dma source(%dma_start3A_109 : memref<80xi32, #tpu.memory_space<hbm>>) target(%dma_start3A_108 : memref<80xi32, #tpu.memory_space<vmem>>) target_semaphore(%arg21 : memref<!tpu.dma_semaphore, #tpu.memory_space<semaphore_mem>>)
    %broadcast_in_dim3A = arith.constant 0.000000e+00 : f32
    %broadcast_in_dim3A_110 = vector.broadcast %broadcast_in_dim3A : f32 to vector<16xf32>
    %broadcast_in_dim3A_111 = arith.constant 1.000000e+00 : f32
    %broadcast_in_dim3A_112 = vector.broadcast %broadcast_in_dim3A_111 : f32 to vector<16xf32>
    %scan3A = arith.constant 0 : i32
    %scan3A_113 = arith.constant 0 : i32
    %scan3A_114 = arith.constant 32 : i32
    %scan3A_115 = arith.addi %scan3A_113, %scan3A_114 : i32
    %scan3A_116 = arith.constant 1 : i32
    scf.for %scan3A_261 = %scan3A_113 to %scan3A_115 step %scan3A_116  : i32 {
      %swap3A_262 = arith.index_cast %scan3A_261 : i32 to index
      %swap3A_263 = arith.constant 0 : index
      %swap3A_264 = tpu.vector_load %arg13[%swap3A_262, %swap3A_263] {strides = array<i32>} : memref<32x128xf32, #tpu.memory_space<vmem>>, vector<1x16xf32>,
      %swap3A_265 = vector.shape_cast %swap3A_264 : vector<1x16xf32> to vector<16xf32>
      %swap3A_266 = vector.shape_cast %broadcast_in_dim3A_110 : vector<16xf32> to vector<1x16xf32>
      tpu.vector_store %arg13[%swap3A_262, %swap3A_263], %swap3A_266 {strides = array<i32>} : memref<32x128xf32, #tpu.memory_space<vmem>>, vector<1x16xf32>,
      %swap3A_267 = arith.index_cast %scan3A_261 : i32 to index
      %swap3A_268 = arith.constant 16 : index
      %swap3A_269 = tpu.vector_load %arg13[%swap3A_267, %swap3A_268] {strides = array<i32>} : memref<32x128xf32, #tpu.memory_space<vmem>>, vector<1x16xf32>,
      %swap3A_270 = vector.shape_cast %swap3A_269 : vector<1x16xf32> to vector<16xf32>
      %swap3A_271 = vector.shape_cast %broadcast_in_dim3A_110 : vector<16xf32> to vector<1x16xf32>
      tpu.vector_store %arg13[%swap3A_267, %swap3A_268], %swap3A_271 {strides = array<i32>} : memref<32x128xf32, #tpu.memory_space<vmem>>, vector<1x16xf32>,
      %swap3A_272 = arith.index_cast %scan3A_261 : i32 to index
      %swap3A_273 = arith.constant 32 : index
      %swap3A_274 = tpu.vector_load %arg13[%swap3A_272, %swap3A_273] {strides = array<i32>} : memref<32x128xf32, #tpu.memory_space<vmem>>, vector<1x16xf32>,
      %swap3A_275 = vector.shape_cast %swap3A_274 : vector<1x16xf32> to vector<16xf32>
      %swap3A_276 = vector.shape_cast %broadcast_in_dim3A_110 : vector<16xf32> to vector<1x16xf32>
      tpu.vector_store %arg13[%swap3A_272, %swap3A_273], %swap3A_276 {strides = array<i32>} : memref<32x128xf32, #tpu.memory_space<vmem>>, vector<1x16xf32>,
      %swap3A_277 = arith.index_cast %scan3A_261 : i32 to index
      %swap3A_278 = arith.constant 48 : index
      %swap3A_279 = tpu.vector_load %arg13[%swap3A_277, %swap3A_278] {strides = array<i32>} : memref<32x128xf32, #tpu.memory_space<vmem>>, vector<1x16xf32>,
      %swap3A_280 = vector.shape_cast %swap3A_279 : vector<1x16xf32> to vector<16xf32>
      %swap3A_281 = vector.shape_cast %broadcast_in_dim3A_110 : vector<16xf32> to vector<1x16xf32>
      tpu.vector_store %arg13[%swap3A_277, %swap3A_278], %swap3A_281 {strides = array<i32>} : memref<32x128xf32, #tpu.memory_space<vmem>>, vector<1x16xf32>,
      %swap3A_282 = arith.index_cast %scan3A_261 : i32 to index
      %swap3A_283 = arith.constant 64 : index
      %swap3A_284 = tpu.vector_load %arg13[%swap3A_282, %swap3A_283] {strides = array<i32>} : memref<32x128xf32, #tpu.memory_space<vmem>>, vector<1x16xf32>,
      %swap3A_285 = vector.shape_cast %swap3A_284 : vector<1x16xf32> to vector<16xf32>
      %swap3A_286 = vector.shape_cast %broadcast_in_dim3A_110 : vector<16xf32> to vector<1x16xf32>
      tpu.vector_store %arg13[%swap3A_282, %swap3A_283], %swap3A_286 {strides = array<i32>} : memref<32x128xf32, #tpu.memory_space<vmem>>, vector<1x16xf32>,
      %swap3A_287 = arith.index_cast %scan3A_261 : i32 to index
      %swap3A_288 = arith.constant 80 : index
      %swap3A_289 = tpu.vector_load %arg13[%swap3A_287, %swap3A_288] {strides = array<i32>} : memref<32x128xf32, #tpu.memory_space<vmem>>, vector<1x16xf32>,
      %swap3A_290 = vector.shape_cast %swap3A_289 : vector<1x16xf32> to vector<16xf32>
      %swap3A_291 = vector.shape_cast %broadcast_in_dim3A_110 : vector<16xf32> to vector<1x16xf32>
      tpu.vector_store %arg13[%swap3A_287, %swap3A_288], %swap3A_291 {strides = array<i32>} : memref<32x128xf32, #tpu.memory_space<vmem>>, vector<1x16xf32>,
      %swap3A_292 = arith.index_cast %scan3A_261 : i32 to index
      %swap3A_293 = arith.constant 96 : index
      %swap3A_294 = tpu.vector_load %arg13[%swap3A_292, %swap3A_293] {strides = array<i32>} : memref<32x128xf32, #tpu.memory_space<vmem>>, vector<1x16xf32>,
      %swap3A_295 = vector.shape_cast %swap3A_294 : vector<1x16xf32> to vector<16xf32>
      %swap3A_296 = vector.shape_cast %broadcast_in_dim3A_110 : vector<16xf32> to vector<1x16xf32>
      tpu.vector_store %arg13[%swap3A_292, %swap3A_293], %swap3A_296 {strides = array<i32>} : memref<32x128xf32, #tpu.memory_space<vmem>>, vector<1x16xf32>,
      %swap3A_297 = arith.index_cast %scan3A_261 : i32 to index
      %swap3A_298 = arith.constant 112 : index
      %swap3A_299 = tpu.vector_load %arg13[%swap3A_297, %swap3A_298] {strides = array<i32>} : memref<32x128xf32, #tpu.memory_space<vmem>>, vector<1x16xf32>,
      %swap3A_300 = vector.shape_cast %swap3A_299 : vector<1x16xf32> to vector<16xf32>
      %swap3A_301 = vector.shape_cast %broadcast_in_dim3A_110 : vector<16xf32> to vector<1x16xf32>
      tpu.vector_store %arg13[%swap3A_297, %swap3A_298], %swap3A_301 {strides = array<i32>} : memref<32x128xf32, #tpu.memory_space<vmem>>, vector<1x16xf32>,
    }
    %scan3A_117 = arith.constant 32 : i32
    %scan3A_118 = arith.constant 0 : i32
    %scan3A_119 = arith.constant 0 : i32
    %scan3A_120 = arith.constant 40 : i32
    %scan3A_121 = arith.addi %scan3A_119, %scan3A_120 : i32
    %scan3A_122 = arith.constant 1 : i32
    scf.for %scan3A_261 = %scan3A_119 to %scan3A_121 step %scan3A_122  : i32 {
      %mul3A_262 = arith.constant 16 : i32
      %mul3A_263 = arith.muli %scan3A_261, %mul3A_262 : i32
      %swap3A_264 = arith.index_cast %mul3A_263 : i32 to index
      %swap3A_265 = tpu.vector_load %arg14[%swap3A_264] {strides = array<i32>} : memref<640xf32, #tpu.memory_space<vmem>>, vector<16xf32>,
      %swap3A_266 = vector.shape_cast %swap3A_265 : vector<16xf32> to vector<16xf32>
      %swap3A_267 = vector.shape_cast %broadcast_in_dim3A_110 : vector<16xf32> to vector<16xf32>
      tpu.vector_store %arg14[%swap3A_264], %swap3A_267 {strides = array<i32>} : memref<640xf32, #tpu.memory_space<vmem>>, vector<16xf32>,
    }
    %scan3A_123 = arith.constant 40 : i32
    %swap3A = arith.constant 0 : index
    %swap3A_124 = tpu.vector_load %arg12[%swap3A] {strides = array<i32>} : memref<128xf32, #tpu.memory_space<vmem>>, vector<16xf32>,
    %swap3A_125 = vector.shape_cast %swap3A_124 : vector<16xf32> to vector<16xf32>
    %swap3A_126 = vector.shape_cast %broadcast_in_dim3A_112 : vector<16xf32> to vector<16xf32>
    tpu.vector_store %arg12[%swap3A], %swap3A_126 {strides = array<i32>} : memref<128xf32, #tpu.memory_space<vmem>>, vector<16xf32>,
    %swap3A_127 = arith.constant 16 : index
    %swap3A_128 = tpu.vector_load %arg12[%swap3A_127] {strides = array<i32>} : memref<128xf32, #tpu.memory_space<vmem>>, vector<16xf32>,
    %swap3A_129 = vector.shape_cast %swap3A_128 : vector<16xf32> to vector<16xf32>
    %swap3A_130 = vector.shape_cast %broadcast_in_dim3A_112 : vector<16xf32> to vector<16xf32>
    tpu.vector_store %arg12[%swap3A_127], %swap3A_130 {strides = array<i32>} : memref<128xf32, #tpu.memory_space<vmem>>, vector<16xf32>,
    %swap3A_131 = arith.constant 32 : index
    %swap3A_132 = tpu.vector_load %arg12[%swap3A_131] {strides = array<i32>} : memref<128xf32, #tpu.memory_space<vmem>>, vector<16xf32>,
    %swap3A_133 = vector.shape_cast %swap3A_132 : vector<16xf32> to vector<16xf32>
    %swap3A_134 = vector.shape_cast %broadcast_in_dim3A_112 : vector<16xf32> to vector<16xf32>
    tpu.vector_store %arg12[%swap3A_131], %swap3A_134 {strides = array<i32>} : memref<128xf32, #tpu.memory_space<vmem>>, vector<16xf32>,
    %swap3A_135 = arith.constant 48 : index
    %swap3A_136 = tpu.vector_load %arg12[%swap3A_135] {strides = array<i32>} : memref<128xf32, #tpu.memory_space<vmem>>, vector<16xf32>,
    %swap3A_137 = vector.shape_cast %swap3A_136 : vector<16xf32> to vector<16xf32>
    %swap3A_138 = vector.shape_cast %broadcast_in_dim3A_112 : vector<16xf32> to vector<16xf32>
    tpu.vector_store %arg12[%swap3A_135], %swap3A_138 {strides = array<i32>} : memref<128xf32, #tpu.memory_space<vmem>>, vector<16xf32>,
    %swap3A_139 = arith.constant 64 : index
    %swap3A_140 = tpu.vector_load %arg12[%swap3A_139] {strides = array<i32>} : memref<128xf32, #tpu.memory_space<vmem>>, vector<16xf32>,
    %swap3A_141 = vector.shape_cast %swap3A_140 : vector<16xf32> to vector<16xf32>
    %swap3A_142 = vector.shape_cast %broadcast_in_dim3A_112 : vector<16xf32> to vector<16xf32>
    tpu.vector_store %arg12[%swap3A_139], %swap3A_142 {strides = array<i32>} : memref<128xf32, #tpu.memory_space<vmem>>, vector<16xf32>,
    %swap3A_143 = arith.constant 80 : index
    %swap3A_144 = tpu.vector_load %arg12[%swap3A_143] {strides = array<i32>} : memref<128xf32, #tpu.memory_space<vmem>>, vector<16xf32>,
    %swap3A_145 = vector.shape_cast %swap3A_144 : vector<16xf32> to vector<16xf32>
    %swap3A_146 = vector.shape_cast %broadcast_in_dim3A_112 : vector<16xf32> to vector<16xf32>
    tpu.vector_store %arg12[%swap3A_143], %swap3A_146 {strides = array<i32>} : memref<128xf32, #tpu.memory_space<vmem>>, vector<16xf32>,
    %swap3A_147 = arith.constant 96 : index
    %swap3A_148 = tpu.vector_load %arg12[%swap3A_147] {strides = array<i32>} : memref<128xf32, #tpu.memory_space<vmem>>, vector<16xf32>,
    %swap3A_149 = vector.shape_cast %swap3A_148 : vector<16xf32> to vector<16xf32>
    %swap3A_150 = vector.shape_cast %broadcast_in_dim3A_112 : vector<16xf32> to vector<16xf32>
    tpu.vector_store %arg12[%swap3A_147], %swap3A_150 {strides = array<i32>} : memref<128xf32, #tpu.memory_space<vmem>>, vector<16xf32>,
    %swap3A_151 = arith.constant 112 : index
    %swap3A_152 = tpu.vector_load %arg12[%swap3A_151] {strides = array<i32>} : memref<128xf32, #tpu.memory_space<vmem>>, vector<16xf32>,
    %swap3A_153 = vector.shape_cast %swap3A_152 : vector<16xf32> to vector<16xf32>
    %swap3A_154 = vector.shape_cast %broadcast_in_dim3A_112 : vector<16xf32> to vector<16xf32>
    tpu.vector_store %arg12[%swap3A_151], %swap3A_154 {strides = array<i32>} : memref<128xf32, #tpu.memory_space<vmem>>, vector<16xf32>,
    %mul3A_155 = arith.constant 640 : i32
    %mul3A_156 = arith.muli %arg1, %mul3A_155 : i32
    %add3A_157 = arith.constant 0 : i32
    %add3A_158 = arith.addi %mul3A_156, %add3A_157 : i32
    "tpu.region"() ({
      %run_scoped3A = tpu.sem_alloc : memref<!tpu.dma_semaphore, #tpu.memory_space<semaphore_mem>>
      %dma_start3A_261 = arith.constant 0 : i32
      %dma_start3A_262 = tpu.memref_slice %arg15[%add3A_158, %dma_start3A_261] : memref<10240x128xf32, #tpu.memory_space<vmem_shared>> -> memref<32x128xf32, #tpu.memory_space<vmem_shared>>
      %dma_start3A_263 = arith.constant 0 : i32
      %dma_start3A_264 = tpu.memref_slice %arg15[%add3A_158, %dma_start3A_263] : memref<10240x128xf32, #tpu.memory_space<vmem_shared>> -> memref<32x128xf32, #tpu.memory_space<vmem_shared>>
      tpu.enqueue_dma source(%arg13 : memref<32x128xf32, #tpu.memory_space<vmem>>) target(%dma_start3A_264 : memref<32x128xf32, #tpu.memory_space<vmem_shared>>) target_semaphore(%run_scoped3A : memref<!tpu.dma_semaphore, #tpu.memory_space<semaphore_mem>>)
      %dma_wait3A_265 = arith.constant 0 : i32
      %dma_wait3A_266 = tpu.memref_slice %arg15[%add3A_158, %dma_wait3A_265] : memref<10240x128xf32, #tpu.memory_space<vmem_shared>> -> memref<32x128xf32, #tpu.memory_space<vmem_shared>>
      %dma_wait3A_267 = arith.constant 0 : i32
      %dma_wait3A_268 = tpu.memref_slice %arg15[%add3A_158, %dma_wait3A_267] : memref<10240x128xf32, #tpu.memory_space<vmem_shared>> -> memref<32x128xf32, #tpu.memory_space<vmem_shared>>
      tpu.wait_dma2 semaphore(%run_scoped3A : memref<!tpu.dma_semaphore, #tpu.memory_space<semaphore_mem>>) src(%arg13 : memref<32x128xf32, #tpu.memory_space<vmem>>) dst(%dma_wait3A_268 : memref<32x128xf32, #tpu.memory_space<vmem_shared>>)
      tpu.yield
    }) : () -> ()
    %add3A_159 = arith.constant 32 : i32
    %add3A_160 = arith.addi %mul3A_156, %add3A_159 : i32
    "tpu.region"() ({
      %run_scoped3A = tpu.sem_alloc : memref<!tpu.dma_semaphore, #tpu.memory_space<semaphore_mem>>
      %dma_start3A_261 = arith.constant 0 : i32
      %dma_start3A_262 = tpu.memref_slice %arg15[%add3A_160, %dma_start3A_261] : memref<10240x128xf32, #tpu.memory_space<vmem_shared>> -> memref<32x128xf32, #tpu.memory_space<vmem_shared>>
      %dma_start3A_263 = arith.constant 0 : i32
      %dma_start3A_264 = tpu.memref_slice %arg15[%add3A_160, %dma_start3A_263] : memref<10240x128xf32, #tpu.memory_space<vmem_shared>> -> memref<32x128xf32, #tpu.memory_space<vmem_shared>>
      tpu.enqueue_dma source(%arg13 : memref<32x128xf32, #tpu.memory_space<vmem>>) target(%dma_start3A_264 : memref<32x128xf32, #tpu.memory_space<vmem_shared>>) target_semaphore(%run_scoped3A : memref<!tpu.dma_semaphore, #tpu.memory_space<semaphore_mem>>)
      %dma_wait3A_265 = arith.constant 0 : i32
      %dma_wait3A_266 = tpu.memref_slice %arg15[%add3A_160, %dma_wait3A_265] : memref<10240x128xf32, #tpu.memory_space<vmem_shared>> -> memref<32x128xf32, #tpu.memory_space<vmem_shared>>
      %dma_wait3A_267 = arith.constant 0 : i32
      %dma_wait3A_268 = tpu.memref_slice %arg15[%add3A_160, %dma_wait3A_267] : memref<10240x128xf32, #tpu.memory_space<vmem_shared>> -> memref<32x128xf32, #tpu.memory_space<vmem_shared>>
      tpu.wait_dma2 semaphore(%run_scoped3A : memref<!tpu.dma_semaphore, #tpu.memory_space<semaphore_mem>>) src(%arg13 : memref<32x128xf32, #tpu.memory_space<vmem>>) dst(%dma_wait3A_268 : memref<32x128xf32, #tpu.memory_space<vmem_shared>>)
      tpu.yield
    }) : () -> ()
    %add3A_161 = arith.constant 64 : i32
    %add3A_162 = arith.addi %mul3A_156, %add3A_161 : i32
    "tpu.region"() ({
      %run_scoped3A = tpu.sem_alloc : memref<!tpu.dma_semaphore, #tpu.memory_space<semaphore_mem>>
      %dma_start3A_261 = arith.constant 0 : i32
      %dma_start3A_262 = tpu.memref_slice %arg15[%add3A_162, %dma_start3A_261] : memref<10240x128xf32, #tpu.memory_space<vmem_shared>> -> memref<32x128xf32, #tpu.memory_space<vmem_shared>>
      %dma_start3A_263 = arith.constant 0 : i32
      %dma_start3A_264 = tpu.memref_slice %arg15[%add3A_162, %dma_start3A_263] : memref<10240x128xf32, #tpu.memory_space<vmem_shared>> -> memref<32x128xf32, #tpu.memory_space<vmem_shared>>
      tpu.enqueue_dma source(%arg13 : memref<32x128xf32, #tpu.memory_space<vmem>>) target(%dma_start3A_264 : memref<32x128xf32, #tpu.memory_space<vmem_shared>>) target_semaphore(%run_scoped3A : memref<!tpu.dma_semaphore, #tpu.memory_space<semaphore_mem>>)
      %dma_wait3A_265 = arith.constant 0 : i32
      %dma_wait3A_266 = tpu.memref_slice %arg15[%add3A_162, %dma_wait3A_265] : memref<10240x128xf32, #tpu.memory_space<vmem_shared>> -> memref<32x128xf32, #tpu.memory_space<vmem_shared>>
      %dma_wait3A_267 = arith.constant 0 : i32
      %dma_wait3A_268 = tpu.memref_slice %arg15[%add3A_162, %dma_wait3A_267] : memref<10240x128xf32, #tpu.memory_space<vmem_shared>> -> memref<32x128xf32, #tpu.memory_space<vmem_shared>>
      tpu.wait_dma2 semaphore(%run_scoped3A : memref<!tpu.dma_semaphore, #tpu.memory_space<semaphore_mem>>) src(%arg13 : memref<32x128xf32, #tpu.memory_space<vmem>>) dst(%dma_wait3A_268 : memref<32x128xf32, #tpu.memory_space<vmem_shared>>)
      tpu.yield
    }) : () -> ()
    %add3A_163 = arith.constant 96 : i32
    %add3A_164 = arith.addi %mul3A_156, %add3A_163 : i32
    "tpu.region"() ({
      %run_scoped3A = tpu.sem_alloc : memref<!tpu.dma_semaphore, #tpu.memory_space<semaphore_mem>>
      %dma_start3A_261 = arith.constant 0 : i32
      %dma_start3A_262 = tpu.memref_slice %arg15[%add3A_164, %dma_start3A_261] : memref<10240x128xf32, #tpu.memory_space<vmem_shared>> -> memref<32x128xf32, #tpu.memory_space<vmem_shared>>
      %dma_start3A_263 = arith.constant 0 : i32
      %dma_start3A_264 = tpu.memref_slice %arg15[%add3A_164, %dma_start3A_263] : memref<10240x128xf32, #tpu.memory_space<vmem_shared>> -> memref<32x128xf32, #tpu.memory_space<vmem_shared>>
      tpu.enqueue_dma source(%arg13 : memref<32x128xf32, #tpu.memory_space<vmem>>) target(%dma_start3A_264 : memref<32x128xf32, #tpu.memory_space<vmem_shared>>) target_semaphore(%run_scoped3A : memref<!tpu.dma_semaphore, #tpu.memory_space<semaphore_mem>>)
      %dma_wait3A_265 = arith.constant 0 : i32
      %dma_wait3A_266 = tpu.memref_slice %arg15[%add3A_164, %dma_wait3A_265] : memref<10240x128xf32, #tpu.memory_space<vmem_shared>> -> memref<32x128xf32, #tpu.memory_space<vmem_shared>>
      %dma_wait3A_267 = arith.constant 0 : i32
      %dma_wait3A_268 = tpu.memref_slice %arg15[%add3A_164, %dma_wait3A_267] : memref<10240x128xf32, #tpu.memory_space<vmem_shared>> -> memref<32x128xf32, #tpu.memory_space<vmem_shared>>
      tpu.wait_dma2 semaphore(%run_scoped3A : memref<!tpu.dma_semaphore, #tpu.memory_space<semaphore_mem>>) src(%arg13 : memref<32x128xf32, #tpu.memory_space<vmem>>) dst(%dma_wait3A_268 : memref<32x128xf32, #tpu.memory_space<vmem_shared>>)
      tpu.yield
    }) : () -> ()
    %add3A_165 = arith.constant 128 : i32
    %add3A_166 = arith.addi %mul3A_156, %add3A_165 : i32
    "tpu.region"() ({
      %run_scoped3A = tpu.sem_alloc : memref<!tpu.dma_semaphore, #tpu.memory_space<semaphore_mem>>
      %dma_start3A_261 = arith.constant 0 : i32
      %dma_start3A_262 = tpu.memref_slice %arg15[%add3A_166, %dma_start3A_261] : memref<10240x128xf32, #tpu.memory_space<vmem_shared>> -> memref<32x128xf32, #tpu.memory_space<vmem_shared>>
      %dma_start3A_263 = arith.constant 0 : i32
      %dma_start3A_264 = tpu.memref_slice %arg15[%add3A_166, %dma_start3A_263] : memref<10240x128xf32, #tpu.memory_space<vmem_shared>> -> memref<32x128xf32, #tpu.memory_space<vmem_shared>>
      tpu.enqueue_dma source(%arg13 : memref<32x128xf32, #tpu.memory_space<vmem>>) target(%dma_start3A_264 : memref<32x128xf32, #tpu.memory_space<vmem_shared>>) target_semaphore(%run_scoped3A : memref<!tpu.dma_semaphore, #tpu.memory_space<semaphore_mem>>)
      %dma_wait3A_265 = arith.constant 0 : i32
      %dma_wait3A_266 = tpu.memref_slice %arg15[%add3A_166, %dma_wait3A_265] : memref<10240x128xf32, #tpu.memory_space<vmem_shared>> -> memref<32x128xf32, #tpu.memory_space<vmem_shared>>
      %dma_wait3A_267 = arith.constant 0 : i32
      %dma_wait3A_268 = tpu.memref_slice %arg15[%add3A_166, %dma_wait3A_267] : memref<10240x128xf32, #tpu.memory_space<vmem_shared>> -> memref<32x128xf32, #tpu.memory_space<vmem_shared>>
      tpu.wait_dma2 semaphore(%run_scoped3A : memref<!tpu.dma_semaphore, #tpu.memory_space<semaphore_mem>>) src(%arg13 : memref<32x128xf32, #tpu.memory_space<vmem>>) dst(%dma_wait3A_268 : memref<32x128xf32, #tpu.memory_space<vmem_shared>>)
      tpu.yield
    }) : () -> ()
    %add3A_167 = arith.constant 160 : i32
    %add3A_168 = arith.addi %mul3A_156, %add3A_167 : i32
    "tpu.region"() ({
      %run_scoped3A = tpu.sem_alloc : memref<!tpu.dma_semaphore, #tpu.memory_space<semaphore_mem>>
      %dma_start3A_261 = arith.constant 0 : i32
      %dma_start3A_262 = tpu.memref_slice %arg15[%add3A_168, %dma_start3A_261] : memref<10240x128xf32, #tpu.memory_space<vmem_shared>> -> memref<32x128xf32, #tpu.memory_space<vmem_shared>>
      %dma_start3A_263 = arith.constant 0 : i32
      %dma_start3A_264 = tpu.memref_slice %arg15[%add3A_168, %dma_start3A_263] : memref<10240x128xf32, #tpu.memory_space<vmem_shared>> -> memref<32x128xf32, #tpu.memory_space<vmem_shared>>
      tpu.enqueue_dma source(%arg13 : memref<32x128xf32, #tpu.memory_space<vmem>>) target(%dma_start3A_264 : memref<32x128xf32, #tpu.memory_space<vmem_shared>>) target_semaphore(%run_scoped3A : memref<!tpu.dma_semaphore, #tpu.memory_space<semaphore_mem>>)
      %dma_wait3A_265 = arith.constant 0 : i32
      %dma_wait3A_266 = tpu.memref_slice %arg15[%add3A_168, %dma_wait3A_265] : memref<10240x128xf32, #tpu.memory_space<vmem_shared>> -> memref<32x128xf32, #tpu.memory_space<vmem_shared>>
      %dma_wait3A_267 = arith.constant 0 : i32
      %dma_wait3A_268 = tpu.memref_slice %arg15[%add3A_168, %dma_wait3A_267] : memref<10240x128xf32, #tpu.memory_space<vmem_shared>> -> memref<32x128xf32, #tpu.memory_space<vmem_shared>>
      tpu.wait_dma2 semaphore(%run_scoped3A : memref<!tpu.dma_semaphore, #tpu.memory_space<semaphore_mem>>) src(%arg13 : memref<32x128xf32, #tpu.memory_space<vmem>>) dst(%dma_wait3A_268 : memref<32x128xf32, #tpu.memory_space<vmem_shared>>)
      tpu.yield
    }) : () -> ()
    %add3A_169 = arith.constant 192 : i32
    %add3A_170 = arith.addi %mul3A_156, %add3A_169 : i32
    "tpu.region"() ({
      %run_scoped3A = tpu.sem_alloc : memref<!tpu.dma_semaphore, #tpu.memory_space<semaphore_mem>>
      %dma_start3A_261 = arith.constant 0 : i32
      %dma_start3A_262 = tpu.memref_slice %arg15[%add3A_170, %dma_start3A_261] : memref<10240x128xf32, #tpu.memory_space<vmem_shared>> -> memref<32x128xf32, #tpu.memory_space<vmem_shared>>
      %dma_start3A_263 = arith.constant 0 : i32
      %dma_start3A_264 = tpu.memref_slice %arg15[%add3A_170, %dma_start3A_263] : memref<10240x128xf32, #tpu.memory_space<vmem_shared>> -> memref<32x128xf32, #tpu.memory_space<vmem_shared>>
      tpu.enqueue_dma source(%arg13 : memref<32x128xf32, #tpu.memory_space<vmem>>) target(%dma_start3A_264 : memref<32x128xf32, #tpu.memory_space<vmem_shared>>) target_semaphore(%run_scoped3A : memref<!tpu.dma_semaphore, #tpu.memory_space<semaphore_mem>>)
      %dma_wait3A_265 = arith.constant 0 : i32
      %dma_wait3A_266 = tpu.memref_slice %arg15[%add3A_170, %dma_wait3A_265] : memref<10240x128xf32, #tpu.memory_space<vmem_shared>> -> memref<32x128xf32, #tpu.memory_space<vmem_shared>>
      %dma_wait3A_267 = arith.constant 0 : i32
      %dma_wait3A_268 = tpu.memref_slice %arg15[%add3A_170, %dma_wait3A_267] : memref<10240x128xf32, #tpu.memory_space<vmem_shared>> -> memref<32x128xf32, #tpu.memory_space<vmem_shared>>
      tpu.wait_dma2 semaphore(%run_scoped3A : memref<!tpu.dma_semaphore, #tpu.memory_space<semaphore_mem>>) src(%arg13 : memref<32x128xf32, #tpu.memory_space<vmem>>) dst(%dma_wait3A_268 : memref<32x128xf32, #tpu.memory_space<vmem_shared>>)
      tpu.yield
    }) : () -> ()
    %add3A_171 = arith.constant 224 : i32
    %add3A_172 = arith.addi %mul3A_156, %add3A_171 : i32
    "tpu.region"() ({
      %run_scoped3A = tpu.sem_alloc : memref<!tpu.dma_semaphore, #tpu.memory_space<semaphore_mem>>
      %dma_start3A_261 = arith.constant 0 : i32
      %dma_start3A_262 = tpu.memref_slice %arg15[%add3A_172, %dma_start3A_261] : memref<10240x128xf32, #tpu.memory_space<vmem_shared>> -> memref<32x128xf32, #tpu.memory_space<vmem_shared>>
      %dma_start3A_263 = arith.constant 0 : i32
      %dma_start3A_264 = tpu.memref_slice %arg15[%add3A_172, %dma_start3A_263] : memref<10240x128xf32, #tpu.memory_space<vmem_shared>> -> memref<32x128xf32, #tpu.memory_space<vmem_shared>>
      tpu.enqueue_dma source(%arg13 : memref<32x128xf32, #tpu.memory_space<vmem>>) target(%dma_start3A_264 : memref<32x128xf32, #tpu.memory_space<vmem_shared>>) target_semaphore(%run_scoped3A : memref<!tpu.dma_semaphore, #tpu.memory_space<semaphore_mem>>)
      %dma_wait3A_265 = arith.constant 0 : i32
      %dma_wait3A_266 = tpu.memref_slice %arg15[%add3A_172, %dma_wait3A_265] : memref<10240x128xf32, #tpu.memory_space<vmem_shared>> -> memref<32x128xf32, #tpu.memory_space<vmem_shared>>
      %dma_wait3A_267 = arith.constant 0 : i32
      %dma_wait3A_268 = tpu.memref_slice %arg15[%add3A_172, %dma_wait3A_267] : memref<10240x128xf32, #tpu.memory_space<vmem_shared>> -> memref<32x128xf32, #tpu.memory_space<vmem_shared>>
      tpu.wait_dma2 semaphore(%run_scoped3A : memref<!tpu.dma_semaphore, #tpu.memory_space<semaphore_mem>>) src(%arg13 : memref<32x128xf32, #tpu.memory_space<vmem>>) dst(%dma_wait3A_268 : memref<32x128xf32, #tpu.memory_space<vmem_shared>>)
      tpu.yield
    }) : () -> ()
    %add3A_173 = arith.constant 256 : i32
    %add3A_174 = arith.addi %mul3A_156, %add3A_173 : i32
    "tpu.region"() ({
      %run_scoped3A = tpu.sem_alloc : memref<!tpu.dma_semaphore, #tpu.memory_space<semaphore_mem>>
      %dma_start3A_261 = arith.constant 0 : i32
      %dma_start3A_262 = tpu.memref_slice %arg15[%add3A_174, %dma_start3A_261] : memref<10240x128xf32, #tpu.memory_space<vmem_shared>> -> memref<32x128xf32, #tpu.memory_space<vmem_shared>>
      %dma_start3A_263 = arith.constant 0 : i32
      %dma_start3A_264 = tpu.memref_slice %arg15[%add3A_174, %dma_start3A_263] : memref<10240x128xf32, #tpu.memory_space<vmem_shared>> -> memref<32x128xf32, #tpu.memory_space<vmem_shared>>
      tpu.enqueue_dma source(%arg13 : memref<32x128xf32, #tpu.memory_space<vmem>>) target(%dma_start3A_264 : memref<32x128xf32, #tpu.memory_space<vmem_shared>>) target_semaphore(%run_scoped3A : memref<!tpu.dma_semaphore, #tpu.memory_space<semaphore_mem>>)
      %dma_wait3A_265 = arith.constant 0 : i32
      %dma_wait3A_266 = tpu.memref_slice %arg15[%add3A_174, %dma_wait3A_265] : memref<10240x128xf32, #tpu.memory_space<vmem_shared>> -> memref<32x128xf32, #tpu.memory_space<vmem_shared>>
      %dma_wait3A_267 = arith.constant 0 : i32
      %dma_wait3A_268 = tpu.memref_slice %arg15[%add3A_174, %dma_wait3A_267] : memref<10240x128xf32, #tpu.memory_space<vmem_shared>> -> memref<32x128xf32, #tpu.memory_space<vmem_shared>>
      tpu.wait_dma2 semaphore(%run_scoped3A : memref<!tpu.dma_semaphore, #tpu.memory_space<semaphore_mem>>) src(%arg13 : memref<32x128xf32, #tpu.memory_space<vmem>>) dst(%dma_wait3A_268 : memref<32x128xf32, #tpu.memory_space<vmem_shared>>)
      tpu.yield
    }) : () -> ()
    %add3A_175 = arith.constant 288 : i32
    %add3A_176 = arith.addi %mul3A_156, %add3A_175 : i32
    "tpu.region"() ({
      %run_scoped3A = tpu.sem_alloc : memref<!tpu.dma_semaphore, #tpu.memory_space<semaphore_mem>>
      %dma_start3A_261 = arith.constant 0 : i32
      %dma_start3A_262 = tpu.memref_slice %arg15[%add3A_176, %dma_start3A_261] : memref<10240x128xf32, #tpu.memory_space<vmem_shared>> -> memref<32x128xf32, #tpu.memory_space<vmem_shared>>
      %dma_start3A_263 = arith.constant 0 : i32
      %dma_start3A_264 = tpu.memref_slice %arg15[%add3A_176, %dma_start3A_263] : memref<10240x128xf32, #tpu.memory_space<vmem_shared>> -> memref<32x128xf32, #tpu.memory_space<vmem_shared>>
      tpu.enqueue_dma source(%arg13 : memref<32x128xf32, #tpu.memory_space<vmem>>) target(%dma_start3A_264 : memref<32x128xf32, #tpu.memory_space<vmem_shared>>) target_semaphore(%run_scoped3A : memref<!tpu.dma_semaphore, #tpu.memory_space<semaphore_mem>>)
      %dma_wait3A_265 = arith.constant 0 : i32
      %dma_wait3A_266 = tpu.memref_slice %arg15[%add3A_176, %dma_wait3A_265] : memref<10240x128xf32, #tpu.memory_space<vmem_shared>> -> memref<32x128xf32, #tpu.memory_space<vmem_shared>>
      %dma_wait3A_267 = arith.constant 0 : i32
      %dma_wait3A_268 = tpu.memref_slice %arg15[%add3A_176, %dma_wait3A_267] : memref<10240x128xf32, #tpu.memory_space<vmem_shared>> -> memref<32x128xf32, #tpu.memory_space<vmem_shared>>
      tpu.wait_dma2 semaphore(%run_scoped3A : memref<!tpu.dma_semaphore, #tpu.memory_space<semaphore_mem>>) src(%arg13 : memref<32x128xf32, #tpu.memory_space<vmem>>) dst(%dma_wait3A_268 : memref<32x128xf32, #tpu.memory_space<vmem_shared>>)
      tpu.yield
    }) : () -> ()
    %add3A_177 = arith.constant 320 : i32
    %add3A_178 = arith.addi %mul3A_156, %add3A_177 : i32
    "tpu.region"() ({
      %run_scoped3A = tpu.sem_alloc : memref<!tpu.dma_semaphore, #tpu.memory_space<semaphore_mem>>
      %dma_start3A_261 = arith.constant 0 : i32
      %dma_start3A_262 = tpu.memref_slice %arg15[%add3A_178, %dma_start3A_261] : memref<10240x128xf32, #tpu.memory_space<vmem_shared>> -> memref<32x128xf32, #tpu.memory_space<vmem_shared>>
      %dma_start3A_263 = arith.constant 0 : i32
      %dma_start3A_264 = tpu.memref_slice %arg15[%add3A_178, %dma_start3A_263] : memref<10240x128xf32, #tpu.memory_space<vmem_shared>> -> memref<32x128xf32, #tpu.memory_space<vmem_shared>>
      tpu.enqueue_dma source(%arg13 : memref<32x128xf32, #tpu.memory_space<vmem>>) target(%dma_start3A_264 : memref<32x128xf32, #tpu.memory_space<vmem_shared>>) target_semaphore(%run_scoped3A : memref<!tpu.dma_semaphore, #tpu.memory_space<semaphore_mem>>)
      %dma_wait3A_265 = arith.constant 0 : i32
      %dma_wait3A_266 = tpu.memref_slice %arg15[%add3A_178, %dma_wait3A_265] : memref<10240x128xf32, #tpu.memory_space<vmem_shared>> -> memref<32x128xf32, #tpu.memory_space<vmem_shared>>
      %dma_wait3A_267 = arith.constant 0 : i32
      %dma_wait3A_268 = tpu.memref_slice %arg15[%add3A_178, %dma_wait3A_267] : memref<10240x128xf32, #tpu.memory_space<vmem_shared>> -> memref<32x128xf32, #tpu.memory_space<vmem_shared>>
      tpu.wait_dma2 semaphore(%run_scoped3A : memref<!tpu.dma_semaphore, #tpu.memory_space<semaphore_mem>>) src(%arg13 : memref<32x128xf32, #tpu.memory_space<vmem>>) dst(%dma_wait3A_268 : memref<32x128xf32, #tpu.memory_space<vmem_shared>>)
      tpu.yield
    }) : () -> ()
    %add3A_179 = arith.constant 352 : i32
    %add3A_180 = arith.addi %mul3A_156, %add3A_179 : i32
    "tpu.region"() ({
      %run_scoped3A = tpu.sem_alloc : memref<!tpu.dma_semaphore, #tpu.memory_space<semaphore_mem>>
      %dma_start3A_261 = arith.constant 0 : i32
      %dma_start3A_262 = tpu.memref_slice %arg15[%add3A_180, %dma_start3A_261] : memref<10240x128xf32, #tpu.memory_space<vmem_shared>> -> memref<32x128xf32, #tpu.memory_space<vmem_shared>>
      %dma_start3A_263 = arith.constant 0 : i32
      %dma_start3A_264 = tpu.memref_slice %arg15[%add3A_180, %dma_start3A_263] : memref<10240x128xf32, #tpu.memory_space<vmem_shared>> -> memref<32x128xf32, #tpu.memory_space<vmem_shared>>
      tpu.enqueue_dma source(%arg13 : memref<32x128xf32, #tpu.memory_space<vmem>>) target(%dma_start3A_264 : memref<32x128xf32, #tpu.memory_space<vmem_shared>>) target_semaphore(%run_scoped3A : memref<!tpu.dma_semaphore, #tpu.memory_space<semaphore_mem>>)
      %dma_wait3A_265 = arith.constant 0 : i32
      %dma_wait3A_266 = tpu.memref_slice %arg15[%add3A_180, %dma_wait3A_265] : memref<10240x128xf32, #tpu.memory_space<vmem_shared>> -> memref<32x128xf32, #tpu.memory_space<vmem_shared>>
      %dma_wait3A_267 = arith.constant 0 : i32
      %dma_wait3A_268 = tpu.memref_slice %arg15[%add3A_180, %dma_wait3A_267] : memref<10240x128xf32, #tpu.memory_space<vmem_shared>> -> memref<32x128xf32, #tpu.memory_space<vmem_shared>>
      tpu.wait_dma2 semaphore(%run_scoped3A : memref<!tpu.dma_semaphore, #tpu.memory_space<semaphore_mem>>) src(%arg13 : memref<32x128xf32, #tpu.memory_space<vmem>>) dst(%dma_wait3A_268 : memref<32x128xf32, #tpu.memory_space<vmem_shared>>)
      tpu.yield
    }) : () -> ()
    %add3A_181 = arith.constant 384 : i32
    %add3A_182 = arith.addi %mul3A_156, %add3A_181 : i32
    "tpu.region"() ({
      %run_scoped3A = tpu.sem_alloc : memref<!tpu.dma_semaphore, #tpu.memory_space<semaphore_mem>>
      %dma_start3A_261 = arith.constant 0 : i32
      %dma_start3A_262 = tpu.memref_slice %arg15[%add3A_182, %dma_start3A_261] : memref<10240x128xf32, #tpu.memory_space<vmem_shared>> -> memref<32x128xf32, #tpu.memory_space<vmem_shared>>
      %dma_start3A_263 = arith.constant 0 : i32
      %dma_start3A_264 = tpu.memref_slice %arg15[%add3A_182, %dma_start3A_263] : memref<10240x128xf32, #tpu.memory_space<vmem_shared>> -> memref<32x128xf32, #tpu.memory_space<vmem_shared>>
      tpu.enqueue_dma source(%arg13 : memref<32x128xf32, #tpu.memory_space<vmem>>) target(%dma_start3A_264 : memref<32x128xf32, #tpu.memory_space<vmem_shared>>) target_semaphore(%run_scoped3A : memref<!tpu.dma_semaphore, #tpu.memory_space<semaphore_mem>>)
      %dma_wait3A_265 = arith.constant 0 : i32
      %dma_wait3A_266 = tpu.memref_slice %arg15[%add3A_182, %dma_wait3A_265] : memref<10240x128xf32, #tpu.memory_space<vmem_shared>> -> memref<32x128xf32, #tpu.memory_space<vmem_shared>>
      %dma_wait3A_267 = arith.constant 0 : i32
      %dma_wait3A_268 = tpu.memref_slice %arg15[%add3A_182, %dma_wait3A_267] : memref<10240x128xf32, #tpu.memory_space<vmem_shared>> -> memref<32x128xf32, #tpu.memory_space<vmem_shared>>
      tpu.wait_dma2 semaphore(%run_scoped3A : memref<!tpu.dma_semaphore, #tpu.memory_space<semaphore_mem>>) src(%arg13 : memref<32x128xf32, #tpu.memory_space<vmem>>) dst(%dma_wait3A_268 : memref<32x128xf32, #tpu.memory_space<vmem_shared>>)
      tpu.yield
    }) : () -> ()
    %add3A_183 = arith.constant 416 : i32
    %add3A_184 = arith.addi %mul3A_156, %add3A_183 : i32
    "tpu.region"() ({
      %run_scoped3A = tpu.sem_alloc : memref<!tpu.dma_semaphore, #tpu.memory_space<semaphore_mem>>
      %dma_start3A_261 = arith.constant 0 : i32
      %dma_start3A_262 = tpu.memref_slice %arg15[%add3A_184, %dma_start3A_261] : memref<10240x128xf32, #tpu.memory_space<vmem_shared>> -> memref<32x128xf32, #tpu.memory_space<vmem_shared>>
      %dma_start3A_263 = arith.constant 0 : i32
      %dma_start3A_264 = tpu.memref_slice %arg15[%add3A_184, %dma_start3A_263] : memref<10240x128xf32, #tpu.memory_space<vmem_shared>> -> memref<32x128xf32, #tpu.memory_space<vmem_shared>>
      tpu.enqueue_dma source(%arg13 : memref<32x128xf32, #tpu.memory_space<vmem>>) target(%dma_start3A_264 : memref<32x128xf32, #tpu.memory_space<vmem_shared>>) target_semaphore(%run_scoped3A : memref<!tpu.dma_semaphore, #tpu.memory_space<semaphore_mem>>)
      %dma_wait3A_265 = arith.constant 0 : i32
      %dma_wait3A_266 = tpu.memref_slice %arg15[%add3A_184, %dma_wait3A_265] : memref<10240x128xf32, #tpu.memory_space<vmem_shared>> -> memref<32x128xf32, #tpu.memory_space<vmem_shared>>
      %dma_wait3A_267 = arith.constant 0 : i32
      %dma_wait3A_268 = tpu.memref_slice %arg15[%add3A_184, %dma_wait3A_267] : memref<10240x128xf32, #tpu.memory_space<vmem_shared>> -> memref<32x128xf32, #tpu.memory_space<vmem_shared>>
      tpu.wait_dma2 semaphore(%run_scoped3A : memref<!tpu.dma_semaphore, #tpu.memory_space<semaphore_mem>>) src(%arg13 : memref<32x128xf32, #tpu.memory_space<vmem>>) dst(%dma_wait3A_268 : memref<32x128xf32, #tpu.memory_space<vmem_shared>>)
      tpu.yield
    }) : () -> ()
    %add3A_185 = arith.constant 448 : i32
    %add3A_186 = arith.addi %mul3A_156, %add3A_185 : i32
    "tpu.region"() ({
      %run_scoped3A = tpu.sem_alloc : memref<!tpu.dma_semaphore, #tpu.memory_space<semaphore_mem>>
      %dma_start3A_261 = arith.constant 0 : i32
      %dma_start3A_262 = tpu.memref_slice %arg15[%add3A_186, %dma_start3A_261] : memref<10240x128xf32, #tpu.memory_space<vmem_shared>> -> memref<32x128xf32, #tpu.memory_space<vmem_shared>>
      %dma_start3A_263 = arith.constant 0 : i32
      %dma_start3A_264 = tpu.memref_slice %arg15[%add3A_186, %dma_start3A_263] : memref<10240x128xf32, #tpu.memory_space<vmem_shared>> -> memref<32x128xf32, #tpu.memory_space<vmem_shared>>
      tpu.enqueue_dma source(%arg13 : memref<32x128xf32, #tpu.memory_space<vmem>>) target(%dma_start3A_264 : memref<32x128xf32, #tpu.memory_space<vmem_shared>>) target_semaphore(%run_scoped3A : memref<!tpu.dma_semaphore, #tpu.memory_space<semaphore_mem>>)
      %dma_wait3A_265 = arith.constant 0 : i32
      %dma_wait3A_266 = tpu.memref_slice %arg15[%add3A_186, %dma_wait3A_265] : memref<10240x128xf32, #tpu.memory_space<vmem_shared>> -> memref<32x128xf32, #tpu.memory_space<vmem_shared>>
      %dma_wait3A_267 = arith.constant 0 : i32
      %dma_wait3A_268 = tpu.memref_slice %arg15[%add3A_186, %dma_wait3A_267] : memref<10240x128xf32, #tpu.memory_space<vmem_shared>> -> memref<32x128xf32, #tpu.memory_space<vmem_shared>>
      tpu.wait_dma2 semaphore(%run_scoped3A : memref<!tpu.dma_semaphore, #tpu.memory_space<semaphore_mem>>) src(%arg13 : memref<32x128xf32, #tpu.memory_space<vmem>>) dst(%dma_wait3A_268 : memref<32x128xf32, #tpu.memory_space<vmem_shared>>)
      tpu.yield
    }) : () -> ()
    %add3A_187 = arith.constant 480 : i32
    %add3A_188 = arith.addi %mul3A_156, %add3A_187 : i32
    "tpu.region"() ({
      %run_scoped3A = tpu.sem_alloc : memref<!tpu.dma_semaphore, #tpu.memory_space<semaphore_mem>>
      %dma_start3A_261 = arith.constant 0 : i32
      %dma_start3A_262 = tpu.memref_slice %arg15[%add3A_188, %dma_start3A_261] : memref<10240x128xf32, #tpu.memory_space<vmem_shared>> -> memref<32x128xf32, #tpu.memory_space<vmem_shared>>
      %dma_start3A_263 = arith.constant 0 : i32
      %dma_start3A_264 = tpu.memref_slice %arg15[%add3A_188, %dma_start3A_263] : memref<10240x128xf32, #tpu.memory_space<vmem_shared>> -> memref<32x128xf32, #tpu.memory_space<vmem_shared>>
      tpu.enqueue_dma source(%arg13 : memref<32x128xf32, #tpu.memory_space<vmem>>) target(%dma_start3A_264 : memref<32x128xf32, #tpu.memory_space<vmem_shared>>) target_semaphore(%run_scoped3A : memref<!tpu.dma_semaphore, #tpu.memory_space<semaphore_mem>>)
      %dma_wait3A_265 = arith.constant 0 : i32
      %dma_wait3A_266 = tpu.memref_slice %arg15[%add3A_188, %dma_wait3A_265] : memref<10240x128xf32, #tpu.memory_space<vmem_shared>> -> memref<32x128xf32, #tpu.memory_space<vmem_shared>>
      %dma_wait3A_267 = arith.constant 0 : i32
      %dma_wait3A_268 = tpu.memref_slice %arg15[%add3A_188, %dma_wait3A_267] : memref<10240x128xf32, #tpu.memory_space<vmem_shared>> -> memref<32x128xf32, #tpu.memory_space<vmem_shared>>
      tpu.wait_dma2 semaphore(%run_scoped3A : memref<!tpu.dma_semaphore, #tpu.memory_space<semaphore_mem>>) src(%arg13 : memref<32x128xf32, #tpu.memory_space<vmem>>) dst(%dma_wait3A_268 : memref<32x128xf32, #tpu.memory_space<vmem_shared>>)
      tpu.yield
    }) : () -> ()
    %add3A_189 = arith.constant 512 : i32
    %add3A_190 = arith.addi %mul3A_156, %add3A_189 : i32
    "tpu.region"() ({
      %run_scoped3A = tpu.sem_alloc : memref<!tpu.dma_semaphore, #tpu.memory_space<semaphore_mem>>
      %dma_start3A_261 = arith.constant 0 : i32
      %dma_start3A_262 = tpu.memref_slice %arg15[%add3A_190, %dma_start3A_261] : memref<10240x128xf32, #tpu.memory_space<vmem_shared>> -> memref<32x128xf32, #tpu.memory_space<vmem_shared>>
      %dma_start3A_263 = arith.constant 0 : i32
      %dma_start3A_264 = tpu.memref_slice %arg15[%add3A_190, %dma_start3A_263] : memref<10240x128xf32, #tpu.memory_space<vmem_shared>> -> memref<32x128xf32, #tpu.memory_space<vmem_shared>>
      tpu.enqueue_dma source(%arg13 : memref<32x128xf32, #tpu.memory_space<vmem>>) target(%dma_start3A_264 : memref<32x128xf32, #tpu.memory_space<vmem_shared>>) target_semaphore(%run_scoped3A : memref<!tpu.dma_semaphore, #tpu.memory_space<semaphore_mem>>)
      %dma_wait3A_265 = arith.constant 0 : i32
      %dma_wait3A_266 = tpu.memref_slice %arg15[%add3A_190, %dma_wait3A_265] : memref<10240x128xf32, #tpu.memory_space<vmem_shared>> -> memref<32x128xf32, #tpu.memory_space<vmem_shared>>
      %dma_wait3A_267 = arith.constant 0 : i32
      %dma_wait3A_268 = tpu.memref_slice %arg15[%add3A_190, %dma_wait3A_267] : memref<10240x128xf32, #tpu.memory_space<vmem_shared>> -> memref<32x128xf32, #tpu.memory_space<vmem_shared>>
      tpu.wait_dma2 semaphore(%run_scoped3A : memref<!tpu.dma_semaphore, #tpu.memory_space<semaphore_mem>>) src(%arg13 : memref<32x128xf32, #tpu.memory_space<vmem>>) dst(%dma_wait3A_268 : memref<32x128xf32, #tpu.memory_space<vmem_shared>>)
      tpu.yield
    }) : () -> ()
    %add3A_191 = arith.constant 544 : i32
    %add3A_192 = arith.addi %mul3A_156, %add3A_191 : i32
    "tpu.region"() ({
      %run_scoped3A = tpu.sem_alloc : memref<!tpu.dma_semaphore, #tpu.memory_space<semaphore_mem>>
      %dma_start3A_261 = arith.constant 0 : i32
      %dma_start3A_262 = tpu.memref_slice %arg15[%add3A_192, %dma_start3A_261] : memref<10240x128xf32, #tpu.memory_space<vmem_shared>> -> memref<32x128xf32, #tpu.memory_space<vmem_shared>>
      %dma_start3A_263 = arith.constant 0 : i32
      %dma_start3A_264 = tpu.memref_slice %arg15[%add3A_192, %dma_start3A_263] : memref<10240x128xf32, #tpu.memory_space<vmem_shared>> -> memref<32x128xf32, #tpu.memory_space<vmem_shared>>
      tpu.enqueue_dma source(%arg13 : memref<32x128xf32, #tpu.memory_space<vmem>>) target(%dma_start3A_264 : memref<32x128xf32, #tpu.memory_space<vmem_shared>>) target_semaphore(%run_scoped3A : memref<!tpu.dma_semaphore, #tpu.memory_space<semaphore_mem>>)
      %dma_wait3A_265 = arith.constant 0 : i32
      %dma_wait3A_266 = tpu.memref_slice %arg15[%add3A_192, %dma_wait3A_265] : memref<10240x128xf32, #tpu.memory_space<vmem_shared>> -> memref<32x128xf32, #tpu.memory_space<vmem_shared>>
      %dma_wait3A_267 = arith.constant 0 : i32
      %dma_wait3A_268 = tpu.memref_slice %arg15[%add3A_192, %dma_wait3A_267] : memref<10240x128xf32, #tpu.memory_space<vmem_shared>> -> memref<32x128xf32, #tpu.memory_space<vmem_shared>>
      tpu.wait_dma2 semaphore(%run_scoped3A : memref<!tpu.dma_semaphore, #tpu.memory_space<semaphore_mem>>) src(%arg13 : memref<32x128xf32, #tpu.memory_space<vmem>>) dst(%dma_wait3A_268 : memref<32x128xf32, #tpu.memory_space<vmem_shared>>)
      tpu.yield
    }) : () -> ()
    %add3A_193 = arith.constant 576 : i32
    %add3A_194 = arith.addi %mul3A_156, %add3A_193 : i32
    "tpu.region"() ({
      %run_scoped3A = tpu.sem_alloc : memref<!tpu.dma_semaphore, #tpu.memory_space<semaphore_mem>>
      %dma_start3A_261 = arith.constant 0 : i32
      %dma_start3A_262 = tpu.memref_slice %arg15[%add3A_194, %dma_start3A_261] : memref<10240x128xf32, #tpu.memory_space<vmem_shared>> -> memref<32x128xf32, #tpu.memory_space<vmem_shared>>
      %dma_start3A_263 = arith.constant 0 : i32
      %dma_start3A_264 = tpu.memref_slice %arg15[%add3A_194, %dma_start3A_263] : memref<10240x128xf32, #tpu.memory_space<vmem_shared>> -> memref<32x128xf32, #tpu.memory_space<vmem_shared>>
      tpu.enqueue_dma source(%arg13 : memref<32x128xf32, #tpu.memory_space<vmem>>) target(%dma_start3A_264 : memref<32x128xf32, #tpu.memory_space<vmem_shared>>) target_semaphore(%run_scoped3A : memref<!tpu.dma_semaphore, #tpu.memory_space<semaphore_mem>>)
      %dma_wait3A_265 = arith.constant 0 : i32
      %dma_wait3A_266 = tpu.memref_slice %arg15[%add3A_194, %dma_wait3A_265] : memref<10240x128xf32, #tpu.memory_space<vmem_shared>> -> memref<32x128xf32, #tpu.memory_space<vmem_shared>>
      %dma_wait3A_267 = arith.constant 0 : i32
      %dma_wait3A_268 = tpu.memref_slice %arg15[%add3A_194, %dma_wait3A_267] : memref<10240x128xf32, #tpu.memory_space<vmem_shared>> -> memref<32x128xf32, #tpu.memory_space<vmem_shared>>
      tpu.wait_dma2 semaphore(%run_scoped3A : memref<!tpu.dma_semaphore, #tpu.memory_space<semaphore_mem>>) src(%arg13 : memref<32x128xf32, #tpu.memory_space<vmem>>) dst(%dma_wait3A_268 : memref<32x128xf32, #tpu.memory_space<vmem_shared>>)
      tpu.yield
    }) : () -> ()
    %add3A_195 = arith.constant 608 : i32
    %add3A_196 = arith.addi %mul3A_156, %add3A_195 : i32
    "tpu.region"() ({
      %run_scoped3A = tpu.sem_alloc : memref<!tpu.dma_semaphore, #tpu.memory_space<semaphore_mem>>
      %dma_start3A_261 = arith.constant 0 : i32
      %dma_start3A_262 = tpu.memref_slice %arg15[%add3A_196, %dma_start3A_261] : memref<10240x128xf32, #tpu.memory_space<vmem_shared>> -> memref<32x128xf32, #tpu.memory_space<vmem_shared>>
      %dma_start3A_263 = arith.constant 0 : i32
      %dma_start3A_264 = tpu.memref_slice %arg15[%add3A_196, %dma_start3A_263] : memref<10240x128xf32, #tpu.memory_space<vmem_shared>> -> memref<32x128xf32, #tpu.memory_space<vmem_shared>>
      tpu.enqueue_dma source(%arg13 : memref<32x128xf32, #tpu.memory_space<vmem>>) target(%dma_start3A_264 : memref<32x128xf32, #tpu.memory_space<vmem_shared>>) target_semaphore(%run_scoped3A : memref<!tpu.dma_semaphore, #tpu.memory_space<semaphore_mem>>)
      %dma_wait3A_265 = arith.constant 0 : i32
      %dma_wait3A_266 = tpu.memref_slice %arg15[%add3A_196, %dma_wait3A_265] : memref<10240x128xf32, #tpu.memory_space<vmem_shared>> -> memref<32x128xf32, #tpu.memory_space<vmem_shared>>
      %dma_wait3A_267 = arith.constant 0 : i32
      %dma_wait3A_268 = tpu.memref_slice %arg15[%add3A_196, %dma_wait3A_267] : memref<10240x128xf32, #tpu.memory_space<vmem_shared>> -> memref<32x128xf32, #tpu.memory_space<vmem_shared>>
      tpu.wait_dma2 semaphore(%run_scoped3A : memref<!tpu.dma_semaphore, #tpu.memory_space<semaphore_mem>>) src(%arg13 : memref<32x128xf32, #tpu.memory_space<vmem>>) dst(%dma_wait3A_268 : memref<32x128xf32, #tpu.memory_space<vmem_shared>>)
      tpu.yield
    }) : () -> ()
    "tpu.region"() ({
      %run_scoped3A = tpu.sem_alloc : memref<!tpu.dma_semaphore, #tpu.memory_space<semaphore_mem>>
      %dma_start3A_261 = tpu.memref_slice %arg16[%mul3A_156] : memref<10240xf32, #tpu.memory_space<vmem_shared>> -> memref<640xf32, #tpu.memory_space<vmem_shared>>
      %dma_start3A_262 = tpu.memref_slice %arg16[%mul3A_156] : memref<10240xf32, #tpu.memory_space<vmem_shared>> -> memref<640xf32, #tpu.memory_space<vmem_shared>>
      tpu.enqueue_dma source(%arg14 : memref<640xf32, #tpu.memory_space<vmem>>) target(%dma_start3A_262 : memref<640xf32, #tpu.memory_space<vmem_shared>>) target_semaphore(%run_scoped3A : memref<!tpu.dma_semaphore, #tpu.memory_space<semaphore_mem>>)
      %dma_wait3A_263 = tpu.memref_slice %arg16[%mul3A_156] : memref<10240xf32, #tpu.memory_space<vmem_shared>> -> memref<640xf32, #tpu.memory_space<vmem_shared>>
      %dma_wait3A_264 = tpu.memref_slice %arg16[%mul3A_156] : memref<10240xf32, #tpu.memory_space<vmem_shared>> -> memref<640xf32, #tpu.memory_space<vmem_shared>>
      tpu.wait_dma2 semaphore(%run_scoped3A : memref<!tpu.dma_semaphore, #tpu.memory_space<semaphore_mem>>) src(%arg14 : memref<640xf32, #tpu.memory_space<vmem>>) dst(%dma_wait3A_264 : memref<640xf32, #tpu.memory_space<vmem_shared>>)
      tpu.yield
    }) : () -> ()
    %barrier3A = arith.constant 0 : index
    tpu.barrier barrier_id(%barrier3A)
    %dma_wait3A = arith.constant 0 : i32
    %dma_wait3A_197 = arith.constant 0 : i32
    %dma_wait3A_198 = tpu.memref_slice %arg7[%dma_wait3A, %dma_wait3A_197] : memref<6x80xi32, #tpu.memory_space<vmem>> -> memref<1x80xi32, #tpu.memory_space<vmem>>
    %dma_wait3A_199 = tpu.memref_squeeze %dma_wait3A_198 : memref<1x80xi32, #tpu.memory_space<vmem>> -> memref<80xi32, #tpu.memory_space<vmem>>
    %dma_wait3A_200 = arith.constant 0 : i32
    %dma_wait3A_201 = tpu.memref_slice %arg3[%dma_wait3A_200] : memref<320000xi32, #tpu.memory_space<hbm>> -> memref<80xi32, #tpu.memory_space<hbm>>
    %dma_wait3A_202 = arith.constant 0 : i32
    %dma_wait3A_203 = tpu.memref_slice %arg7[%dma_wait3A, %dma_wait3A_202] : memref<6x80xi32, #tpu.memory_space<vmem>> -> memref<1x80xi32, #tpu.memory_space<vmem>>
    %dma_wait3A_204 = tpu.memref_squeeze %dma_wait3A_203 : memref<1x80xi32, #tpu.memory_space<vmem>> -> memref<80xi32, #tpu.memory_space<vmem>>
    %dma_wait3A_205 = arith.constant 0 : i32
    %dma_wait3A_206 = tpu.memref_slice %arg3[%dma_wait3A_205] : memref<320000xi32, #tpu.memory_space<hbm>> -> memref<80xi32, #tpu.memory_space<hbm>>
    tpu.wait_dma2 semaphore(%arg20 : memref<!tpu.dma_semaphore, #tpu.memory_space<semaphore_mem>>) src(%dma_wait3A_206 : memref<80xi32, #tpu.memory_space<hbm>>) dst(%dma_wait3A_204 : memref<80xi32, #tpu.memory_space<vmem>>)
    %dma_wait3A_207 = arith.constant 0 : i32
    %dma_wait3A_208 = arith.constant 0 : i32
    %dma_wait3A_209 = tpu.memref_slice %arg8[%dma_wait3A_207, %dma_wait3A_208] : memref<6x80xi32, #tpu.memory_space<vmem>> -> memref<1x80xi32, #tpu.memory_space<vmem>>
    %dma_wait3A_210 = tpu.memref_squeeze %dma_wait3A_209 : memref<1x80xi32, #tpu.memory_space<vmem>> -> memref<80xi32, #tpu.memory_space<vmem>>
    %dma_wait3A_211 = arith.constant 0 : i32
    %dma_wait3A_212 = tpu.memref_slice %arg4[%dma_wait3A_211] : memref<320000xi32, #tpu.memory_space<hbm>> -> memref<80xi32, #tpu.memory_space<hbm>>
    %dma_wait3A_213 = arith.constant 0 : i32
    %dma_wait3A_214 = tpu.memref_slice %arg8[%dma_wait3A_207, %dma_wait3A_213] : memref<6x80xi32, #tpu.memory_space<vmem>> -> memref<1x80xi32, #tpu.memory_space<vmem>>
    %dma_wait3A_215 = tpu.memref_squeeze %dma_wait3A_214 : memref<1x80xi32, #tpu.memory_space<vmem>> -> memref<80xi32, #tpu.memory_space<vmem>>
    %dma_wait3A_216 = arith.constant 0 : i32
    %dma_wait3A_217 = tpu.memref_slice %arg4[%dma_wait3A_216] : memref<320000xi32, #tpu.memory_space<hbm>> -> memref<80xi32, #tpu.memory_space<hbm>>
    tpu.wait_dma2 semaphore(%arg20 : memref<!tpu.dma_semaphore, #tpu.memory_space<semaphore_mem>>) src(%dma_wait3A_217 : memref<80xi32, #tpu.memory_space<hbm>>) dst(%dma_wait3A_215 : memref<80xi32, #tpu.memory_space<vmem>>)
    %dma_start3A_218 = arith.constant 0 : i32
    %dma_start3A_219 = arith.constant 0 : i32
    %dma_start3A_220 = tpu.memref_slice %arg7[%dma_start3A_218, %dma_start3A_219] : memref<6x80xi32, #tpu.memory_space<vmem>> -> memref<1x80xi32, #tpu.memory_space<vmem>>
    %dma_start3A_221 = tpu.memref_squeeze %dma_start3A_220 : memref<1x80xi32, #tpu.memory_space<vmem>> -> memref<80xi32, #tpu.memory_space<vmem>>
    %dma_start3A_222 = arith.constant 0 : i32
    %dma_start3A_223 = arith.constant 0 : i32
    %dma_start3A_224 = tpu.memref_slice %arg2[%dma_start3A_222, %dma_start3A_223] : memref<10000x128xf32, #tpu.memory_space<hbm>> -> memref<10000x128xf32, #tpu.memory_space<hbm>>
    tpu.enqueue_indirect_dma source(%dma_start3A_224 : memref<10000x128xf32, #tpu.memory_space<hbm>>) target(%arg9 : memref<80x128xf32, #tpu.memory_space<vmem>>) offsets(%dma_start3A_221 : memref<80xi32, #tpu.memory_space<vmem>>) semaphore(%arg17 : memref<!tpu.dma_semaphore, #tpu.memory_space<semaphore_mem>>)
    %dma_wait3A_225 = arith.constant 1 : i32
    %dma_wait3A_226 = arith.constant 0 : i32
    %dma_wait3A_227 = tpu.memref_slice %arg7[%dma_wait3A_225, %dma_wait3A_226] : memref<6x80xi32, #tpu.memory_space<vmem>> -> memref<1x80xi32, #tpu.memory_space<vmem>>
    %dma_wait3A_228 = tpu.memref_squeeze %dma_wait3A_227 : memref<1x80xi32, #tpu.memory_space<vmem>> -> memref<80xi32, #tpu.memory_space<vmem>>
    %dma_wait3A_229 = arith.constant 0 : i32
    %dma_wait3A_230 = tpu.memref_slice %arg3[%dma_wait3A_229] : memref<320000xi32, #tpu.memory_space<hbm>> -> memref<80xi32, #tpu.memory_space<hbm>>
    %dma_wait3A_231 = arith.constant 0 : i32
    %dma_wait3A_232 = tpu.memref_slice %arg7[%dma_wait3A_225, %dma_wait3A_231] : memref<6x80xi32, #tpu.memory_space<vmem>> -> memref<1x80xi32, #tpu.memory_space<vmem>>
    %dma_wait3A_233 = tpu.memref_squeeze %dma_wait3A_232 : memref<1x80xi32, #tpu.memory_space<vmem>> -> memref<80xi32, #tpu.memory_space<vmem>>
    %dma_wait3A_234 = arith.constant 0 : i32
    %dma_wait3A_235 = tpu.memref_slice %arg3[%dma_wait3A_234] : memref<320000xi32, #tpu.memory_space<hbm>> -> memref<80xi32, #tpu.memory_space<hbm>>
    tpu.wait_dma2 semaphore(%arg21 : memref<!tpu.dma_semaphore, #tpu.memory_space<semaphore_mem>>) src(%dma_wait3A_235 : memref<80xi32, #tpu.memory_space<hbm>>) dst(%dma_wait3A_233 : memref<80xi32, #tpu.memory_space<vmem>>)
    %dma_wait3A_236 = arith.constant 1 : i32
    %dma_wait3A_237 = arith.constant 0 : i32
    %dma_wait3A_238 = tpu.memref_slice %arg8[%dma_wait3A_236, %dma_wait3A_237] : memref<6x80xi32, #tpu.memory_space<vmem>> -> memref<1x80xi32, #tpu.memory_space<vmem>>
    %dma_wait3A_239 = tpu.memref_squeeze %dma_wait3A_238 : memref<1x80xi32, #tpu.memory_space<vmem>> -> memref<80xi32, #tpu.memory_space<vmem>>
    %dma_wait3A_240 = arith.constant 0 : i32
    %dma_wait3A_241 = tpu.memref_slice %arg4[%dma_wait3A_240] : memref<320000xi32, #tpu.memory_space<hbm>> -> memref<80xi32, #tpu.memory_space<hbm>>
    %dma_wait3A_242 = arith.constant 0 : i32
    %dma_wait3A_243 = tpu.memref_slice %arg8[%dma_wait3A_236, %dma_wait3A_242] : memref<6x80xi32, #tpu.memory_space<vmem>> -> memref<1x80xi32, #tpu.memory_space<vmem>>
    %dma_wait3A_244 = tpu.memref_squeeze %dma_wait3A_243 : memref<1x80xi32, #tpu.memory_space<vmem>> -> memref<80xi32, #tpu.memory_space<vmem>>
    %dma_wait3A_245 = arith.constant 0 : i32
    %dma_wait3A_246 = tpu.memref_slice %arg4[%dma_wait3A_245] : memref<320000xi32, #tpu.memory_space<hbm>> -> memref<80xi32, #tpu.memory_space<hbm>>
    tpu.wait_dma2 semaphore(%arg21 : memref<!tpu.dma_semaphore, #tpu.memory_space<semaphore_mem>>) src(%dma_wait3A_246 : memref<80xi32, #tpu.memory_space<hbm>>) dst(%dma_wait3A_244 : memref<80xi32, #tpu.memory_space<vmem>>)
    %dma_start3A_247 = arith.constant 1 : i32
    %dma_start3A_248 = arith.constant 0 : i32
    %dma_start3A_249 = tpu.memref_slice %arg7[%dma_start3A_247, %dma_start3A_248] : memref<6x80xi32, #tpu.memory_space<vmem>> -> memref<1x80xi32, #tpu.memory_space<vmem>>
    %dma_start3A_250 = tpu.memref_squeeze %dma_start3A_249 : memref<1x80xi32, #tpu.memory_space<vmem>> -> memref<80xi32, #tpu.memory_space<vmem>>
    %dma_start3A_251 = arith.constant 0 : i32
    %dma_start3A_252 = arith.constant 0 : i32
    %dma_start3A_253 = tpu.memref_slice %arg2[%dma_start3A_251, %dma_start3A_252] : memref<10000x128xf32, #tpu.memory_space<hbm>> -> memref<10000x128xf32, #tpu.memory_space<hbm>>
    tpu.enqueue_indirect_dma source(%dma_start3A_253 : memref<10000x128xf32, #tpu.memory_space<hbm>>) target(%arg10 : memref<80x128xf32, #tpu.memory_space<vmem>>) offsets(%dma_start3A_250 : memref<80xi32, #tpu.memory_space<vmem>>) semaphore(%arg18 : memref<!tpu.dma_semaphore, #tpu.memory_space<semaphore_mem>>)
    %scan3A_254 = arith.constant 0 : i32
    %scan3A_255 = arith.constant 0 : i32
    %scan3A_256 = arith.constant 21 : i32
    %scan3A_257 = arith.addi %scan3A_255, %scan3A_256 : i32
    %scan3A_258 = arith.constant 1 : i32
    scf.for %scan3A_261 = %scan3A_255 to %scan3A_257 step %scan3A_258  : i32 {
      %mul3A_262 = arith.constant 6 : i32
      %mul3A_263 = arith.muli %mul3A_262, %scan3A_261 : i32
      %add3A_264 = arith.constant 0 : i32
      %add3A_265 = arith.addi %mul3A_263, %add3A_264 : i32
      %ge3A = arith.constant 1 : i32
      %ge3A_266 = arith.cmpi sge, %add3A_265, %ge3A : i32
      %le3A = arith.constant 125 : i32
      %le3A_267 = arith.cmpi sle, %add3A_265, %le3A : i32
      %and3A = arith.andi %ge3A_266, %le3A_267 : i1
      %convert_element_type3A = arith.extui %and3A : i1 to i32
      %cond3A = arith.constant 0 : i32
      %cond3A_268 = arith.cmpi ne, %convert_element_type3A, %cond3A : i32
      scf.if %cond3A_268 {
        %dma_wait3A_432 = arith.constant 5 : i32
        %dma_wait3A_433 = arith.constant 0 : i32
        %dma_wait3A_434 = tpu.memref_slice %arg8[%dma_wait3A_432, %dma_wait3A_433] : memref<6x80xi32, #tpu.memory_space<vmem>> -> memref<1x80xi32, #tpu.memory_space<vmem>>
        %dma_wait3A_435 = tpu.memref_squeeze %dma_wait3A_434 : memref<1x80xi32, #tpu.memory_space<vmem>> -> memref<80xi32, #tpu.memory_space<vmem>>
        %dma_wait3A_436 = arith.constant 0 : i32
        %dma_wait3A_437 = arith.constant 0 : i32
        %dma_wait3A_438 = tpu.memref_slice %arg15[%dma_wait3A_436, %dma_wait3A_437] : memref<10240x128xf32, #tpu.memory_space<vmem_shared>> -> memref<10240x128xf32, #tpu.memory_space<vmem_shared>>
        tpu.wait_indirect_dma semaphore(%arg23 : memref<!tpu.dma_semaphore, #tpu.memory_space<semaphore_mem>>) src(%arg11 : memref<80x128xf32, #tpu.memory_space<vmem>>) dst(%dma_wait3A_438 : memref<10240x128xf32, #tpu.memory_space<vmem_shared>>)
        %dma_wait3A_439 = arith.constant 5 : i32
        %dma_wait3A_440 = arith.constant 0 : i32
        %dma_wait3A_441 = tpu.memref_slice %arg12[%dma_wait3A_440] : memref<128xf32, #tpu.memory_space<vmem>> -> memref<80xf32, #tpu.memory_space<vmem>>
        %dma_wait3A_442 = arith.constant 0 : i32
        %dma_wait3A_443 = tpu.memref_slice %arg8[%dma_wait3A_439, %dma_wait3A_442] : memref<6x80xi32, #tpu.memory_space<vmem>> -> memref<1x80xi32, #tpu.memory_space<vmem>>
        %dma_wait3A_444 = tpu.memref_squeeze %dma_wait3A_443 : memref<1x80xi32, #tpu.memory_space<vmem>> -> memref<80xi32, #tpu.memory_space<vmem>>
        %dma_wait3A_445 = arith.constant 0 : i32
        %dma_wait3A_446 = tpu.memref_slice %arg16[%dma_wait3A_445] : memref<10240xf32, #tpu.memory_space<vmem_shared>> -> memref<10240xf32, #tpu.memory_space<vmem_shared>>
        tpu.wait_indirect_dma semaphore(%arg24 : memref<!tpu.dma_semaphore, #tpu.memory_space<semaphore_mem>>) src(%dma_wait3A_441 : memref<80xf32, #tpu.memory_space<vmem>>) dst(%dma_wait3A_446 : memref<10240xf32, #tpu.memory_space<vmem_shared>>)
      } else {
      }
      %add3A_269 = arith.constant 5 : i32
      %add3A_270 = arith.addi %add3A_265, %add3A_269 : i32
      %lt3A = arith.constant 125 : i32
      %lt3A_271 = arith.cmpi slt, %add3A_270, %lt3A : i32
      %convert_element_type3A_272 = arith.extui %lt3A_271 : i1 to i32
      %cond3A_273 = arith.constant 0 : i32
      %cond3A_274 = arith.cmpi ne, %convert_element_type3A_272, %cond3A_273 : i32
      scf.if %cond3A_274 {
        %add3A_432 = arith.constant 5 : i32
        %add3A_433 = arith.addi %add3A_265, %add3A_432 : i32
        %mul3A_434 = arith.constant 10000 : i32
        %mul3A_435 = arith.muli %add3A, %mul3A_434 : i32
        %mul3A_436 = arith.constant 80 : i32
        %mul3A_437 = arith.muli %add3A_433, %mul3A_436 : i32
        %add3A_438 = arith.addi %mul3A_435, %mul3A_437 : i32
        %dma_start3A_439 = arith.constant 5 : i32
        %dma_start3A_440 = arith.constant 0 : i32
        %dma_start3A_441 = tpu.memref_slice %arg7[%dma_start3A_439, %dma_start3A_440] : memref<6x80xi32, #tpu.memory_space<vmem>> -> memref<1x80xi32, #tpu.memory_space<vmem>>
        %dma_start3A_442 = tpu.memref_squeeze %dma_start3A_441 : memref<1x80xi32, #tpu.memory_space<vmem>> -> memref<80xi32, #tpu.memory_space<vmem>>
        %dma_start3A_443 = tpu.memref_slice %arg3[%add3A_438] : memref<320000xi32, #tpu.memory_space<hbm>> -> memref<80xi32, #tpu.memory_space<hbm>>
        %dma_start3A_444 = arith.constant 0 : i32
        %dma_start3A_445 = tpu.memref_slice %arg7[%dma_start3A_439, %dma_start3A_444] : memref<6x80xi32, #tpu.memory_space<vmem>> -> memref<1x80xi32, #tpu.memory_space<vmem>>
        %dma_start3A_446 = tpu.memref_squeeze %dma_start3A_445 : memref<1x80xi32, #tpu.memory_space<vmem>> -> memref<80xi32, #tpu.memory_space<vmem>>
        %dma_start3A_447 = tpu.memref_slice %arg3[%add3A_438] : memref<320000xi32, #tpu.memory_space<hbm>> -> memref<80xi32, #tpu.memory_space<hbm>>
        tpu.enqueue_dma source(%dma_start3A_447 : memref<80xi32, #tpu.memory_space<hbm>>) target(%dma_start3A_446 : memref<80xi32, #tpu.memory_space<vmem>>) target_semaphore(%arg22 : memref<!tpu.dma_semaphore, #tpu.memory_space<semaphore_mem>>)
        %dma_start3A_448 = arith.constant 5 : i32
        %dma_start3A_449 = arith.constant 0 : i32
        %dma_start3A_450 = tpu.memref_slice %arg8[%dma_start3A_448, %dma_start3A_449] : memref<6x80xi32, #tpu.memory_space<vmem>> -> memref<1x80xi32, #tpu.memory_space<vmem>>
        %dma_start3A_451 = tpu.memref_squeeze %dma_start3A_450 : memref<1x80xi32, #tpu.memory_space<vmem>> -> memref<80xi32, #tpu.memory_space<vmem>>
        %dma_start3A_452 = tpu.memref_slice %arg4[%add3A_438] : memref<320000xi32, #tpu.memory_space<hbm>> -> memref<80xi32, #tpu.memory_space<hbm>>
        %dma_start3A_453 = arith.constant 0 : i32
        %dma_start3A_454 = tpu.memref_slice %arg8[%dma_start3A_448, %dma_start3A_453] : memref<6x80xi32, #tpu.memory_space<vmem>> -> memref<1x80xi32, #tpu.memory_space<vmem>>
        %dma_start3A_455 = tpu.memref_squeeze %dma_start3A_454 : memref<1x80xi32, #tpu.memory_space<vmem>> -> memref<80xi32, #tpu.memory_space<vmem>>
        %dma_start3A_456 = tpu.memref_slice %arg4[%add3A_438] : memref<320000xi32, #tpu.memory_space<hbm>> -> memref<80xi32, #tpu.memory_space<hbm>>
        tpu.enqueue_dma source(%dma_start3A_456 : memref<80xi32, #tpu.memory_space<hbm>>) target(%dma_start3A_455 : memref<80xi32, #tpu.memory_space<vmem>>) target_semaphore(%arg22 : memref<!tpu.dma_semaphore, #tpu.memory_space<semaphore_mem>>)
      } else {
      }
      %add3A_275 = arith.constant 2 : i32
      %add3A_276 = arith.addi %add3A_265, %add3A_275 : i32
      %lt3A_277 = arith.constant 125 : i32
      %lt3A_278 = arith.cmpi slt, %add3A_276, %lt3A_277 : i32
      %convert_element_type3A_279 = arith.extui %lt3A_278 : i1 to i32
      %cond3A_280 = arith.constant 0 : i32
      %cond3A_281 = arith.cmpi ne, %convert_element_type3A_279, %cond3A_280 : i32
      scf.if %cond3A_281 {
        %dma_wait3A_432 = arith.constant 2 : i32
        %dma_wait3A_433 = arith.constant 0 : i32
        %dma_wait3A_434 = tpu.memref_slice %arg7[%dma_wait3A_432, %dma_wait3A_433] : memref<6x80xi32, #tpu.memory_space<vmem>> -> memref<1x80xi32, #tpu.memory_space<vmem>>
        %dma_wait3A_435 = tpu.memref_squeeze %dma_wait3A_434 : memref<1x80xi32, #tpu.memory_space<vmem>> -> memref<80xi32, #tpu.memory_space<vmem>>
        %dma_wait3A_436 = arith.constant 0 : i32
        %dma_wait3A_437 = tpu.memref_slice %arg3[%dma_wait3A_436] : memref<320000xi32, #tpu.memory_space<hbm>> -> memref<80xi32, #tpu.memory_space<hbm>>
        %dma_wait3A_438 = arith.constant 0 : i32
        %dma_wait3A_439 = tpu.memref_slice %arg7[%dma_wait3A_432, %dma_wait3A_438] : memref<6x80xi32, #tpu.memory_space<vmem>> -> memref<1x80xi32, #tpu.memory_space<vmem>>
        %dma_wait3A_440 = tpu.memref_squeeze %dma_wait3A_439 : memref<1x80xi32, #tpu.memory_space<vmem>> -> memref<80xi32, #tpu.memory_space<vmem>>
        %dma_wait3A_441 = arith.constant 0 : i32
        %dma_wait3A_442 = tpu.memref_slice %arg3[%dma_wait3A_441] : memref<320000xi32, #tpu.memory_space<hbm>> -> memref<80xi32, #tpu.memory_space<hbm>>
        tpu.wait_dma2 semaphore(%arg22 : memref<!tpu.dma_semaphore, #tpu.memory_space<semaphore_mem>>) src(%dma_wait3A_442 : memref<80xi32, #tpu.memory_space<hbm>>) dst(%dma_wait3A_440 : memref<80xi32, #tpu.memory_space<vmem>>)
        %dma_wait3A_443 = arith.constant 2 : i32
        %dma_wait3A_444 = arith.constant 0 : i32
        %dma_wait3A_445 = tpu.memref_slice %arg8[%dma_wait3A_443, %dma_wait3A_444] : memref<6x80xi32, #tpu.memory_space<vmem>> -> memref<1x80xi32, #tpu.memory_space<vmem>>
        %dma_wait3A_446 = tpu.memref_squeeze %dma_wait3A_445 : memref<1x80xi32, #tpu.memory_space<vmem>> -> memref<80xi32, #tpu.memory_space<vmem>>
        %dma_wait3A_447 = arith.constant 0 : i32
        %dma_wait3A_448 = tpu.memref_slice %arg4[%dma_wait3A_447] : memref<320000xi32, #tpu.memory_space<hbm>> -> memref<80xi32, #tpu.memory_space<hbm>>
        %dma_wait3A_449 = arith.constant 0 : i32
        %dma_wait3A_450 = tpu.memref_slice %arg8[%dma_wait3A_443, %dma_wait3A_449] : memref<6x80xi32, #tpu.memory_space<vmem>> -> memref<1x80xi32, #tpu.memory_space<vmem>>
        %dma_wait3A_451 = tpu.memref_squeeze %dma_wait3A_450 : memref<1x80xi32, #tpu.memory_space<vmem>> -> memref<80xi32, #tpu.memory_space<vmem>>
        %dma_wait3A_452 = arith.constant 0 : i32
        %dma_wait3A_453 = tpu.memref_slice %arg4[%dma_wait3A_452] : memref<320000xi32, #tpu.memory_space<hbm>> -> memref<80xi32, #tpu.memory_space<hbm>>
        tpu.wait_dma2 semaphore(%arg22 : memref<!tpu.dma_semaphore, #tpu.memory_space<semaphore_mem>>) src(%dma_wait3A_453 : memref<80xi32, #tpu.memory_space<hbm>>) dst(%dma_wait3A_451 : memref<80xi32, #tpu.memory_space<vmem>>)
        %dma_start3A_454 = arith.constant 2 : i32
        %dma_start3A_455 = arith.constant 0 : i32
        %dma_start3A_456 = tpu.memref_slice %arg7[%dma_start3A_454, %dma_start3A_455] : memref<6x80xi32, #tpu.memory_space<vmem>> -> memref<1x80xi32, #tpu.memory_space<vmem>>
        %dma_start3A_457 = tpu.memref_squeeze %dma_start3A_456 : memref<1x80xi32, #tpu.memory_space<vmem>> -> memref<80xi32, #tpu.memory_space<vmem>>
        %dma_start3A_458 = arith.constant 0 : i32
        %dma_start3A_459 = arith.constant 0 : i32
        %dma_start3A_460 = tpu.memref_slice %arg2[%dma_start3A_458, %dma_start3A_459] : memref<10000x128xf32, #tpu.memory_space<hbm>> -> memref<10000x128xf32, #tpu.memory_space<hbm>>
        tpu.enqueue_indirect_dma source(%dma_start3A_460 : memref<10000x128xf32, #tpu.memory_space<hbm>>) target(%arg11 : memref<80x128xf32, #tpu.memory_space<vmem>>) offsets(%dma_start3A_457 : memref<80xi32, #tpu.memory_space<vmem>>) semaphore(%arg19 : memref<!tpu.dma_semaphore, #tpu.memory_space<semaphore_mem>>)
      } else {
      }
      %lt3A_282 = arith.constant 125 : i32
      %lt3A_283 = arith.cmpi slt, %add3A_265, %lt3A_282 : i32
      %convert_element_type3A_284 = arith.extui %lt3A_283 : i1 to i32
      %cond3A_285 = arith.constant 0 : i32
      %cond3A_286 = arith.cmpi ne, %convert_element_type3A_284, %cond3A_285 : i32
      scf.if %cond3A_286 {
        %dma_wait3A_432 = arith.constant 0 : i32
        %dma_wait3A_433 = arith.constant 0 : i32
        %dma_wait3A_434 = tpu.memref_slice %arg7[%dma_wait3A_432, %dma_wait3A_433] : memref<6x80xi32, #tpu.memory_space<vmem>> -> memref<1x80xi32, #tpu.memory_space<vmem>>
        %dma_wait3A_435 = tpu.memref_squeeze %dma_wait3A_434 : memref<1x80xi32, #tpu.memory_space<vmem>> -> memref<80xi32, #tpu.memory_space<vmem>>
        %dma_wait3A_436 = arith.constant 0 : i32
        %dma_wait3A_437 = arith.constant 0 : i32
        %dma_wait3A_438 = tpu.memref_slice %arg2[%dma_wait3A_436, %dma_wait3A_437] : memref<10000x128xf32, #tpu.memory_space<hbm>> -> memref<10000x128xf32, #tpu.memory_space<hbm>>
        tpu.wait_indirect_dma semaphore(%arg17 : memref<!tpu.dma_semaphore, #tpu.memory_space<semaphore_mem>>) src(%dma_wait3A_438 : memref<10000x128xf32, #tpu.memory_space<hbm>>) dst(%arg9 : memref<80x128xf32, #tpu.memory_space<vmem>>)
        %dma_start3A_439 = arith.constant 0 : i32
        %dma_start3A_440 = arith.constant 0 : i32
        %dma_start3A_441 = tpu.memref_slice %arg8[%dma_start3A_439, %dma_start3A_440] : memref<6x80xi32, #tpu.memory_space<vmem>> -> memref<1x80xi32, #tpu.memory_space<vmem>>
        %dma_start3A_442 = tpu.memref_squeeze %dma_start3A_441 : memref<1x80xi32, #tpu.memory_space<vmem>> -> memref<80xi32, #tpu.memory_space<vmem>>
        %dma_start3A_443 = arith.constant 0 : i32
        %dma_start3A_444 = arith.constant 0 : i32
        %dma_start3A_445 = tpu.memref_slice %arg15[%dma_start3A_443, %dma_start3A_444] : memref<10240x128xf32, #tpu.memory_space<vmem_shared>> -> memref<10240x128xf32, #tpu.memory_space<vmem_shared>>
        tpu.enqueue_indirect_dma source(%arg9 : memref<80x128xf32, #tpu.memory_space<vmem>>) target(%dma_start3A_445 : memref<10240x128xf32, #tpu.memory_space<vmem_shared>>) offsets(%dma_start3A_442 : memref<80xi32, #tpu.memory_space<vmem>>) semaphore(%arg23 : memref<!tpu.dma_semaphore, #tpu.memory_space<semaphore_mem>>) {add = true}
        %dma_start3A_446 = arith.constant 0 : i32
        %dma_start3A_447 = arith.constant 0 : i32
        %dma_start3A_448 = tpu.memref_slice %arg12[%dma_start3A_447] : memref<128xf32, #tpu.memory_space<vmem>> -> memref<80xf32, #tpu.memory_space<vmem>>
        %dma_start3A_449 = arith.constant 0 : i32
        %dma_start3A_450 = tpu.memref_slice %arg8[%dma_start3A_446, %dma_start3A_449] : memref<6x80xi32, #tpu.memory_space<vmem>> -> memref<1x80xi32, #tpu.memory_space<vmem>>
        %dma_start3A_451 = tpu.memref_squeeze %dma_start3A_450 : memref<1x80xi32, #tpu.memory_space<vmem>> -> memref<80xi32, #tpu.memory_space<vmem>>
        %dma_start3A_452 = arith.constant 0 : i32
        %dma_start3A_453 = tpu.memref_slice %arg16[%dma_start3A_452] : memref<10240xf32, #tpu.memory_space<vmem_shared>> -> memref<10240xf32, #tpu.memory_space<vmem_shared>>
        tpu.enqueue_indirect_dma source(%dma_start3A_448 : memref<80xf32, #tpu.memory_space<vmem>>) target(%dma_start3A_453 : memref<10240xf32, #tpu.memory_space<vmem_shared>>) offsets(%dma_start3A_451 : memref<80xi32, #tpu.memory_space<vmem>>) semaphore(%arg24 : memref<!tpu.dma_semaphore, #tpu.memory_space<semaphore_mem>>) {add = true}
      } else {
      }
      %add3A_287 = arith.constant 1 : i32
      %add3A_288 = arith.addi %mul3A_263, %add3A_287 : i32
      %ge3A_289 = arith.constant 1 : i32
      %ge3A_290 = arith.cmpi sge, %add3A_288, %ge3A_289 : i32
      %le3A_291 = arith.constant 125 : i32
      %le3A_292 = arith.cmpi sle, %add3A_288, %le3A_291 : i32
      %and3A_293 = arith.andi %ge3A_290, %le3A_292 : i1
      %convert_element_type3A_294 = arith.extui %and3A_293 : i1 to i32
      %cond3A_295 = arith.constant 0 : i32
      %cond3A_296 = arith.cmpi ne, %convert_element_type3A_294, %cond3A_295 : i32
      scf.if %cond3A_296 {
        %dma_wait3A_432 = arith.constant 0 : i32
        %dma_wait3A_433 = arith.constant 0 : i32
        %dma_wait3A_434 = tpu.memref_slice %arg8[%dma_wait3A_432, %dma_wait3A_433] : memref<6x80xi32, #tpu.memory_space<vmem>> -> memref<1x80xi32, #tpu.memory_space<vmem>>
        %dma_wait3A_435 = tpu.memref_squeeze %dma_wait3A_434 : memref<1x80xi32, #tpu.memory_space<vmem>> -> memref<80xi32, #tpu.memory_space<vmem>>
        %dma_wait3A_436 = arith.constant 0 : i32
        %dma_wait3A_437 = arith.constant 0 : i32
        %dma_wait3A_438 = tpu.memref_slice %arg15[%dma_wait3A_436, %dma_wait3A_437] : memref<10240x128xf32, #tpu.memory_space<vmem_shared>> -> memref<10240x128xf32, #tpu.memory_space<vmem_shared>>
        tpu.wait_indirect_dma semaphore(%arg23 : memref<!tpu.dma_semaphore, #tpu.memory_space<semaphore_mem>>) src(%arg9 : memref<80x128xf32, #tpu.memory_space<vmem>>) dst(%dma_wait3A_438 : memref<10240x128xf32, #tpu.memory_space<vmem_shared>>)
        %dma_wait3A_439 = arith.constant 0 : i32
        %dma_wait3A_440 = arith.constant 0 : i32
        %dma_wait3A_441 = tpu.memref_slice %arg12[%dma_wait3A_440] : memref<128xf32, #tpu.memory_space<vmem>> -> memref<80xf32, #tpu.memory_space<vmem>>
        %dma_wait3A_442 = arith.constant 0 : i32
        %dma_wait3A_443 = tpu.memref_slice %arg8[%dma_wait3A_439, %dma_wait3A_442] : memref<6x80xi32, #tpu.memory_space<vmem>> -> memref<1x80xi32, #tpu.memory_space<vmem>>
        %dma_wait3A_444 = tpu.memref_squeeze %dma_wait3A_443 : memref<1x80xi32, #tpu.memory_space<vmem>> -> memref<80xi32, #tpu.memory_space<vmem>>
        %dma_wait3A_445 = arith.constant 0 : i32
        %dma_wait3A_446 = tpu.memref_slice %arg16[%dma_wait3A_445] : memref<10240xf32, #tpu.memory_space<vmem_shared>> -> memref<10240xf32, #tpu.memory_space<vmem_shared>>
        tpu.wait_indirect_dma semaphore(%arg24 : memref<!tpu.dma_semaphore, #tpu.memory_space<semaphore_mem>>) src(%dma_wait3A_441 : memref<80xf32, #tpu.memory_space<vmem>>) dst(%dma_wait3A_446 : memref<10240xf32, #tpu.memory_space<vmem_shared>>)
      } else {
      }
      %add3A_297 = arith.constant 5 : i32
      %add3A_298 = arith.addi %add3A_288, %add3A_297 : i32
      %lt3A_299 = arith.constant 125 : i32
      %lt3A_300 = arith.cmpi slt, %add3A_298, %lt3A_299 : i32
      %convert_element_type3A_301 = arith.extui %lt3A_300 : i1 to i32
      %cond3A_302 = arith.constant 0 : i32
      %cond3A_303 = arith.cmpi ne, %convert_element_type3A_301, %cond3A_302 : i32
      scf.if %cond3A_303 {
        %add3A_432 = arith.constant 5 : i32
        %add3A_433 = arith.addi %add3A_288, %add3A_432 : i32
        %mul3A_434 = arith.constant 10000 : i32
        %mul3A_435 = arith.muli %add3A, %mul3A_434 : i32
        %mul3A_436 = arith.constant 80 : i32
        %mul3A_437 = arith.muli %add3A_433, %mul3A_436 : i32
        %add3A_438 = arith.addi %mul3A_435, %mul3A_437 : i32
        %dma_start3A_439 = arith.constant 0 : i32
        %dma_start3A_440 = arith.constant 0 : i32
        %dma_start3A_441 = tpu.memref_slice %arg7[%dma_start3A_439, %dma_start3A_440] : memref<6x80xi32, #tpu.memory_space<vmem>> -> memref<1x80xi32, #tpu.memory_space<vmem>>
        %dma_start3A_442 = tpu.memref_squeeze %dma_start3A_441 : memref<1x80xi32, #tpu.memory_space<vmem>> -> memref<80xi32, #tpu.memory_space<vmem>>
        %dma_start3A_443 = tpu.memref_slice %arg3[%add3A_438] : memref<320000xi32, #tpu.memory_space<hbm>> -> memref<80xi32, #tpu.memory_space<hbm>>
        %dma_start3A_444 = arith.constant 0 : i32
        %dma_start3A_445 = tpu.memref_slice %arg7[%dma_start3A_439, %dma_start3A_444] : memref<6x80xi32, #tpu.memory_space<vmem>> -> memref<1x80xi32, #tpu.memory_space<vmem>>
        %dma_start3A_446 = tpu.memref_squeeze %dma_start3A_445 : memref<1x80xi32, #tpu.memory_space<vmem>> -> memref<80xi32, #tpu.memory_space<vmem>>
        %dma_start3A_447 = tpu.memref_slice %arg3[%add3A_438] : memref<320000xi32, #tpu.memory_space<hbm>> -> memref<80xi32, #tpu.memory_space<hbm>>
        tpu.enqueue_dma source(%dma_start3A_447 : memref<80xi32, #tpu.memory_space<hbm>>) target(%dma_start3A_446 : memref<80xi32, #tpu.memory_space<vmem>>) target_semaphore(%arg20 : memref<!tpu.dma_semaphore, #tpu.memory_space<semaphore_mem>>)
        %dma_start3A_448 = arith.constant 0 : i32
        %dma_start3A_449 = arith.constant 0 : i32
        %dma_start3A_450 = tpu.memref_slice %arg8[%dma_start3A_448, %dma_start3A_449] : memref<6x80xi32, #tpu.memory_space<vmem>> -> memref<1x80xi32, #tpu.memory_space<vmem>>
        %dma_start3A_451 = tpu.memref_squeeze %dma_start3A_450 : memref<1x80xi32, #tpu.memory_space<vmem>> -> memref<80xi32, #tpu.memory_space<vmem>>
        %dma_start3A_452 = tpu.memref_slice %arg4[%add3A_438] : memref<320000xi32, #tpu.memory_space<hbm>> -> memref<80xi32, #tpu.memory_space<hbm>>
        %dma_start3A_453 = arith.constant 0 : i32
        %dma_start3A_454 = tpu.memref_slice %arg8[%dma_start3A_448, %dma_start3A_453] : memref<6x80xi32, #tpu.memory_space<vmem>> -> memref<1x80xi32, #tpu.memory_space<vmem>>
        %dma_start3A_455 = tpu.memref_squeeze %dma_start3A_454 : memref<1x80xi32, #tpu.memory_space<vmem>> -> memref<80xi32, #tpu.memory_space<vmem>>
        %dma_start3A_456 = tpu.memref_slice %arg4[%add3A_438] : memref<320000xi32, #tpu.memory_space<hbm>> -> memref<80xi32, #tpu.memory_space<hbm>>
        tpu.enqueue_dma source(%dma_start3A_456 : memref<80xi32, #tpu.memory_space<hbm>>) target(%dma_start3A_455 : memref<80xi32, #tpu.memory_space<vmem>>) target_semaphore(%arg20 : memref<!tpu.dma_semaphore, #tpu.memory_space<semaphore_mem>>)
      } else {
      }
      %add3A_304 = arith.constant 2 : i32
      %add3A_305 = arith.addi %add3A_288, %add3A_304 : i32
      %lt3A_306 = arith.constant 125 : i32
      %lt3A_307 = arith.cmpi slt, %add3A_305, %lt3A_306 : i32
      %convert_element_type3A_308 = arith.extui %lt3A_307 : i1 to i32
      %cond3A_309 = arith.constant 0 : i32
      %cond3A_310 = arith.cmpi ne, %convert_element_type3A_308, %cond3A_309 : i32
      scf.if %cond3A_310 {
        %dma_wait3A_432 = arith.constant 3 : i32
        %dma_wait3A_433 = arith.constant 0 : i32
        %dma_wait3A_434 = tpu.memref_slice %arg7[%dma_wait3A_432, %dma_wait3A_433] : memref<6x80xi32, #tpu.memory_space<vmem>> -> memref<1x80xi32, #tpu.memory_space<vmem>>
        %dma_wait3A_435 = tpu.memref_squeeze %dma_wait3A_434 : memref<1x80xi32, #tpu.memory_space<vmem>> -> memref<80xi32, #tpu.memory_space<vmem>>
        %dma_wait3A_436 = arith.constant 0 : i32
        %dma_wait3A_437 = tpu.memref_slice %arg3[%dma_wait3A_436] : memref<320000xi32, #tpu.memory_space<hbm>> -> memref<80xi32, #tpu.memory_space<hbm>>
        %dma_wait3A_438 = arith.constant 0 : i32
        %dma_wait3A_439 = tpu.memref_slice %arg7[%dma_wait3A_432, %dma_wait3A_438] : memref<6x80xi32, #tpu.memory_space<vmem>> -> memref<1x80xi32, #tpu.memory_space<vmem>>
        %dma_wait3A_440 = tpu.memref_squeeze %dma_wait3A_439 : memref<1x80xi32, #tpu.memory_space<vmem>> -> memref<80xi32, #tpu.memory_space<vmem>>
        %dma_wait3A_441 = arith.constant 0 : i32
        %dma_wait3A_442 = tpu.memref_slice %arg3[%dma_wait3A_441] : memref<320000xi32, #tpu.memory_space<hbm>> -> memref<80xi32, #tpu.memory_space<hbm>>
        tpu.wait_dma2 semaphore(%arg20 : memref<!tpu.dma_semaphore, #tpu.memory_space<semaphore_mem>>) src(%dma_wait3A_442 : memref<80xi32, #tpu.memory_space<hbm>>) dst(%dma_wait3A_440 : memref<80xi32, #tpu.memory_space<vmem>>)
        %dma_wait3A_443 = arith.constant 3 : i32
        %dma_wait3A_444 = arith.constant 0 : i32
        %dma_wait3A_445 = tpu.memref_slice %arg8[%dma_wait3A_443, %dma_wait3A_444] : memref<6x80xi32, #tpu.memory_space<vmem>> -> memref<1x80xi32, #tpu.memory_space<vmem>>
        %dma_wait3A_446 = tpu.memref_squeeze %dma_wait3A_445 : memref<1x80xi32, #tpu.memory_space<vmem>> -> memref<80xi32, #tpu.memory_space<vmem>>
        %dma_wait3A_447 = arith.constant 0 : i32
        %dma_wait3A_448 = tpu.memref_slice %arg4[%dma_wait3A_447] : memref<320000xi32, #tpu.memory_space<hbm>> -> memref<80xi32, #tpu.memory_space<hbm>>
        %dma_wait3A_449 = arith.constant 0 : i32
        %dma_wait3A_450 = tpu.memref_slice %arg8[%dma_wait3A_443, %dma_wait3A_449] : memref<6x80xi32, #tpu.memory_space<vmem>> -> memref<1x80xi32, #tpu.memory_space<vmem>>
        %dma_wait3A_451 = tpu.memref_squeeze %dma_wait3A_450 : memref<1x80xi32, #tpu.memory_space<vmem>> -> memref<80xi32, #tpu.memory_space<vmem>>
        %dma_wait3A_452 = arith.constant 0 : i32
        %dma_wait3A_453 = tpu.memref_slice %arg4[%dma_wait3A_452] : memref<320000xi32, #tpu.memory_space<hbm>> -> memref<80xi32, #tpu.memory_space<hbm>>
        tpu.wait_dma2 semaphore(%arg20 : memref<!tpu.dma_semaphore, #tpu.memory_space<semaphore_mem>>) src(%dma_wait3A_453 : memref<80xi32, #tpu.memory_space<hbm>>) dst(%dma_wait3A_451 : memref<80xi32, #tpu.memory_space<vmem>>)
        %dma_start3A_454 = arith.constant 3 : i32
        %dma_start3A_455 = arith.constant 0 : i32
        %dma_start3A_456 = tpu.memref_slice %arg7[%dma_start3A_454, %dma_start3A_455] : memref<6x80xi32, #tpu.memory_space<vmem>> -> memref<1x80xi32, #tpu.memory_space<vmem>>
        %dma_start3A_457 = tpu.memref_squeeze %dma_start3A_456 : memref<1x80xi32, #tpu.memory_space<vmem>> -> memref<80xi32, #tpu.memory_space<vmem>>
        %dma_start3A_458 = arith.constant 0 : i32
        %dma_start3A_459 = arith.constant 0 : i32
        %dma_start3A_460 = tpu.memref_slice %arg2[%dma_start3A_458, %dma_start3A_459] : memref<10000x128xf32, #tpu.memory_space<hbm>> -> memref<10000x128xf32, #tpu.memory_space<hbm>>
        tpu.enqueue_indirect_dma source(%dma_start3A_460 : memref<10000x128xf32, #tpu.memory_space<hbm>>) target(%arg9 : memref<80x128xf32, #tpu.memory_space<vmem>>) offsets(%dma_start3A_457 : memref<80xi32, #tpu.memory_space<vmem>>) semaphore(%arg17 : memref<!tpu.dma_semaphore, #tpu.memory_space<semaphore_mem>>)
      } else {
      }
      %lt3A_311 = arith.constant 125 : i32
      %lt3A_312 = arith.cmpi slt, %add3A_288, %lt3A_311 : i32
      %convert_element_type3A_313 = arith.extui %lt3A_312 : i1 to i32
      %cond3A_314 = arith.constant 0 : i32
      %cond3A_315 = arith.cmpi ne, %convert_element_type3A_313, %cond3A_314 : i32
      scf.if %cond3A_315 {
        %dma_wait3A_432 = arith.constant 1 : i32
        %dma_wait3A_433 = arith.constant 0 : i32
        %dma_wait3A_434 = tpu.memref_slice %arg7[%dma_wait3A_432, %dma_wait3A_433] : memref<6x80xi32, #tpu.memory_space<vmem>> -> memref<1x80xi32, #tpu.memory_space<vmem>>
        %dma_wait3A_435 = tpu.memref_squeeze %dma_wait3A_434 : memref<1x80xi32, #tpu.memory_space<vmem>> -> memref<80xi32, #tpu.memory_space<vmem>>
        %dma_wait3A_436 = arith.constant 0 : i32
        %dma_wait3A_437 = arith.constant 0 : i32
        %dma_wait3A_438 = tpu.memref_slice %arg2[%dma_wait3A_436, %dma_wait3A_437] : memref<10000x128xf32, #tpu.memory_space<hbm>> -> memref<10000x128xf32, #tpu.memory_space<hbm>>
        tpu.wait_indirect_dma semaphore(%arg18 : memref<!tpu.dma_semaphore, #tpu.memory_space<semaphore_mem>>) src(%dma_wait3A_438 : memref<10000x128xf32, #tpu.memory_space<hbm>>) dst(%arg10 : memref<80x128xf32, #tpu.memory_space<vmem>>)
        %dma_start3A_439 = arith.constant 1 : i32
        %dma_start3A_440 = arith.constant 0 : i32
        %dma_start3A_441 = tpu.memref_slice %arg8[%dma_start3A_439, %dma_start3A_440] : memref<6x80xi32, #tpu.memory_space<vmem>> -> memref<1x80xi32, #tpu.memory_space<vmem>>
        %dma_start3A_442 = tpu.memref_squeeze %dma_start3A_441 : memref<1x80xi32, #tpu.memory_space<vmem>> -> memref<80xi32, #tpu.memory_space<vmem>>
        %dma_start3A_443 = arith.constant 0 : i32
        %dma_start3A_444 = arith.constant 0 : i32
        %dma_start3A_445 = tpu.memref_slice %arg15[%dma_start3A_443, %dma_start3A_444] : memref<10240x128xf32, #tpu.memory_space<vmem_shared>> -> memref<10240x128xf32, #tpu.memory_space<vmem_shared>>
        tpu.enqueue_indirect_dma source(%arg10 : memref<80x128xf32, #tpu.memory_space<vmem>>) target(%dma_start3A_445 : memref<10240x128xf32, #tpu.memory_space<vmem_shared>>) offsets(%dma_start3A_442 : memref<80xi32, #tpu.memory_space<vmem>>) semaphore(%arg23 : memref<!tpu.dma_semaphore, #tpu.memory_space<semaphore_mem>>) {add = true}
        %dma_start3A_446 = arith.constant 1 : i32
        %dma_start3A_447 = arith.constant 0 : i32
        %dma_start3A_448 = tpu.memref_slice %arg12[%dma_start3A_447] : memref<128xf32, #tpu.memory_space<vmem>> -> memref<80xf32, #tpu.memory_space<vmem>>
        %dma_start3A_449 = arith.constant 0 : i32
        %dma_start3A_450 = tpu.memref_slice %arg8[%dma_start3A_446, %dma_start3A_449] : memref<6x80xi32, #tpu.memory_space<vmem>> -> memref<1x80xi32, #tpu.memory_space<vmem>>
        %dma_start3A_451 = tpu.memref_squeeze %dma_start3A_450 : memref<1x80xi32, #tpu.memory_space<vmem>> -> memref<80xi32, #tpu.memory_space<vmem>>
        %dma_start3A_452 = arith.constant 0 : i32
        %dma_start3A_453 = tpu.memref_slice %arg16[%dma_start3A_452] : memref<10240xf32, #tpu.memory_space<vmem_shared>> -> memref<10240xf32, #tpu.memory_space<vmem_shared>>
        tpu.enqueue_indirect_dma source(%dma_start3A_448 : memref<80xf32, #tpu.memory_space<vmem>>) target(%dma_start3A_453 : memref<10240xf32, #tpu.memory_space<vmem_shared>>) offsets(%dma_start3A_451 : memref<80xi32, #tpu.memory_space<vmem>>) semaphore(%arg24 : memref<!tpu.dma_semaphore, #tpu.memory_space<semaphore_mem>>) {add = true}
      } else {
      }
      %add3A_316 = arith.constant 2 : i32
      %add3A_317 = arith.addi %mul3A_263, %add3A_316 : i32
      %ge3A_318 = arith.constant 1 : i32
      %ge3A_319 = arith.cmpi sge, %add3A_317, %ge3A_318 : i32
      %le3A_320 = arith.constant 125 : i32
      %le3A_321 = arith.cmpi sle, %add3A_317, %le3A_320 : i32
      %and3A_322 = arith.andi %ge3A_319, %le3A_321 : i1
      %convert_element_type3A_323 = arith.extui %and3A_322 : i1 to i32
      %cond3A_324 = arith.constant 0 : i32
      %cond3A_325 = arith.cmpi ne, %convert_element_type3A_323, %cond3A_324 : i32
      scf.if %cond3A_325 {
        %dma_wait3A_432 = arith.constant 1 : i32
        %dma_wait3A_433 = arith.constant 0 : i32
        %dma_wait3A_434 = tpu.memref_slice %arg8[%dma_wait3A_432, %dma_wait3A_433] : memref<6x80xi32, #tpu.memory_space<vmem>> -> memref<1x80xi32, #tpu.memory_space<vmem>>
        %dma_wait3A_435 = tpu.memref_squeeze %dma_wait3A_434 : memref<1x80xi32, #tpu.memory_space<vmem>> -> memref<80xi32, #tpu.memory_space<vmem>>
        %dma_wait3A_436 = arith.constant 0 : i32
        %dma_wait3A_437 = arith.constant 0 : i32
        %dma_wait3A_438 = tpu.memref_slice %arg15[%dma_wait3A_436, %dma_wait3A_437] : memref<10240x128xf32, #tpu.memory_space<vmem_shared>> -> memref<10240x128xf32, #tpu.memory_space<vmem_shared>>
        tpu.wait_indirect_dma semaphore(%arg23 : memref<!tpu.dma_semaphore, #tpu.memory_space<semaphore_mem>>) src(%arg10 : memref<80x128xf32, #tpu.memory_space<vmem>>) dst(%dma_wait3A_438 : memref<10240x128xf32, #tpu.memory_space<vmem_shared>>)
        %dma_wait3A_439 = arith.constant 1 : i32
        %dma_wait3A_440 = arith.constant 0 : i32
        %dma_wait3A_441 = tpu.memref_slice %arg12[%dma_wait3A_440] : memref<128xf32, #tpu.memory_space<vmem>> -> memref<80xf32, #tpu.memory_space<vmem>>
        %dma_wait3A_442 = arith.constant 0 : i32
        %dma_wait3A_443 = tpu.memref_slice %arg8[%dma_wait3A_439, %dma_wait3A_442] : memref<6x80xi32, #tpu.memory_space<vmem>> -> memref<1x80xi32, #tpu.memory_space<vmem>>
        %dma_wait3A_444 = tpu.memref_squeeze %dma_wait3A_443 : memref<1x80xi32, #tpu.memory_space<vmem>> -> memref<80xi32, #tpu.memory_space<vmem>>
        %dma_wait3A_445 = arith.constant 0 : i32
        %dma_wait3A_446 = tpu.memref_slice %arg16[%dma_wait3A_445] : memref<10240xf32, #tpu.memory_space<vmem_shared>> -> memref<10240xf32, #tpu.memory_space<vmem_shared>>
        tpu.wait_indirect_dma semaphore(%arg24 : memref<!tpu.dma_semaphore, #tpu.memory_space<semaphore_mem>>) src(%dma_wait3A_441 : memref<80xf32, #tpu.memory_space<vmem>>) dst(%dma_wait3A_446 : memref<10240xf32, #tpu.memory_space<vmem_shared>>)
      } else {
      }
      %add3A_326 = arith.constant 5 : i32
      %add3A_327 = arith.addi %add3A_317, %add3A_326 : i32
      %lt3A_328 = arith.constant 125 : i32
      %lt3A_329 = arith.cmpi slt, %add3A_327, %lt3A_328 : i32
      %convert_element_type3A_330 = arith.extui %lt3A_329 : i1 to i32
      %cond3A_331 = arith.constant 0 : i32
      %cond3A_332 = arith.cmpi ne, %convert_element_type3A_330, %cond3A_331 : i32
      scf.if %cond3A_332 {
        %add3A_432 = arith.constant 5 : i32
        %add3A_433 = arith.addi %add3A_317, %add3A_432 : i32
        %mul3A_434 = arith.constant 10000 : i32
        %mul3A_435 = arith.muli %add3A, %mul3A_434 : i32
        %mul3A_436 = arith.constant 80 : i32
        %mul3A_437 = arith.muli %add3A_433, %mul3A_436 : i32
        %add3A_438 = arith.addi %mul3A_435, %mul3A_437 : i32
        %dma_start3A_439 = arith.constant 1 : i32
        %dma_start3A_440 = arith.constant 0 : i32
        %dma_start3A_441 = tpu.memref_slice %arg7[%dma_start3A_439, %dma_start3A_440] : memref<6x80xi32, #tpu.memory_space<vmem>> -> memref<1x80xi32, #tpu.memory_space<vmem>>
        %dma_start3A_442 = tpu.memref_squeeze %dma_start3A_441 : memref<1x80xi32, #tpu.memory_space<vmem>> -> memref<80xi32, #tpu.memory_space<vmem>>
        %dma_start3A_443 = tpu.memref_slice %arg3[%add3A_438] : memref<320000xi32, #tpu.memory_space<hbm>> -> memref<80xi32, #tpu.memory_space<hbm>>
        %dma_start3A_444 = arith.constant 0 : i32
        %dma_start3A_445 = tpu.memref_slice %arg7[%dma_start3A_439, %dma_start3A_444] : memref<6x80xi32, #tpu.memory_space<vmem>> -> memref<1x80xi32, #tpu.memory_space<vmem>>
        %dma_start3A_446 = tpu.memref_squeeze %dma_start3A_445 : memref<1x80xi32, #tpu.memory_space<vmem>> -> memref<80xi32, #tpu.memory_space<vmem>>
        %dma_start3A_447 = tpu.memref_slice %arg3[%add3A_438] : memref<320000xi32, #tpu.memory_space<hbm>> -> memref<80xi32, #tpu.memory_space<hbm>>
        tpu.enqueue_dma source(%dma_start3A_447 : memref<80xi32, #tpu.memory_space<hbm>>) target(%dma_start3A_446 : memref<80xi32, #tpu.memory_space<vmem>>) target_semaphore(%arg21 : memref<!tpu.dma_semaphore, #tpu.memory_space<semaphore_mem>>)
        %dma_start3A_448 = arith.constant 1 : i32
        %dma_start3A_449 = arith.constant 0 : i32
        %dma_start3A_450 = tpu.memref_slice %arg8[%dma_start3A_448, %dma_start3A_449] : memref<6x80xi32, #tpu.memory_space<vmem>> -> memref<1x80xi32, #tpu.memory_space<vmem>>
        %dma_start3A_451 = tpu.memref_squeeze %dma_start3A_450 : memref<1x80xi32, #tpu.memory_space<vmem>> -> memref<80xi32, #tpu.memory_space<vmem>>
        %dma_start3A_452 = tpu.memref_slice %arg4[%add3A_438] : memref<320000xi32, #tpu.memory_space<hbm>> -> memref<80xi32, #tpu.memory_space<hbm>>
        %dma_start3A_453 = arith.constant 0 : i32
        %dma_start3A_454 = tpu.memref_slice %arg8[%dma_start3A_448, %dma_start3A_453] : memref<6x80xi32, #tpu.memory_space<vmem>> -> memref<1x80xi32, #tpu.memory_space<vmem>>
        %dma_start3A_455 = tpu.memref_squeeze %dma_start3A_454 : memref<1x80xi32, #tpu.memory_space<vmem>> -> memref<80xi32, #tpu.memory_space<vmem>>
        %dma_start3A_456 = tpu.memref_slice %arg4[%add3A_438] : memref<320000xi32, #tpu.memory_space<hbm>> -> memref<80xi32, #tpu.memory_space<hbm>>
        tpu.enqueue_dma source(%dma_start3A_456 : memref<80xi32, #tpu.memory_space<hbm>>) target(%dma_start3A_455 : memref<80xi32, #tpu.memory_space<vmem>>) target_semaphore(%arg21 : memref<!tpu.dma_semaphore, #tpu.memory_space<semaphore_mem>>)
      } else {
      }
      %add3A_333 = arith.constant 2 : i32
      %add3A_334 = arith.addi %add3A_317, %add3A_333 : i32
      %lt3A_335 = arith.constant 125 : i32
      %lt3A_336 = arith.cmpi slt, %add3A_334, %lt3A_335 : i32
      %convert_element_type3A_337 = arith.extui %lt3A_336 : i1 to i32
      %cond3A_338 = arith.constant 0 : i32
      %cond3A_339 = arith.cmpi ne, %convert_element_type3A_337, %cond3A_338 : i32
      scf.if %cond3A_339 {
        %dma_wait3A_432 = arith.constant 4 : i32
        %dma_wait3A_433 = arith.constant 0 : i32
        %dma_wait3A_434 = tpu.memref_slice %arg7[%dma_wait3A_432, %dma_wait3A_433] : memref<6x80xi32, #tpu.memory_space<vmem>> -> memref<1x80xi32, #tpu.memory_space<vmem>>
        %dma_wait3A_435 = tpu.memref_squeeze %dma_wait3A_434 : memref<1x80xi32, #tpu.memory_space<vmem>> -> memref<80xi32, #tpu.memory_space<vmem>>
        %dma_wait3A_436 = arith.constant 0 : i32
        %dma_wait3A_437 = tpu.memref_slice %arg3[%dma_wait3A_436] : memref<320000xi32, #tpu.memory_space<hbm>> -> memref<80xi32, #tpu.memory_space<hbm>>
        %dma_wait3A_438 = arith.constant 0 : i32
        %dma_wait3A_439 = tpu.memref_slice %arg7[%dma_wait3A_432, %dma_wait3A_438] : memref<6x80xi32, #tpu.memory_space<vmem>> -> memref<1x80xi32, #tpu.memory_space<vmem>>
        %dma_wait3A_440 = tpu.memref_squeeze %dma_wait3A_439 : memref<1x80xi32, #tpu.memory_space<vmem>> -> memref<80xi32, #tpu.memory_space<vmem>>
        %dma_wait3A_441 = arith.constant 0 : i32
        %dma_wait3A_442 = tpu.memref_slice %arg3[%dma_wait3A_441] : memref<320000xi32, #tpu.memory_space<hbm>> -> memref<80xi32, #tpu.memory_space<hbm>>
        tpu.wait_dma2 semaphore(%arg21 : memref<!tpu.dma_semaphore, #tpu.memory_space<semaphore_mem>>) src(%dma_wait3A_442 : memref<80xi32, #tpu.memory_space<hbm>>) dst(%dma_wait3A_440 : memref<80xi32, #tpu.memory_space<vmem>>)
        %dma_wait3A_443 = arith.constant 4 : i32
        %dma_wait3A_444 = arith.constant 0 : i32
        %dma_wait3A_445 = tpu.memref_slice %arg8[%dma_wait3A_443, %dma_wait3A_444] : memref<6x80xi32, #tpu.memory_space<vmem>> -> memref<1x80xi32, #tpu.memory_space<vmem>>
        %dma_wait3A_446 = tpu.memref_squeeze %dma_wait3A_445 : memref<1x80xi32, #tpu.memory_space<vmem>> -> memref<80xi32, #tpu.memory_space<vmem>>
        %dma_wait3A_447 = arith.constant 0 : i32
        %dma_wait3A_448 = tpu.memref_slice %arg4[%dma_wait3A_447] : memref<320000xi32, #tpu.memory_space<hbm>> -> memref<80xi32, #tpu.memory_space<hbm>>
        %dma_wait3A_449 = arith.constant 0 : i32
        %dma_wait3A_450 = tpu.memref_slice %arg8[%dma_wait3A_443, %dma_wait3A_449] : memref<6x80xi32, #tpu.memory_space<vmem>> -> memref<1x80xi32, #tpu.memory_space<vmem>>
        %dma_wait3A_451 = tpu.memref_squeeze %dma_wait3A_450 : memref<1x80xi32, #tpu.memory_space<vmem>> -> memref<80xi32, #tpu.memory_space<vmem>>
        %dma_wait3A_452 = arith.constant 0 : i32
        %dma_wait3A_453 = tpu.memref_slice %arg4[%dma_wait3A_452] : memref<320000xi32, #tpu.memory_space<hbm>> -> memref<80xi32, #tpu.memory_space<hbm>>
        tpu.wait_dma2 semaphore(%arg21 : memref<!tpu.dma_semaphore, #tpu.memory_space<semaphore_mem>>) src(%dma_wait3A_453 : memref<80xi32, #tpu.memory_space<hbm>>) dst(%dma_wait3A_451 : memref<80xi32, #tpu.memory_space<vmem>>)
        %dma_start3A_454 = arith.constant 4 : i32
        %dma_start3A_455 = arith.constant 0 : i32
        %dma_start3A_456 = tpu.memref_slice %arg7[%dma_start3A_454, %dma_start3A_455] : memref<6x80xi32, #tpu.memory_space<vmem>> -> memref<1x80xi32, #tpu.memory_space<vmem>>
        %dma_start3A_457 = tpu.memref_squeeze %dma_start3A_456 : memref<1x80xi32, #tpu.memory_space<vmem>> -> memref<80xi32, #tpu.memory_space<vmem>>
        %dma_start3A_458 = arith.constant 0 : i32
        %dma_start3A_459 = arith.constant 0 : i32
        %dma_start3A_460 = tpu.memref_slice %arg2[%dma_start3A_458, %dma_start3A_459] : memref<10000x128xf32, #tpu.memory_space<hbm>> -> memref<10000x128xf32, #tpu.memory_space<hbm>>
        tpu.enqueue_indirect_dma source(%dma_start3A_460 : memref<10000x128xf32, #tpu.memory_space<hbm>>) target(%arg10 : memref<80x128xf32, #tpu.memory_space<vmem>>) offsets(%dma_start3A_457 : memref<80xi32, #tpu.memory_space<vmem>>) semaphore(%arg18 : memref<!tpu.dma_semaphore, #tpu.memory_space<semaphore_mem>>)
      } else {
      }
      %lt3A_340 = arith.constant 125 : i32
      %lt3A_341 = arith.cmpi slt, %add3A_317, %lt3A_340 : i32
      %convert_element_type3A_342 = arith.extui %lt3A_341 : i1 to i32
      %cond3A_343 = arith.constant 0 : i32
      %cond3A_344 = arith.cmpi ne, %convert_element_type3A_342, %cond3A_343 : i32
      scf.if %cond3A_344 {
        %dma_wait3A_432 = arith.constant 2 : i32
        %dma_wait3A_433 = arith.constant 0 : i32
        %dma_wait3A_434 = tpu.memref_slice %arg7[%dma_wait3A_432, %dma_wait3A_433] : memref<6x80xi32, #tpu.memory_space<vmem>> -> memref<1x80xi32, #tpu.memory_space<vmem>>
        %dma_wait3A_435 = tpu.memref_squeeze %dma_wait3A_434 : memref<1x80xi32, #tpu.memory_space<vmem>> -> memref<80xi32, #tpu.memory_space<vmem>>
        %dma_wait3A_436 = arith.constant 0 : i32
        %dma_wait3A_437 = arith.constant 0 : i32
        %dma_wait3A_438 = tpu.memref_slice %arg2[%dma_wait3A_436, %dma_wait3A_437] : memref<10000x128xf32, #tpu.memory_space<hbm>> -> memref<10000x128xf32, #tpu.memory_space<hbm>>
        tpu.wait_indirect_dma semaphore(%arg19 : memref<!tpu.dma_semaphore, #tpu.memory_space<semaphore_mem>>) src(%dma_wait3A_438 : memref<10000x128xf32, #tpu.memory_space<hbm>>) dst(%arg11 : memref<80x128xf32, #tpu.memory_space<vmem>>)
        %dma_start3A_439 = arith.constant 2 : i32
        %dma_start3A_440 = arith.constant 0 : i32
        %dma_start3A_441 = tpu.memref_slice %arg8[%dma_start3A_439, %dma_start3A_440] : memref<6x80xi32, #tpu.memory_space<vmem>> -> memref<1x80xi32, #tpu.memory_space<vmem>>
        %dma_start3A_442 = tpu.memref_squeeze %dma_start3A_441 : memref<1x80xi32, #tpu.memory_space<vmem>> -> memref<80xi32, #tpu.memory_space<vmem>>
        %dma_start3A_443 = arith.constant 0 : i32
        %dma_start3A_444 = arith.constant 0 : i32
        %dma_start3A_445 = tpu.memref_slice %arg15[%dma_start3A_443, %dma_start3A_444] : memref<10240x128xf32, #tpu.memory_space<vmem_shared>> -> memref<10240x128xf32, #tpu.memory_space<vmem_shared>>
        tpu.enqueue_indirect_dma source(%arg11 : memref<80x128xf32, #tpu.memory_space<vmem>>) target(%dma_start3A_445 : memref<10240x128xf32, #tpu.memory_space<vmem_shared>>) offsets(%dma_start3A_442 : memref<80xi32, #tpu.memory_space<vmem>>) semaphore(%arg23 : memref<!tpu.dma_semaphore, #tpu.memory_space<semaphore_mem>>) {add = true}
        %dma_start3A_446 = arith.constant 2 : i32
        %dma_start3A_447 = arith.constant 0 : i32
        %dma_start3A_448 = tpu.memref_slice %arg12[%dma_start3A_447] : memref<128xf32, #tpu.memory_space<vmem>> -> memref<80xf32, #tpu.memory_space<vmem>>
        %dma_start3A_449 = arith.constant 0 : i32
        %dma_start3A_450 = tpu.memref_slice %arg8[%dma_start3A_446, %dma_start3A_449] : memref<6x80xi32, #tpu.memory_space<vmem>> -> memref<1x80xi32, #tpu.memory_space<vmem>>
        %dma_start3A_451 = tpu.memref_squeeze %dma_start3A_450 : memref<1x80xi32, #tpu.memory_space<vmem>> -> memref<80xi32, #tpu.memory_space<vmem>>
        %dma_start3A_452 = arith.constant 0 : i32
        %dma_start3A_453 = tpu.memref_slice %arg16[%dma_start3A_452] : memref<10240xf32, #tpu.memory_space<vmem_shared>> -> memref<10240xf32, #tpu.memory_space<vmem_shared>>
        tpu.enqueue_indirect_dma source(%dma_start3A_448 : memref<80xf32, #tpu.memory_space<vmem>>) target(%dma_start3A_453 : memref<10240xf32, #tpu.memory_space<vmem_shared>>) offsets(%dma_start3A_451 : memref<80xi32, #tpu.memory_space<vmem>>) semaphore(%arg24 : memref<!tpu.dma_semaphore, #tpu.memory_space<semaphore_mem>>) {add = true}
      } else {
      }
      %add3A_345 = arith.constant 3 : i32
      %add3A_346 = arith.addi %mul3A_263, %add3A_345 : i32
      %ge3A_347 = arith.constant 1 : i32
      %ge3A_348 = arith.cmpi sge, %add3A_346, %ge3A_347 : i32
      %le3A_349 = arith.constant 125 : i32
      %le3A_350 = arith.cmpi sle, %add3A_346, %le3A_349 : i32
      %and3A_351 = arith.andi %ge3A_348, %le3A_350 : i1
      %convert_element_type3A_352 = arith.extui %and3A_351 : i1 to i32
      %cond3A_353 = arith.constant 0 : i32
      %cond3A_354 = arith.cmpi ne, %convert_element_type3A_352, %cond3A_353 : i32
      scf.if %cond3A_354 {
        %dma_wait3A_432 = arith.constant 2 : i32
        %dma_wait3A_433 = arith.constant 0 : i32
        %dma_wait3A_434 = tpu.memref_slice %arg8[%dma_wait3A_432, %dma_wait3A_433] : memref<6x80xi32, #tpu.memory_space<vmem>> -> memref<1x80xi32, #tpu.memory_space<vmem>>
        %dma_wait3A_435 = tpu.memref_squeeze %dma_wait3A_434 : memref<1x80xi32, #tpu.memory_space<vmem>> -> memref<80xi32, #tpu.memory_space<vmem>>
        %dma_wait3A_436 = arith.constant 0 : i32
        %dma_wait3A_437 = arith.constant 0 : i32
        %dma_wait3A_438 = tpu.memref_slice %arg15[%dma_wait3A_436, %dma_wait3A_437] : memref<10240x128xf32, #tpu.memory_space<vmem_shared>> -> memref<10240x128xf32, #tpu.memory_space<vmem_shared>>
        tpu.wait_indirect_dma semaphore(%arg23 : memref<!tpu.dma_semaphore, #tpu.memory_space<semaphore_mem>>) src(%arg11 : memref<80x128xf32, #tpu.memory_space<vmem>>) dst(%dma_wait3A_438 : memref<10240x128xf32, #tpu.memory_space<vmem_shared>>)
        %dma_wait3A_439 = arith.constant 2 : i32
        %dma_wait3A_440 = arith.constant 0 : i32
        %dma_wait3A_441 = tpu.memref_slice %arg12[%dma_wait3A_440] : memref<128xf32, #tpu.memory_space<vmem>> -> memref<80xf32, #tpu.memory_space<vmem>>
        %dma_wait3A_442 = arith.constant 0 : i32
        %dma_wait3A_443 = tpu.memref_slice %arg8[%dma_wait3A_439, %dma_wait3A_442] : memref<6x80xi32, #tpu.memory_space<vmem>> -> memref<1x80xi32, #tpu.memory_space<vmem>>
        %dma_wait3A_444 = tpu.memref_squeeze %dma_wait3A_443 : memref<1x80xi32, #tpu.memory_space<vmem>> -> memref<80xi32, #tpu.memory_space<vmem>>
        %dma_wait3A_445 = arith.constant 0 : i32
        %dma_wait3A_446 = tpu.memref_slice %arg16[%dma_wait3A_445] : memref<10240xf32, #tpu.memory_space<vmem_shared>> -> memref<10240xf32, #tpu.memory_space<vmem_shared>>
        tpu.wait_indirect_dma semaphore(%arg24 : memref<!tpu.dma_semaphore, #tpu.memory_space<semaphore_mem>>) src(%dma_wait3A_441 : memref<80xf32, #tpu.memory_space<vmem>>) dst(%dma_wait3A_446 : memref<10240xf32, #tpu.memory_space<vmem_shared>>)
      } else {
      }
      %add3A_355 = arith.constant 5 : i32
      %add3A_356 = arith.addi %add3A_346, %add3A_355 : i32
      %lt3A_357 = arith.constant 125 : i32
      %lt3A_358 = arith.cmpi slt, %add3A_356, %lt3A_357 : i32
      %convert_element_type3A_359 = arith.extui %lt3A_358 : i1 to i32
      %cond3A_360 = arith.constant 0 : i32
      %cond3A_361 = arith.cmpi ne, %convert_element_type3A_359, %cond3A_360 : i32
      scf.if %cond3A_361 {
        %add3A_432 = arith.constant 5 : i32
        %add3A_433 = arith.addi %add3A_346, %add3A_432 : i32
        %mul3A_434 = arith.constant 10000 : i32
        %mul3A_435 = arith.muli %add3A, %mul3A_434 : i32
        %mul3A_436 = arith.constant 80 : i32
        %mul3A_437 = arith.muli %add3A_433, %mul3A_436 : i32
        %add3A_438 = arith.addi %mul3A_435, %mul3A_437 : i32
        %dma_start3A_439 = arith.constant 2 : i32
        %dma_start3A_440 = arith.constant 0 : i32
        %dma_start3A_441 = tpu.memref_slice %arg7[%dma_start3A_439, %dma_start3A_440] : memref<6x80xi32, #tpu.memory_space<vmem>> -> memref<1x80xi32, #tpu.memory_space<vmem>>
        %dma_start3A_442 = tpu.memref_squeeze %dma_start3A_441 : memref<1x80xi32, #tpu.memory_space<vmem>> -> memref<80xi32, #tpu.memory_space<vmem>>
        %dma_start3A_443 = tpu.memref_slice %arg3[%add3A_438] : memref<320000xi32, #tpu.memory_space<hbm>> -> memref<80xi32, #tpu.memory_space<hbm>>
        %dma_start3A_444 = arith.constant 0 : i32
        %dma_start3A_445 = tpu.memref_slice %arg7[%dma_start3A_439, %dma_start3A_444] : memref<6x80xi32, #tpu.memory_space<vmem>> -> memref<1x80xi32, #tpu.memory_space<vmem>>
        %dma_start3A_446 = tpu.memref_squeeze %dma_start3A_445 : memref<1x80xi32, #tpu.memory_space<vmem>> -> memref<80xi32, #tpu.memory_space<vmem>>
        %dma_start3A_447 = tpu.memref_slice %arg3[%add3A_438] : memref<320000xi32, #tpu.memory_space<hbm>> -> memref<80xi32, #tpu.memory_space<hbm>>
        tpu.enqueue_dma source(%dma_start3A_447 : memref<80xi32, #tpu.memory_space<hbm>>) target(%dma_start3A_446 : memref<80xi32, #tpu.memory_space<vmem>>) target_semaphore(%arg22 : memref<!tpu.dma_semaphore, #tpu.memory_space<semaphore_mem>>)
        %dma_start3A_448 = arith.constant 2 : i32
        %dma_start3A_449 = arith.constant 0 : i32
        %dma_start3A_450 = tpu.memref_slice %arg8[%dma_start3A_448, %dma_start3A_449] : memref<6x80xi32, #tpu.memory_space<vmem>> -> memref<1x80xi32, #tpu.memory_space<vmem>>
        %dma_start3A_451 = tpu.memref_squeeze %dma_start3A_450 : memref<1x80xi32, #tpu.memory_space<vmem>> -> memref<80xi32, #tpu.memory_space<vmem>>
        %dma_start3A_452 = tpu.memref_slice %arg4[%add3A_438] : memref<320000xi32, #tpu.memory_space<hbm>> -> memref<80xi32, #tpu.memory_space<hbm>>
        %dma_start3A_453 = arith.constant 0 : i32
        %dma_start3A_454 = tpu.memref_slice %arg8[%dma_start3A_448, %dma_start3A_453] : memref<6x80xi32, #tpu.memory_space<vmem>> -> memref<1x80xi32, #tpu.memory_space<vmem>>
        %dma_start3A_455 = tpu.memref_squeeze %dma_start3A_454 : memref<1x80xi32, #tpu.memory_space<vmem>> -> memref<80xi32, #tpu.memory_space<vmem>>
        %dma_start3A_456 = tpu.memref_slice %arg4[%add3A_438] : memref<320000xi32, #tpu.memory_space<hbm>> -> memref<80xi32, #tpu.memory_space<hbm>>
        tpu.enqueue_dma source(%dma_start3A_456 : memref<80xi32, #tpu.memory_space<hbm>>) target(%dma_start3A_455 : memref<80xi32, #tpu.memory_space<vmem>>) target_semaphore(%arg22 : memref<!tpu.dma_semaphore, #tpu.memory_space<semaphore_mem>>)
      } else {
      }
      %add3A_362 = arith.constant 2 : i32
      %add3A_363 = arith.addi %add3A_346, %add3A_362 : i32
      %lt3A_364 = arith.constant 125 : i32
      %lt3A_365 = arith.cmpi slt, %add3A_363, %lt3A_364 : i32
      %convert_element_type3A_366 = arith.extui %lt3A_365 : i1 to i32
      %cond3A_367 = arith.constant 0 : i32
      %cond3A_368 = arith.cmpi ne, %convert_element_type3A_366, %cond3A_367 : i32
      scf.if %cond3A_368 {
        %dma_wait3A_432 = arith.constant 5 : i32
        %dma_wait3A_433 = arith.constant 0 : i32
        %dma_wait3A_434 = tpu.memref_slice %arg7[%dma_wait3A_432, %dma_wait3A_433] : memref<6x80xi32, #tpu.memory_space<vmem>> -> memref<1x80xi32, #tpu.memory_space<vmem>>
        %dma_wait3A_435 = tpu.memref_squeeze %dma_wait3A_434 : memref<1x80xi32, #tpu.memory_space<vmem>> -> memref<80xi32, #tpu.memory_space<vmem>>
        %dma_wait3A_436 = arith.constant 0 : i32
        %dma_wait3A_437 = tpu.memref_slice %arg3[%dma_wait3A_436] : memref<320000xi32, #tpu.memory_space<hbm>> -> memref<80xi32, #tpu.memory_space<hbm>>
        %dma_wait3A_438 = arith.constant 0 : i32
        %dma_wait3A_439 = tpu.memref_slice %arg7[%dma_wait3A_432, %dma_wait3A_438] : memref<6x80xi32, #tpu.memory_space<vmem>> -> memref<1x80xi32, #tpu.memory_space<vmem>>
        %dma_wait3A_440 = tpu.memref_squeeze %dma_wait3A_439 : memref<1x80xi32, #tpu.memory_space<vmem>> -> memref<80xi32, #tpu.memory_space<vmem>>
        %dma_wait3A_441 = arith.constant 0 : i32
        %dma_wait3A_442 = tpu.memref_slice %arg3[%dma_wait3A_441] : memref<320000xi32, #tpu.memory_space<hbm>> -> memref<80xi32, #tpu.memory_space<hbm>>
        tpu.wait_dma2 semaphore(%arg22 : memref<!tpu.dma_semaphore, #tpu.memory_space<semaphore_mem>>) src(%dma_wait3A_442 : memref<80xi32, #tpu.memory_space<hbm>>) dst(%dma_wait3A_440 : memref<80xi32, #tpu.memory_space<vmem>>)
        %dma_wait3A_443 = arith.constant 5 : i32
        %dma_wait3A_444 = arith.constant 0 : i32
        %dma_wait3A_445 = tpu.memref_slice %arg8[%dma_wait3A_443, %dma_wait3A_444] : memref<6x80xi32, #tpu.memory_space<vmem>> -> memref<1x80xi32, #tpu.memory_space<vmem>>
        %dma_wait3A_446 = tpu.memref_squeeze %dma_wait3A_445 : memref<1x80xi32, #tpu.memory_space<vmem>> -> memref<80xi32, #tpu.memory_space<vmem>>
        %dma_wait3A_447 = arith.constant 0 : i32
        %dma_wait3A_448 = tpu.memref_slice %arg4[%dma_wait3A_447] : memref<320000xi32, #tpu.memory_space<hbm>> -> memref<80xi32, #tpu.memory_space<hbm>>
        %dma_wait3A_449 = arith.constant 0 : i32
        %dma_wait3A_450 = tpu.memref_slice %arg8[%dma_wait3A_443, %dma_wait3A_449] : memref<6x80xi32, #tpu.memory_space<vmem>> -> memref<1x80xi32, #tpu.memory_space<vmem>>
        %dma_wait3A_451 = tpu.memref_squeeze %dma_wait3A_450 : memref<1x80xi32, #tpu.memory_space<vmem>> -> memref<80xi32, #tpu.memory_space<vmem>>
        %dma_wait3A_452 = arith.constant 0 : i32
        %dma_wait3A_453 = tpu.memref_slice %arg4[%dma_wait3A_452] : memref<320000xi32, #tpu.memory_space<hbm>> -> memref<80xi32, #tpu.memory_space<hbm>>
        tpu.wait_dma2 semaphore(%arg22 : memref<!tpu.dma_semaphore, #tpu.memory_space<semaphore_mem>>) src(%dma_wait3A_453 : memref<80xi32, #tpu.memory_space<hbm>>) dst(%dma_wait3A_451 : memref<80xi32, #tpu.memory_space<vmem>>)
        %dma_start3A_454 = arith.constant 5 : i32
        %dma_start3A_455 = arith.constant 0 : i32
        %dma_start3A_456 = tpu.memref_slice %arg7[%dma_start3A_454, %dma_start3A_455] : memref<6x80xi32, #tpu.memory_space<vmem>> -> memref<1x80xi32, #tpu.memory_space<vmem>>
        %dma_start3A_457 = tpu.memref_squeeze %dma_start3A_456 : memref<1x80xi32, #tpu.memory_space<vmem>> -> memref<80xi32, #tpu.memory_space<vmem>>
        %dma_start3A_458 = arith.constant 0 : i32
        %dma_start3A_459 = arith.constant 0 : i32
        %dma_start3A_460 = tpu.memref_slice %arg2[%dma_start3A_458, %dma_start3A_459] : memref<10000x128xf32, #tpu.memory_space<hbm>> -> memref<10000x128xf32, #tpu.memory_space<hbm>>
        tpu.enqueue_indirect_dma source(%dma_start3A_460 : memref<10000x128xf32, #tpu.memory_space<hbm>>) target(%arg11 : memref<80x128xf32, #tpu.memory_space<vmem>>) offsets(%dma_start3A_457 : memref<80xi32, #tpu.memory_space<vmem>>) semaphore(%arg19 : memref<!tpu.dma_semaphore, #tpu.memory_space<semaphore_mem>>)
      } else {
      }
      %lt3A_369 = arith.constant 125 : i32
      %lt3A_370 = arith.cmpi slt, %add3A_346, %lt3A_369 : i32
      %convert_element_type3A_371 = arith.extui %lt3A_370 : i1 to i32
      %cond3A_372 = arith.constant 0 : i32
      %cond3A_373 = arith.cmpi ne, %convert_element_type3A_371, %cond3A_372 : i32
      scf.if %cond3A_373 {
        %dma_wait3A_432 = arith.constant 3 : i32
        %dma_wait3A_433 = arith.constant 0 : i32
        %dma_wait3A_434 = tpu.memref_slice %arg7[%dma_wait3A_432, %dma_wait3A_433] : memref<6x80xi32, #tpu.memory_space<vmem>> -> memref<1x80xi32, #tpu.memory_space<vmem>>
        %dma_wait3A_435 = tpu.memref_squeeze %dma_wait3A_434 : memref<1x80xi32, #tpu.memory_space<vmem>> -> memref<80xi32, #tpu.memory_space<vmem>>
        %dma_wait3A_436 = arith.constant 0 : i32
        %dma_wait3A_437 = arith.constant 0 : i32
        %dma_wait3A_438 = tpu.memref_slice %arg2[%dma_wait3A_436, %dma_wait3A_437] : memref<10000x128xf32, #tpu.memory_space<hbm>> -> memref<10000x128xf32, #tpu.memory_space<hbm>>
        tpu.wait_indirect_dma semaphore(%arg17 : memref<!tpu.dma_semaphore, #tpu.memory_space<semaphore_mem>>) src(%dma_wait3A_438 : memref<10000x128xf32, #tpu.memory_space<hbm>>) dst(%arg9 : memref<80x128xf32, #tpu.memory_space<vmem>>)
        %dma_start3A_439 = arith.constant 3 : i32
        %dma_start3A_440 = arith.constant 0 : i32
        %dma_start3A_441 = tpu.memref_slice %arg8[%dma_start3A_439, %dma_start3A_440] : memref<6x80xi32, #tpu.memory_space<vmem>> -> memref<1x80xi32, #tpu.memory_space<vmem>>
        %dma_start3A_442 = tpu.memref_squeeze %dma_start3A_441 : memref<1x80xi32, #tpu.memory_space<vmem>> -> memref<80xi32, #tpu.memory_space<vmem>>
        %dma_start3A_443 = arith.constant 0 : i32
        %dma_start3A_444 = arith.constant 0 : i32
        %dma_start3A_445 = tpu.memref_slice %arg15[%dma_start3A_443, %dma_start3A_444] : memref<10240x128xf32, #tpu.memory_space<vmem_shared>> -> memref<10240x128xf32, #tpu.memory_space<vmem_shared>>
        tpu.enqueue_indirect_dma source(%arg9 : memref<80x128xf32, #tpu.memory_space<vmem>>) target(%dma_start3A_445 : memref<10240x128xf32, #tpu.memory_space<vmem_shared>>) offsets(%dma_start3A_442 : memref<80xi32, #tpu.memory_space<vmem>>) semaphore(%arg23 : memref<!tpu.dma_semaphore, #tpu.memory_space<semaphore_mem>>) {add = true}
        %dma_start3A_446 = arith.constant 3 : i32
        %dma_start3A_447 = arith.constant 0 : i32
        %dma_start3A_448 = tpu.memref_slice %arg12[%dma_start3A_447] : memref<128xf32, #tpu.memory_space<vmem>> -> memref<80xf32, #tpu.memory_space<vmem>>
        %dma_start3A_449 = arith.constant 0 : i32
        %dma_start3A_450 = tpu.memref_slice %arg8[%dma_start3A_446, %dma_start3A_449] : memref<6x80xi32, #tpu.memory_space<vmem>> -> memref<1x80xi32, #tpu.memory_space<vmem>>
        %dma_start3A_451 = tpu.memref_squeeze %dma_start3A_450 : memref<1x80xi32, #tpu.memory_space<vmem>> -> memref<80xi32, #tpu.memory_space<vmem>>
        %dma_start3A_452 = arith.constant 0 : i32
        %dma_start3A_453 = tpu.memref_slice %arg16[%dma_start3A_452] : memref<10240xf32, #tpu.memory_space<vmem_shared>> -> memref<10240xf32, #tpu.memory_space<vmem_shared>>
        tpu.enqueue_indirect_dma source(%dma_start3A_448 : memref<80xf32, #tpu.memory_space<vmem>>) target(%dma_start3A_453 : memref<10240xf32, #tpu.memory_space<vmem_shared>>) offsets(%dma_start3A_451 : memref<80xi32, #tpu.memory_space<vmem>>) semaphore(%arg24 : memref<!tpu.dma_semaphore, #tpu.memory_space<semaphore_mem>>) {add = true}
      } else {
      }
      %add3A_374 = arith.constant 4 : i32
      %add3A_375 = arith.addi %mul3A_263, %add3A_374 : i32
      %ge3A_376 = arith.constant 1 : i32
      %ge3A_377 = arith.cmpi sge, %add3A_375, %ge3A_376 : i32
      %le3A_378 = arith.constant 125 : i32
      %le3A_379 = arith.cmpi sle, %add3A_375, %le3A_378 : i32
      %and3A_380 = arith.andi %ge3A_377, %le3A_379 : i1
      %convert_element_type3A_381 = arith.extui %and3A_380 : i1 to i32
      %cond3A_382 = arith.constant 0 : i32
      %cond3A_383 = arith.cmpi ne, %convert_element_type3A_381, %cond3A_382 : i32
      scf.if %cond3A_383 {
        %dma_wait3A_432 = arith.constant 3 : i32
        %dma_wait3A_433 = arith.constant 0 : i32
        %dma_wait3A_434 = tpu.memref_slice %arg8[%dma_wait3A_432, %dma_wait3A_433] : memref<6x80xi32, #tpu.memory_space<vmem>> -> memref<1x80xi32, #tpu.memory_space<vmem>>
        %dma_wait3A_435 = tpu.memref_squeeze %dma_wait3A_434 : memref<1x80xi32, #tpu.memory_space<vmem>> -> memref<80xi32, #tpu.memory_space<vmem>>
        %dma_wait3A_436 = arith.constant 0 : i32
        %dma_wait3A_437 = arith.constant 0 : i32
        %dma_wait3A_438 = tpu.memref_slice %arg15[%dma_wait3A_436, %dma_wait3A_437] : memref<10240x128xf32, #tpu.memory_space<vmem_shared>> -> memref<10240x128xf32, #tpu.memory_space<vmem_shared>>
        tpu.wait_indirect_dma semaphore(%arg23 : memref<!tpu.dma_semaphore, #tpu.memory_space<semaphore_mem>>) src(%arg9 : memref<80x128xf32, #tpu.memory_space<vmem>>) dst(%dma_wait3A_438 : memref<10240x128xf32, #tpu.memory_space<vmem_shared>>)
        %dma_wait3A_439 = arith.constant 3 : i32
        %dma_wait3A_440 = arith.constant 0 : i32
        %dma_wait3A_441 = tpu.memref_slice %arg12[%dma_wait3A_440] : memref<128xf32, #tpu.memory_space<vmem>> -> memref<80xf32, #tpu.memory_space<vmem>>
        %dma_wait3A_442 = arith.constant 0 : i32
        %dma_wait3A_443 = tpu.memref_slice %arg8[%dma_wait3A_439, %dma_wait3A_442] : memref<6x80xi32, #tpu.memory_space<vmem>> -> memref<1x80xi32, #tpu.memory_space<vmem>>
        %dma_wait3A_444 = tpu.memref_squeeze %dma_wait3A_443 : memref<1x80xi32, #tpu.memory_space<vmem>> -> memref<80xi32, #tpu.memory_space<vmem>>
        %dma_wait3A_445 = arith.constant 0 : i32
        %dma_wait3A_446 = tpu.memref_slice %arg16[%dma_wait3A_445] : memref<10240xf32, #tpu.memory_space<vmem_shared>> -> memref<10240xf32, #tpu.memory_space<vmem_shared>>
        tpu.wait_indirect_dma semaphore(%arg24 : memref<!tpu.dma_semaphore, #tpu.memory_space<semaphore_mem>>) src(%dma_wait3A_441 : memref<80xf32, #tpu.memory_space<vmem>>) dst(%dma_wait3A_446 : memref<10240xf32, #tpu.memory_space<vmem_shared>>)
      } else {
      }
      %add3A_384 = arith.constant 5 : i32
      %add3A_385 = arith.addi %add3A_375, %add3A_384 : i32
      %lt3A_386 = arith.constant 125 : i32
      %lt3A_387 = arith.cmpi slt, %add3A_385, %lt3A_386 : i32
      %convert_element_type3A_388 = arith.extui %lt3A_387 : i1 to i32
      %cond3A_389 = arith.constant 0 : i32
      %cond3A_390 = arith.cmpi ne, %convert_element_type3A_388, %cond3A_389 : i32
      scf.if %cond3A_390 {
        %add3A_432 = arith.constant 5 : i32
        %add3A_433 = arith.addi %add3A_375, %add3A_432 : i32
        %mul3A_434 = arith.constant 10000 : i32
        %mul3A_435 = arith.muli %add3A, %mul3A_434 : i32
        %mul3A_436 = arith.constant 80 : i32
        %mul3A_437 = arith.muli %add3A_433, %mul3A_436 : i32
        %add3A_438 = arith.addi %mul3A_435, %mul3A_437 : i32
        %dma_start3A_439 = arith.constant 3 : i32
        %dma_start3A_440 = arith.constant 0 : i32
        %dma_start3A_441 = tpu.memref_slice %arg7[%dma_start3A_439, %dma_start3A_440] : memref<6x80xi32, #tpu.memory_space<vmem>> -> memref<1x80xi32, #tpu.memory_space<vmem>>
        %dma_start3A_442 = tpu.memref_squeeze %dma_start3A_441 : memref<1x80xi32, #tpu.memory_space<vmem>> -> memref<80xi32, #tpu.memory_space<vmem>>
        %dma_start3A_443 = tpu.memref_slice %arg3[%add3A_438] : memref<320000xi32, #tpu.memory_space<hbm>> -> memref<80xi32, #tpu.memory_space<hbm>>
        %dma_start3A_444 = arith.constant 0 : i32
        %dma_start3A_445 = tpu.memref_slice %arg7[%dma_start3A_439, %dma_start3A_444] : memref<6x80xi32, #tpu.memory_space<vmem>> -> memref<1x80xi32, #tpu.memory_space<vmem>>
        %dma_start3A_446 = tpu.memref_squeeze %dma_start3A_445 : memref<1x80xi32, #tpu.memory_space<vmem>> -> memref<80xi32, #tpu.memory_space<vmem>>
        %dma_start3A_447 = tpu.memref_slice %arg3[%add3A_438] : memref<320000xi32, #tpu.memory_space<hbm>> -> memref<80xi32, #tpu.memory_space<hbm>>
        tpu.enqueue_dma source(%dma_start3A_447 : memref<80xi32, #tpu.memory_space<hbm>>) target(%dma_start3A_446 : memref<80xi32, #tpu.memory_space<vmem>>) target_semaphore(%arg20 : memref<!tpu.dma_semaphore, #tpu.memory_space<semaphore_mem>>)
        %dma_start3A_448 = arith.constant 3 : i32
        %dma_start3A_449 = arith.constant 0 : i32
        %dma_start3A_450 = tpu.memref_slice %arg8[%dma_start3A_448, %dma_start3A_449] : memref<6x80xi32, #tpu.memory_space<vmem>> -> memref<1x80xi32, #tpu.memory_space<vmem>>
        %dma_start3A_451 = tpu.memref_squeeze %dma_start3A_450 : memref<1x80xi32, #tpu.memory_space<vmem>> -> memref<80xi32, #tpu.memory_space<vmem>>
        %dma_start3A_452 = tpu.memref_slice %arg4[%add3A_438] : memref<320000xi32, #tpu.memory_space<hbm>> -> memref<80xi32, #tpu.memory_space<hbm>>
        %dma_start3A_453 = arith.constant 0 : i32
        %dma_start3A_454 = tpu.memref_slice %arg8[%dma_start3A_448, %dma_start3A_453] : memref<6x80xi32, #tpu.memory_space<vmem>> -> memref<1x80xi32, #tpu.memory_space<vmem>>
        %dma_start3A_455 = tpu.memref_squeeze %dma_start3A_454 : memref<1x80xi32, #tpu.memory_space<vmem>> -> memref<80xi32, #tpu.memory_space<vmem>>
        %dma_start3A_456 = tpu.memref_slice %arg4[%add3A_438] : memref<320000xi32, #tpu.memory_space<hbm>> -> memref<80xi32, #tpu.memory_space<hbm>>
        tpu.enqueue_dma source(%dma_start3A_456 : memref<80xi32, #tpu.memory_space<hbm>>) target(%dma_start3A_455 : memref<80xi32, #tpu.memory_space<vmem>>) target_semaphore(%arg20 : memref<!tpu.dma_semaphore, #tpu.memory_space<semaphore_mem>>)
      } else {
      }
      %add3A_391 = arith.constant 2 : i32
      %add3A_392 = arith.addi %add3A_375, %add3A_391 : i32
      %lt3A_393 = arith.constant 125 : i32
      %lt3A_394 = arith.cmpi slt, %add3A_392, %lt3A_393 : i32
      %convert_element_type3A_395 = arith.extui %lt3A_394 : i1 to i32
      %cond3A_396 = arith.constant 0 : i32
      %cond3A_397 = arith.cmpi ne, %convert_element_type3A_395, %cond3A_396 : i32
      scf.if %cond3A_397 {
        %dma_wait3A_432 = arith.constant 0 : i32
        %dma_wait3A_433 = arith.constant 0 : i32
        %dma_wait3A_434 = tpu.memref_slice %arg7[%dma_wait3A_432, %dma_wait3A_433] : memref<6x80xi32, #tpu.memory_space<vmem>> -> memref<1x80xi32, #tpu.memory_space<vmem>>
        %dma_wait3A_435 = tpu.memref_squeeze %dma_wait3A_434 : memref<1x80xi32, #tpu.memory_space<vmem>> -> memref<80xi32, #tpu.memory_space<vmem>>
        %dma_wait3A_436 = arith.constant 0 : i32
        %dma_wait3A_437 = tpu.memref_slice %arg3[%dma_wait3A_436] : memref<320000xi32, #tpu.memory_space<hbm>> -> memref<80xi32, #tpu.memory_space<hbm>>
        %dma_wait3A_438 = arith.constant 0 : i32
        %dma_wait3A_439 = tpu.memref_slice %arg7[%dma_wait3A_432, %dma_wait3A_438] : memref<6x80xi32, #tpu.memory_space<vmem>> -> memref<1x80xi32, #tpu.memory_space<vmem>>
        %dma_wait3A_440 = tpu.memref_squeeze %dma_wait3A_439 : memref<1x80xi32, #tpu.memory_space<vmem>> -> memref<80xi32, #tpu.memory_space<vmem>>
        %dma_wait3A_441 = arith.constant 0 : i32
        %dma_wait3A_442 = tpu.memref_slice %arg3[%dma_wait3A_441] : memref<320000xi32, #tpu.memory_space<hbm>> -> memref<80xi32, #tpu.memory_space<hbm>>
        tpu.wait_dma2 semaphore(%arg20 : memref<!tpu.dma_semaphore, #tpu.memory_space<semaphore_mem>>) src(%dma_wait3A_442 : memref<80xi32, #tpu.memory_space<hbm>>) dst(%dma_wait3A_440 : memref<80xi32, #tpu.memory_space<vmem>>)
        %dma_wait3A_443 = arith.constant 0 : i32
        %dma_wait3A_444 = arith.constant 0 : i32
        %dma_wait3A_445 = tpu.memref_slice %arg8[%dma_wait3A_443, %dma_wait3A_444] : memref<6x80xi32, #tpu.memory_space<vmem>> -> memref<1x80xi32, #tpu.memory_space<vmem>>
        %dma_wait3A_446 = tpu.memref_squeeze %dma_wait3A_445 : memref<1x80xi32, #tpu.memory_space<vmem>> -> memref<80xi32, #tpu.memory_space<vmem>>
        %dma_wait3A_447 = arith.constant 0 : i32
        %dma_wait3A_448 = tpu.memref_slice %arg4[%dma_wait3A_447] : memref<320000xi32, #tpu.memory_space<hbm>> -> memref<80xi32, #tpu.memory_space<hbm>>
        %dma_wait3A_449 = arith.constant 0 : i32
        %dma_wait3A_450 = tpu.memref_slice %arg8[%dma_wait3A_443, %dma_wait3A_449] : memref<6x80xi32, #tpu.memory_space<vmem>> -> memref<1x80xi32, #tpu.memory_space<vmem>>
        %dma_wait3A_451 = tpu.memref_squeeze %dma_wait3A_450 : memref<1x80xi32, #tpu.memory_space<vmem>> -> memref<80xi32, #tpu.memory_space<vmem>>
        %dma_wait3A_452 = arith.constant 0 : i32
        %dma_wait3A_453 = tpu.memref_slice %arg4[%dma_wait3A_452] : memref<320000xi32, #tpu.memory_space<hbm>> -> memref<80xi32, #tpu.memory_space<hbm>>
        tpu.wait_dma2 semaphore(%arg20 : memref<!tpu.dma_semaphore, #tpu.memory_space<semaphore_mem>>) src(%dma_wait3A_453 : memref<80xi32, #tpu.memory_space<hbm>>) dst(%dma_wait3A_451 : memref<80xi32, #tpu.memory_space<vmem>>)
        %dma_start3A_454 = arith.constant 0 : i32
        %dma_start3A_455 = arith.constant 0 : i32
        %dma_start3A_456 = tpu.memref_slice %arg7[%dma_start3A_454, %dma_start3A_455] : memref<6x80xi32, #tpu.memory_space<vmem>> -> memref<1x80xi32, #tpu.memory_space<vmem>>
        %dma_start3A_457 = tpu.memref_squeeze %dma_start3A_456 : memref<1x80xi32, #tpu.memory_space<vmem>> -> memref<80xi32, #tpu.memory_space<vmem>>
        %dma_start3A_458 = arith.constant 0 : i32
        %dma_start3A_459 = arith.constant 0 : i32
        %dma_start3A_460 = tpu.memref_slice %arg2[%dma_start3A_458, %dma_start3A_459] : memref<10000x128xf32, #tpu.memory_space<hbm>> -> memref<10000x128xf32, #tpu.memory_space<hbm>>
        tpu.enqueue_indirect_dma source(%dma_start3A_460 : memref<10000x128xf32, #tpu.memory_space<hbm>>) target(%arg9 : memref<80x128xf32, #tpu.memory_space<vmem>>) offsets(%dma_start3A_457 : memref<80xi32, #tpu.memory_space<vmem>>) semaphore(%arg17 : memref<!tpu.dma_semaphore, #tpu.memory_space<semaphore_mem>>)
      } else {
      }
      %lt3A_398 = arith.constant 125 : i32
      %lt3A_399 = arith.cmpi slt, %add3A_375, %lt3A_398 : i32
      %convert_element_type3A_400 = arith.extui %lt3A_399 : i1 to i32
      %cond3A_401 = arith.constant 0 : i32
      %cond3A_402 = arith.cmpi ne, %convert_element_type3A_400, %cond3A_401 : i32
      scf.if %cond3A_402 {
        %dma_wait3A_432 = arith.constant 4 : i32
        %dma_wait3A_433 = arith.constant 0 : i32
        %dma_wait3A_434 = tpu.memref_slice %arg7[%dma_wait3A_432, %dma_wait3A_433] : memref<6x80xi32, #tpu.memory_space<vmem>> -> memref<1x80xi32, #tpu.memory_space<vmem>>
        %dma_wait3A_435 = tpu.memref_squeeze %dma_wait3A_434 : memref<1x80xi32, #tpu.memory_space<vmem>> -> memref<80xi32, #tpu.memory_space<vmem>>
        %dma_wait3A_436 = arith.constant 0 : i32
        %dma_wait3A_437 = arith.constant 0 : i32
        %dma_wait3A_438 = tpu.memref_slice %arg2[%dma_wait3A_436, %dma_wait3A_437] : memref<10000x128xf32, #tpu.memory_space<hbm>> -> memref<10000x128xf32, #tpu.memory_space<hbm>>
        tpu.wait_indirect_dma semaphore(%arg18 : memref<!tpu.dma_semaphore, #tpu.memory_space<semaphore_mem>>) src(%dma_wait3A_438 : memref<10000x128xf32, #tpu.memory_space<hbm>>) dst(%arg10 : memref<80x128xf32, #tpu.memory_space<vmem>>)
        %dma_start3A_439 = arith.constant 4 : i32
        %dma_start3A_440 = arith.constant 0 : i32
        %dma_start3A_441 = tpu.memref_slice %arg8[%dma_start3A_439, %dma_start3A_440] : memref<6x80xi32, #tpu.memory_space<vmem>> -> memref<1x80xi32, #tpu.memory_space<vmem>>
        %dma_start3A_442 = tpu.memref_squeeze %dma_start3A_441 : memref<1x80xi32, #tpu.memory_space<vmem>> -> memref<80xi32, #tpu.memory_space<vmem>>
        %dma_start3A_443 = arith.constant 0 : i32
        %dma_start3A_444 = arith.constant 0 : i32
        %dma_start3A_445 = tpu.memref_slice %arg15[%dma_start3A_443, %dma_start3A_444] : memref<10240x128xf32, #tpu.memory_space<vmem_shared>> -> memref<10240x128xf32, #tpu.memory_space<vmem_shared>>
        tpu.enqueue_indirect_dma source(%arg10 : memref<80x128xf32, #tpu.memory_space<vmem>>) target(%dma_start3A_445 : memref<10240x128xf32, #tpu.memory_space<vmem_shared>>) offsets(%dma_start3A_442 : memref<80xi32, #tpu.memory_space<vmem>>) semaphore(%arg23 : memref<!tpu.dma_semaphore, #tpu.memory_space<semaphore_mem>>) {add = true}
        %dma_start3A_446 = arith.constant 4 : i32
        %dma_start3A_447 = arith.constant 0 : i32
        %dma_start3A_448 = tpu.memref_slice %arg12[%dma_start3A_447] : memref<128xf32, #tpu.memory_space<vmem>> -> memref<80xf32, #tpu.memory_space<vmem>>
        %dma_start3A_449 = arith.constant 0 : i32
        %dma_start3A_450 = tpu.memref_slice %arg8[%dma_start3A_446, %dma_start3A_449] : memref<6x80xi32, #tpu.memory_space<vmem>> -> memref<1x80xi32, #tpu.memory_space<vmem>>
        %dma_start3A_451 = tpu.memref_squeeze %dma_start3A_450 : memref<1x80xi32, #tpu.memory_space<vmem>> -> memref<80xi32, #tpu.memory_space<vmem>>
        %dma_start3A_452 = arith.constant 0 : i32
        %dma_start3A_453 = tpu.memref_slice %arg16[%dma_start3A_452] : memref<10240xf32, #tpu.memory_space<vmem_shared>> -> memref<10240xf32, #tpu.memory_space<vmem_shared>>
        tpu.enqueue_indirect_dma source(%dma_start3A_448 : memref<80xf32, #tpu.memory_space<vmem>>) target(%dma_start3A_453 : memref<10240xf32, #tpu.memory_space<vmem_shared>>) offsets(%dma_start3A_451 : memref<80xi32, #tpu.memory_space<vmem>>) semaphore(%arg24 : memref<!tpu.dma_semaphore, #tpu.memory_space<semaphore_mem>>) {add = true}
      } else {
      }
      %add3A_403 = arith.constant 5 : i32
      %add3A_404 = arith.addi %mul3A_263, %add3A_403 : i32
      %ge3A_405 = arith.constant 1 : i32
      %ge3A_406 = arith.cmpi sge, %add3A_404, %ge3A_405 : i32
      %le3A_407 = arith.constant 125 : i32
      %le3A_408 = arith.cmpi sle, %add3A_404, %le3A_407 : i32
      %and3A_409 = arith.andi %ge3A_406, %le3A_408 : i1
      %convert_element_type3A_410 = arith.extui %and3A_409 : i1 to i32
      %cond3A_411 = arith.constant 0 : i32
      %cond3A_412 = arith.cmpi ne, %convert_element_type3A_410, %cond3A_411 : i32
      scf.if %cond3A_412 {
        %dma_wait3A_432 = arith.constant 4 : i32
        %dma_wait3A_433 = arith.constant 0 : i32
        %dma_wait3A_434 = tpu.memref_slice %arg8[%dma_wait3A_432, %dma_wait3A_433] : memref<6x80xi32, #tpu.memory_space<vmem>> -> memref<1x80xi32, #tpu.memory_space<vmem>>
        %dma_wait3A_435 = tpu.memref_squeeze %dma_wait3A_434 : memref<1x80xi32, #tpu.memory_space<vmem>> -> memref<80xi32, #tpu.memory_space<vmem>>
        %dma_wait3A_436 = arith.constant 0 : i32
        %dma_wait3A_437 = arith.constant 0 : i32
        %dma_wait3A_438 = tpu.memref_slice %arg15[%dma_wait3A_436, %dma_wait3A_437] : memref<10240x128xf32, #tpu.memory_space<vmem_shared>> -> memref<10240x128xf32, #tpu.memory_space<vmem_shared>>
        tpu.wait_indirect_dma semaphore(%arg23 : memref<!tpu.dma_semaphore, #tpu.memory_space<semaphore_mem>>) src(%arg10 : memref<80x128xf32, #tpu.memory_space<vmem>>) dst(%dma_wait3A_438 : memref<10240x128xf32, #tpu.memory_space<vmem_shared>>)
        %dma_wait3A_439 = arith.constant 4 : i32
        %dma_wait3A_440 = arith.constant 0 : i32
        %dma_wait3A_441 = tpu.memref_slice %arg12[%dma_wait3A_440] : memref<128xf32, #tpu.memory_space<vmem>> -> memref<80xf32, #tpu.memory_space<vmem>>
        %dma_wait3A_442 = arith.constant 0 : i32
        %dma_wait3A_443 = tpu.memref_slice %arg8[%dma_wait3A_439, %dma_wait3A_442] : memref<6x80xi32, #tpu.memory_space<vmem>> -> memref<1x80xi32, #tpu.memory_space<vmem>>
        %dma_wait3A_444 = tpu.memref_squeeze %dma_wait3A_443 : memref<1x80xi32, #tpu.memory_space<vmem>> -> memref<80xi32, #tpu.memory_space<vmem>>
        %dma_wait3A_445 = arith.constant 0 : i32
        %dma_wait3A_446 = tpu.memref_slice %arg16[%dma_wait3A_445] : memref<10240xf32, #tpu.memory_space<vmem_shared>> -> memref<10240xf32, #tpu.memory_space<vmem_shared>>
        tpu.wait_indirect_dma semaphore(%arg24 : memref<!tpu.dma_semaphore, #tpu.memory_space<semaphore_mem>>) src(%dma_wait3A_441 : memref<80xf32, #tpu.memory_space<vmem>>) dst(%dma_wait3A_446 : memref<10240xf32, #tpu.memory_space<vmem_shared>>)
      } else {
      }
      %add3A_413 = arith.constant 5 : i32
      %add3A_414 = arith.addi %add3A_404, %add3A_413 : i32
      %lt3A_415 = arith.constant 125 : i32
      %lt3A_416 = arith.cmpi slt, %add3A_414, %lt3A_415 : i32
      %convert_element_type3A_417 = arith.extui %lt3A_416 : i1 to i32
      %cond3A_418 = arith.constant 0 : i32
      %cond3A_419 = arith.cmpi ne, %convert_element_type3A_417, %cond3A_418 : i32
      scf.if %cond3A_419 {
        %add3A_432 = arith.constant 5 : i32
        %add3A_433 = arith.addi %add3A_404, %add3A_432 : i32
        %mul3A_434 = arith.constant 10000 : i32
        %mul3A_435 = arith.muli %add3A, %mul3A_434 : i32
        %mul3A_436 = arith.constant 80 : i32
        %mul3A_437 = arith.muli %add3A_433, %mul3A_436 : i32
        %add3A_438 = arith.addi %mul3A_435, %mul3A_437 : i32
        %dma_start3A_439 = arith.constant 4 : i32
        %dma_start3A_440 = arith.constant 0 : i32
        %dma_start3A_441 = tpu.memref_slice %arg7[%dma_start3A_439, %dma_start3A_440] : memref<6x80xi32, #tpu.memory_space<vmem>> -> memref<1x80xi32, #tpu.memory_space<vmem>>
        %dma_start3A_442 = tpu.memref_squeeze %dma_start3A_441 : memref<1x80xi32, #tpu.memory_space<vmem>> -> memref<80xi32, #tpu.memory_space<vmem>>
        %dma_start3A_443 = tpu.memref_slice %arg3[%add3A_438] : memref<320000xi32, #tpu.memory_space<hbm>> -> memref<80xi32, #tpu.memory_space<hbm>>
        %dma_start3A_444 = arith.constant 0 : i32
        %dma_start3A_445 = tpu.memref_slice %arg7[%dma_start3A_439, %dma_start3A_444] : memref<6x80xi32, #tpu.memory_space<vmem>> -> memref<1x80xi32, #tpu.memory_space<vmem>>
        %dma_start3A_446 = tpu.memref_squeeze %dma_start3A_445 : memref<1x80xi32, #tpu.memory_space<vmem>> -> memref<80xi32, #tpu.memory_space<vmem>>
        %dma_start3A_447 = tpu.memref_slice %arg3[%add3A_438] : memref<320000xi32, #tpu.memory_space<hbm>> -> memref<80xi32, #tpu.memory_space<hbm>>
        tpu.enqueue_dma source(%dma_start3A_447 : memref<80xi32, #tpu.memory_space<hbm>>) target(%dma_start3A_446 : memref<80xi32, #tpu.memory_space<vmem>>) target_semaphore(%arg21 : memref<!tpu.dma_semaphore, #tpu.memory_space<semaphore_mem>>)
        %dma_start3A_448 = arith.constant 4 : i32
        %dma_start3A_449 = arith.constant 0 : i32
        %dma_start3A_450 = tpu.memref_slice %arg8[%dma_start3A_448, %dma_start3A_449] : memref<6x80xi32, #tpu.memory_space<vmem>> -> memref<1x80xi32, #tpu.memory_space<vmem>>
        %dma_start3A_451 = tpu.memref_squeeze %dma_start3A_450 : memref<1x80xi32, #tpu.memory_space<vmem>> -> memref<80xi32, #tpu.memory_space<vmem>>
        %dma_start3A_452 = tpu.memref_slice %arg4[%add3A_438] : memref<320000xi32, #tpu.memory_space<hbm>> -> memref<80xi32, #tpu.memory_space<hbm>>
        %dma_start3A_453 = arith.constant 0 : i32
        %dma_start3A_454 = tpu.memref_slice %arg8[%dma_start3A_448, %dma_start3A_453] : memref<6x80xi32, #tpu.memory_space<vmem>> -> memref<1x80xi32, #tpu.memory_space<vmem>>
        %dma_start3A_455 = tpu.memref_squeeze %dma_start3A_454 : memref<1x80xi32, #tpu.memory_space<vmem>> -> memref<80xi32, #tpu.memory_space<vmem>>
        %dma_start3A_456 = tpu.memref_slice %arg4[%add3A_438] : memref<320000xi32, #tpu.memory_space<hbm>> -> memref<80xi32, #tpu.memory_space<hbm>>
        tpu.enqueue_dma source(%dma_start3A_456 : memref<80xi32, #tpu.memory_space<hbm>>) target(%dma_start3A_455 : memref<80xi32, #tpu.memory_space<vmem>>) target_semaphore(%arg21 : memref<!tpu.dma_semaphore, #tpu.memory_space<semaphore_mem>>)
      } else {
      }
      %add3A_420 = arith.constant 2 : i32
      %add3A_421 = arith.addi %add3A_404, %add3A_420 : i32
      %lt3A_422 = arith.constant 125 : i32
      %lt3A_423 = arith.cmpi slt, %add3A_421, %lt3A_422 : i32
      %convert_element_type3A_424 = arith.extui %lt3A_423 : i1 to i32
      %cond3A_425 = arith.constant 0 : i32
      %cond3A_426 = arith.cmpi ne, %convert_element_type3A_424, %cond3A_425 : i32
      scf.if %cond3A_426 {
        %dma_wait3A_432 = arith.constant 1 : i32
        %dma_wait3A_433 = arith.constant 0 : i32
        %dma_wait3A_434 = tpu.memref_slice %arg7[%dma_wait3A_432, %dma_wait3A_433] : memref<6x80xi32, #tpu.memory_space<vmem>> -> memref<1x80xi32, #tpu.memory_space<vmem>>
        %dma_wait3A_435 = tpu.memref_squeeze %dma_wait3A_434 : memref<1x80xi32, #tpu.memory_space<vmem>> -> memref<80xi32, #tpu.memory_space<vmem>>
        %dma_wait3A_436 = arith.constant 0 : i32
        %dma_wait3A_437 = tpu.memref_slice %arg3[%dma_wait3A_436] : memref<320000xi32, #tpu.memory_space<hbm>> -> memref<80xi32, #tpu.memory_space<hbm>>
        %dma_wait3A_438 = arith.constant 0 : i32
        %dma_wait3A_439 = tpu.memref_slice %arg7[%dma_wait3A_432, %dma_wait3A_438] : memref<6x80xi32, #tpu.memory_space<vmem>> -> memref<1x80xi32, #tpu.memory_space<vmem>>
        %dma_wait3A_440 = tpu.memref_squeeze %dma_wait3A_439 : memref<1x80xi32, #tpu.memory_space<vmem>> -> memref<80xi32, #tpu.memory_space<vmem>>
        %dma_wait3A_441 = arith.constant 0 : i32
        %dma_wait3A_442 = tpu.memref_slice %arg3[%dma_wait3A_441] : memref<320000xi32, #tpu.memory_space<hbm>> -> memref<80xi32, #tpu.memory_space<hbm>>
        tpu.wait_dma2 semaphore(%arg21 : memref<!tpu.dma_semaphore, #tpu.memory_space<semaphore_mem>>) src(%dma_wait3A_442 : memref<80xi32, #tpu.memory_space<hbm>>) dst(%dma_wait3A_440 : memref<80xi32, #tpu.memory_space<vmem>>)
        %dma_wait3A_443 = arith.constant 1 : i32
        %dma_wait3A_444 = arith.constant 0 : i32
        %dma_wait3A_445 = tpu.memref_slice %arg8[%dma_wait3A_443, %dma_wait3A_444] : memref<6x80xi32, #tpu.memory_space<vmem>> -> memref<1x80xi32, #tpu.memory_space<vmem>>
        %dma_wait3A_446 = tpu.memref_squeeze %dma_wait3A_445 : memref<1x80xi32, #tpu.memory_space<vmem>> -> memref<80xi32, #tpu.memory_space<vmem>>
        %dma_wait3A_447 = arith.constant 0 : i32
        %dma_wait3A_448 = tpu.memref_slice %arg4[%dma_wait3A_447] : memref<320000xi32, #tpu.memory_space<hbm>> -> memref<80xi32, #tpu.memory_space<hbm>>
        %dma_wait3A_449 = arith.constant 0 : i32
        %dma_wait3A_450 = tpu.memref_slice %arg8[%dma_wait3A_443, %dma_wait3A_449] : memref<6x80xi32, #tpu.memory_space<vmem>> -> memref<1x80xi32, #tpu.memory_space<vmem>>
        %dma_wait3A_451 = tpu.memref_squeeze %dma_wait3A_450 : memref<1x80xi32, #tpu.memory_space<vmem>> -> memref<80xi32, #tpu.memory_space<vmem>>
        %dma_wait3A_452 = arith.constant 0 : i32
        %dma_wait3A_453 = tpu.memref_slice %arg4[%dma_wait3A_452] : memref<320000xi32, #tpu.memory_space<hbm>> -> memref<80xi32, #tpu.memory_space<hbm>>
        tpu.wait_dma2 semaphore(%arg21 : memref<!tpu.dma_semaphore, #tpu.memory_space<semaphore_mem>>) src(%dma_wait3A_453 : memref<80xi32, #tpu.memory_space<hbm>>) dst(%dma_wait3A_451 : memref<80xi32, #tpu.memory_space<vmem>>)
        %dma_start3A_454 = arith.constant 1 : i32
        %dma_start3A_455 = arith.constant 0 : i32
        %dma_start3A_456 = tpu.memref_slice %arg7[%dma_start3A_454, %dma_start3A_455] : memref<6x80xi32, #tpu.memory_space<vmem>> -> memref<1x80xi32, #tpu.memory_space<vmem>>
        %dma_start3A_457 = tpu.memref_squeeze %dma_start3A_456 : memref<1x80xi32, #tpu.memory_space<vmem>> -> memref<80xi32, #tpu.memory_space<vmem>>
        %dma_start3A_458 = arith.constant 0 : i32
        %dma_start3A_459 = arith.constant 0 : i32
        %dma_start3A_460 = tpu.memref_slice %arg2[%dma_start3A_458, %dma_start3A_459] : memref<10000x128xf32, #tpu.memory_space<hbm>> -> memref<10000x128xf32, #tpu.memory_space<hbm>>
        tpu.enqueue_indirect_dma source(%dma_start3A_460 : memref<10000x128xf32, #tpu.memory_space<hbm>>) target(%arg10 : memref<80x128xf32, #tpu.memory_space<vmem>>) offsets(%dma_start3A_457 : memref<80xi32, #tpu.memory_space<vmem>>) semaphore(%arg18 : memref<!tpu.dma_semaphore, #tpu.memory_space<semaphore_mem>>)
      } else {
      }
      %lt3A_427 = arith.constant 125 : i32
      %lt3A_428 = arith.cmpi slt, %add3A_404, %lt3A_427 : i32
      %convert_element_type3A_429 = arith.extui %lt3A_428 : i1 to i32
      %cond3A_430 = arith.constant 0 : i32
      %cond3A_431 = arith.cmpi ne, %convert_element_type3A_429, %cond3A_430 : i32
      scf.if %cond3A_431 {
        %dma_wait3A_432 = arith.constant 5 : i32
        %dma_wait3A_433 = arith.constant 0 : i32
        %dma_wait3A_434 = tpu.memref_slice %arg7[%dma_wait3A_432, %dma_wait3A_433] : memref<6x80xi32, #tpu.memory_space<vmem>> -> memref<1x80xi32, #tpu.memory_space<vmem>>
        %dma_wait3A_435 = tpu.memref_squeeze %dma_wait3A_434 : memref<1x80xi32, #tpu.memory_space<vmem>> -> memref<80xi32, #tpu.memory_space<vmem>>
        %dma_wait3A_436 = arith.constant 0 : i32
        %dma_wait3A_437 = arith.constant 0 : i32
        %dma_wait3A_438 = tpu.memref_slice %arg2[%dma_wait3A_436, %dma_wait3A_437] : memref<10000x128xf32, #tpu.memory_space<hbm>> -> memref<10000x128xf32, #tpu.memory_space<hbm>>
        tpu.wait_indirect_dma semaphore(%arg19 : memref<!tpu.dma_semaphore, #tpu.memory_space<semaphore_mem>>) src(%dma_wait3A_438 : memref<10000x128xf32, #tpu.memory_space<hbm>>) dst(%arg11 : memref<80x128xf32, #tpu.memory_space<vmem>>)
        %dma_start3A_439 = arith.constant 5 : i32
        %dma_start3A_440 = arith.constant 0 : i32
        %dma_start3A_441 = tpu.memref_slice %arg8[%dma_start3A_439, %dma_start3A_440] : memref<6x80xi32, #tpu.memory_space<vmem>> -> memref<1x80xi32, #tpu.memory_space<vmem>>
        %dma_start3A_442 = tpu.memref_squeeze %dma_start3A_441 : memref<1x80xi32, #tpu.memory_space<vmem>> -> memref<80xi32, #tpu.memory_space<vmem>>
        %dma_start3A_443 = arith.constant 0 : i32
        %dma_start3A_444 = arith.constant 0 : i32
        %dma_start3A_445 = tpu.memref_slice %arg15[%dma_start3A_443, %dma_start3A_444] : memref<10240x128xf32, #tpu.memory_space<vmem_shared>> -> memref<10240x128xf32, #tpu.memory_space<vmem_shared>>
        tpu.enqueue_indirect_dma source(%arg11 : memref<80x128xf32, #tpu.memory_space<vmem>>) target(%dma_start3A_445 : memref<10240x128xf32, #tpu.memory_space<vmem_shared>>) offsets(%dma_start3A_442 : memref<80xi32, #tpu.memory_space<vmem>>) semaphore(%arg23 : memref<!tpu.dma_semaphore, #tpu.memory_space<semaphore_mem>>) {add = true}
        %dma_start3A_446 = arith.constant 5 : i32
        %dma_start3A_447 = arith.constant 0 : i32
        %dma_start3A_448 = tpu.memref_slice %arg12[%dma_start3A_447] : memref<128xf32, #tpu.memory_space<vmem>> -> memref<80xf32, #tpu.memory_space<vmem>>
        %dma_start3A_449 = arith.constant 0 : i32
        %dma_start3A_450 = tpu.memref_slice %arg8[%dma_start3A_446, %dma_start3A_449] : memref<6x80xi32, #tpu.memory_space<vmem>> -> memref<1x80xi32, #tpu.memory_space<vmem>>
        %dma_start3A_451 = tpu.memref_squeeze %dma_start3A_450 : memref<1x80xi32, #tpu.memory_space<vmem>> -> memref<80xi32, #tpu.memory_space<vmem>>
        %dma_start3A_452 = arith.constant 0 : i32
        %dma_start3A_453 = tpu.memref_slice %arg16[%dma_start3A_452] : memref<10240xf32, #tpu.memory_space<vmem_shared>> -> memref<10240xf32, #tpu.memory_space<vmem_shared>>
        tpu.enqueue_indirect_dma source(%dma_start3A_448 : memref<80xf32, #tpu.memory_space<vmem>>) target(%dma_start3A_453 : memref<10240xf32, #tpu.memory_space<vmem_shared>>) offsets(%dma_start3A_451 : memref<80xi32, #tpu.memory_space<vmem>>) semaphore(%arg24 : memref<!tpu.dma_semaphore, #tpu.memory_space<semaphore_mem>>) {add = true}
      } else {
      }
    }
    %scan3A_259 = arith.constant 21 : i32
    %barrier3A_260 = arith.constant 0 : index
    tpu.barrier barrier_id(%barrier3A_260)
    "tpu.region"() ({
      %run_scoped3A = tpu.sem_alloc : memref<!tpu.dma_semaphore, #tpu.memory_space<semaphore_mem>>
      %dma_start3A_261 = arith.constant 0 : i32
      %dma_start3A_262 = tpu.memref_slice %arg5[%arg0, %mul3A_156, %dma_start3A_261] : memref<2x10240x128xf32, #tpu.memory_space<hbm>> -> memref<1x640x128xf32, #tpu.memory_space<hbm>>
      %dma_start3A_263 = tpu.memref_squeeze %dma_start3A_262 : memref<1x640x128xf32, #tpu.memory_space<hbm>> -> memref<640x128xf32, #tpu.memory_space<hbm>>
      %dma_start3A_264 = arith.constant 0 : i32
      %dma_start3A_265 = tpu.memref_slice %arg15[%mul3A_156, %dma_start3A_264] : memref<10240x128xf32, #tpu.memory_space<vmem_shared>> -> memref<640x128xf32, #tpu.memory_space<vmem_shared>>
      tpu.enqueue_dma source(%dma_start3A_265 : memref<640x128xf32, #tpu.memory_space<vmem_shared>>) target(%dma_start3A_263 : memref<640x128xf32, #tpu.memory_space<hbm>>) target_semaphore(%run_scoped3A : memref<!tpu.dma_semaphore, #tpu.memory_space<semaphore_mem>>)
      %dma_wait3A_266 = arith.constant 0 : i32
      %dma_wait3A_267 = tpu.memref_slice %arg5[%arg0, %mul3A_156, %dma_wait3A_266] : memref<2x10240x128xf32, #tpu.memory_space<hbm>> -> memref<1x640x128xf32, #tpu.memory_space<hbm>>
      %dma_wait3A_268 = tpu.memref_squeeze %dma_wait3A_267 : memref<1x640x128xf32, #tpu.memory_space<hbm>> -> memref<640x128xf32, #tpu.memory_space<hbm>>
      %dma_wait3A_269 = arith.constant 0 : i32
      %dma_wait3A_270 = tpu.memref_slice %arg15[%mul3A_156, %dma_wait3A_269] : memref<10240x128xf32, #tpu.memory_space<vmem_shared>> -> memref<640x128xf32, #tpu.memory_space<vmem_shared>>
      tpu.wait_dma2 semaphore(%run_scoped3A : memref<!tpu.dma_semaphore, #tpu.memory_space<semaphore_mem>>) src(%dma_wait3A_270 : memref<640x128xf32, #tpu.memory_space<vmem_shared>>) dst(%dma_wait3A_268 : memref<640x128xf32, #tpu.memory_space<hbm>>)
      tpu.yield
    }) : () -> ()
    "tpu.region"() ({
      %run_scoped3A = tpu.sem_alloc : memref<!tpu.dma_semaphore, #tpu.memory_space<semaphore_mem>>
      %dma_start3A_261 = tpu.memref_slice %arg6[%arg0, %mul3A_156] : memref<2x10240xf32, #tpu.memory_space<hbm>> -> memref<1x640xf32, #tpu.memory_space<hbm>>
      %dma_start3A_262 = tpu.memref_squeeze %dma_start3A_261 : memref<1x640xf32, #tpu.memory_space<hbm>> -> memref<640xf32, #tpu.memory_space<hbm>>
      %dma_start3A_263 = tpu.memref_slice %arg16[%mul3A_156] : memref<10240xf32, #tpu.memory_space<vmem_shared>> -> memref<640xf32, #tpu.memory_space<vmem_shared>>
      tpu.enqueue_dma source(%dma_start3A_263 : memref<640xf32, #tpu.memory_space<vmem_shared>>) target(%dma_start3A_262 : memref<640xf32, #tpu.memory_space<hbm>>) target_semaphore(%run_scoped3A : memref<!tpu.dma_semaphore, #tpu.memory_space<semaphore_mem>>)
      %dma_wait3A_264 = tpu.memref_slice %arg6[%arg0, %mul3A_156] : memref<2x10240xf32, #tpu.memory_space<hbm>> -> memref<1x640xf32, #tpu.memory_space<hbm>>
      %dma_wait3A_265 = tpu.memref_squeeze %dma_wait3A_264 : memref<1x640xf32, #tpu.memory_space<hbm>> -> memref<640xf32, #tpu.memory_space<hbm>>
      %dma_wait3A_266 = tpu.memref_slice %arg16[%mul3A_156] : memref<10240xf32, #tpu.memory_space<vmem_shared>> -> memref<640xf32, #tpu.memory_space<vmem_shared>>
      tpu.wait_dma2 semaphore(%run_scoped3A : memref<!tpu.dma_semaphore, #tpu.memory_space<semaphore_mem>>) src(%dma_wait3A_266 : memref<640xf32, #tpu.memory_space<vmem_shared>>) dst(%dma_wait3A_265 : memref<640xf32, #tpu.memory_space<hbm>>)
      tpu.yield
    }) : () -> ()
    return
  }
}

module attributes {stable_mosaic.version = 14 : i64} {
  func.func @body(%arg0: i32, %arg1: memref<2000x128xf32, #tpu.memory_space<vmem>>, %arg2: memref<256x128xf32, #tpu.memory_space<vmem>>, %arg3: memref<1x128xf32, #tpu.memory_space<vmem>>, %arg4: memref<128x128xf32, #tpu.memory_space<vmem>>, %arg5: memref<2000x128xf32, #tpu.memory_space<vmem>>) attributes {dimension_semantics = [#tpu.dimension_semantics<arbitrary>], iteration_bounds = array<i64: 5>, scalar_prefetch = 0 : i64, scratch_operands = 0 : i64, tpu.core_type = #tpu.core_type<tc>, window_params = [{transform_indices = @transform_0, window_bounds = array<i64: 2000, 128>}, {pipeline_mode = #tpu.pipeline_mode<synchronous>, transform_indices = @transform_1, window_bounds = array<i64: 256, 128>}, {pipeline_mode = #tpu.pipeline_mode<synchronous>, transform_indices = @transform_2, window_bounds = array<i64: 1, 128>}, {pipeline_mode = #tpu.pipeline_mode<synchronous>, transform_indices = @transform_3, window_bounds = array<i64: 128, 128>}, {transform_indices = @transform_4, window_bounds = array<i64: 2000, 128>}]} {
    %get3A = arith.constant 0 : index
    %get3A_0 = arith.constant 0 : index
    %get3A_1 = vector.load %arg2[%get3A, %get3A_0] : memref<256x128xf32, #tpu.memory_space<vmem>>, vector<128x128xf32>
    %get3A_2 = arith.constant 0 : index
    %get3A_3 = arith.constant 0 : index
    %get3A_4 = vector.load %arg4[%get3A_2, %get3A_3] : memref<128x128xf32, #tpu.memory_space<vmem>>, vector<128x128xf32>
    %add3A = arith.addf %get3A_1, %get3A_4 : vector<128x128xf32>
    %get3A_5 = arith.constant 0 : index
    %get3A_6 = arith.constant 0 : index
    %get3A_7 = vector.load %arg1[%get3A_5, %get3A_6] : memref<2000x128xf32, #tpu.memory_space<vmem>>, vector<2000x128xf32>
    %dot_general3A = arith.constant dense<0.000000e+00> : vector<2000x128xf32>
    %dot_general3A_8 = tpu.matmul %get3A_7, %add3A, %dot_general3A {dimension_numbers = #tpu.dot_dimension_numbers<[1], [0], [0], [1], [0, 0, 1, 1], [], []>, transpose_lhs_hint = false} : vector<2000x128xf32>, vector<128x128xf32>, vector<2000x128xf32> -> vector<2000x128xf32>
    %get3A_9 = arith.constant 0 : index
    %get3A_10 = arith.constant 0 : index
    %get3A_11 = vector.load %arg3[%get3A_9, %get3A_10] : memref<1x128xf32, #tpu.memory_space<vmem>>, vector<1x128xf32>
    %add3A_12 = vector.broadcast %get3A_11 : vector<1x128xf32> to vector<2000x128xf32>
    %add3A_13 = arith.addf %dot_general3A_8, %add3A_12 : vector<2000x128xf32>
    %swap3A = arith.constant 0 : index
    %swap3A_14 = arith.constant 0 : index
    %swap3A_15 = vector.load %arg5[%swap3A, %swap3A_14] : memref<2000x128xf32, #tpu.memory_space<vmem>>, vector<2000x128xf32>
    tpu.vector_store %arg5[%swap3A, %swap3A_14], %add3A_13 {strides = array<i32>} : memref<2000x128xf32, #tpu.memory_space<vmem>>, vector<2000x128xf32>,
    return
  }
  func.func @transform_0(%arg0: i32) -> (i32, i32) {
    %c0_i32 = arith.constant 0 : i32
    %c0_i32_0 = arith.constant 0 : i32
    return %arg0, %c0_i32 : i32, i32
  }
  func.func @transform_1(%arg0: i32) -> (i32, i32) {
    %c0_i32 = arith.constant 0 : i32
    %c0_i32_0 = arith.constant 0 : i32
    %c0_i32_1 = arith.constant 0 : i32
    return %c0_i32, %c0_i32_0 : i32, i32
  }
  func.func @transform_2(%arg0: i32) -> (i32, i32) {
    %c0_i32 = arith.constant 0 : i32
    %c0_i32_0 = arith.constant 0 : i32
    %c0_i32_1 = arith.constant 0 : i32
    return %c0_i32, %c0_i32_0 : i32, i32
  }
  func.func @transform_3(%arg0: i32) -> (i32, i32) {
    %c0_i32 = arith.constant 0 : i32
    %c0_i32_0 = arith.constant 0 : i32
    %c0_i32_1 = arith.constant 0 : i32
    return %c0_i32, %c0_i32_0 : i32, i32
  }
  func.func @transform_4(%arg0: i32) -> (i32, i32) {
    %c0_i32 = arith.constant 0 : i32
    %c0_i32_0 = arith.constant 0 : i32
    return %arg0, %c0_i32 : i32, i32
  }
}

module attributes {stable_mosaic.version = 14 : i64} {
  func.func @body(%arg0: i32, %arg1: memref<2000x128xf32, #tpu.memory_space<vmem>>, %arg2: memref<2x2000x128xf32, #tpu.memory_space<vmem>>, %arg3: memref<2x2000x1xf32, #tpu.memory_space<vmem>>, %arg4: memref<256x128xf32, #tpu.memory_space<vmem>>, %arg5: memref<2000x128xf32, #tpu.memory_space<vmem>>) attributes {dimension_semantics = [#tpu.dimension_semantics<arbitrary>], iteration_bounds = array<i64: 5>, scalar_prefetch = 0 : i64, scratch_operands = 0 : i64, tpu.core_type = #tpu.core_type<tc>, window_params = [{transform_indices = @transform_0, window_bounds = array<i64: 2000, 128>}, {transform_indices = @transform_1, window_bounds = array<i64: 2, 2000, 128>}, {transform_indices = @transform_2, window_bounds = array<i64: 2, 2000, 1>}, {pipeline_mode = #tpu.pipeline_mode<synchronous>, transform_indices = @transform_3, window_bounds = array<i64: 256, 128>}, {transform_indices = @transform_4, window_bounds = array<i64: 2000, 128>}]} {
    %get3A = arith.constant 0 : index
    %get3A_0 = arith.constant 0 : index
    %get3A_1 = arith.constant 0 : index
    %get3A_2 = vector.load %arg3[%get3A, %get3A_0, %get3A_1] : memref<2x2000x1xf32, #tpu.memory_space<vmem>>, vector<1x2000x1xf32>
    %get3A_3 = vector.shape_cast %get3A_2 : vector<1x2000x1xf32> to vector<2000x1xf32>
    %get3A_4 = arith.constant 1 : index
    %get3A_5 = arith.constant 0 : index
    %get3A_6 = arith.constant 0 : index
    %get3A_7 = vector.load %arg3[%get3A_4, %get3A_5, %get3A_6] : memref<2x2000x1xf32, #tpu.memory_space<vmem>>, vector<1x2000x1xf32>
    %get3A_8 = vector.shape_cast %get3A_7 : vector<1x2000x1xf32> to vector<2000x1xf32>
    %add3A = arith.addf %get3A_3, %get3A_8 : vector<2000x1xf32>
    %max3A = arith.constant 1.000000e+00 : f32
    %max3A_9 = vector.broadcast %max3A : f32 to vector<2000x1xf32>
    %max3A_10 = arith.maximumf %add3A, %max3A_9 : vector<2000x1xf32>
    %get3A_11 = arith.constant 0 : index
    %get3A_12 = arith.constant 0 : index
    %get3A_13 = arith.constant 0 : index
    %get3A_14 = vector.load %arg2[%get3A_11, %get3A_12, %get3A_13] : memref<2x2000x128xf32, #tpu.memory_space<vmem>>, vector<1x2000x128xf32>
    %get3A_15 = vector.shape_cast %get3A_14 : vector<1x2000x128xf32> to vector<2000x128xf32>
    %get3A_16 = arith.constant 1 : index
    %get3A_17 = arith.constant 0 : index
    %get3A_18 = arith.constant 0 : index
    %get3A_19 = vector.load %arg2[%get3A_16, %get3A_17, %get3A_18] : memref<2x2000x128xf32, #tpu.memory_space<vmem>>, vector<1x2000x128xf32>
    %get3A_20 = vector.shape_cast %get3A_19 : vector<1x2000x128xf32> to vector<2000x128xf32>
    %add3A_21 = arith.addf %get3A_15, %get3A_20 : vector<2000x128xf32>
    %div3A = vector.broadcast %max3A_10 : vector<2000x1xf32> to vector<2000x128xf32>
    %div3A_22 = arith.divf %add3A_21, %div3A : vector<2000x128xf32>
    %get3A_23 = arith.constant 0 : index
    %get3A_24 = arith.constant 0 : index
    %get3A_25 = vector.load %arg1[%get3A_23, %get3A_24] : memref<2000x128xf32, #tpu.memory_space<vmem>>, vector<2000x128xf32>
    %get3A_26 = arith.constant 128 : index
    %get3A_27 = arith.constant 0 : index
    %get3A_28 = vector.load %arg4[%get3A_26, %get3A_27] : memref<256x128xf32, #tpu.memory_space<vmem>>, vector<128x128xf32>
    %dot_general3A = arith.constant dense<0.000000e+00> : vector<2000x128xf32>
    %dot_general3A_29 = tpu.matmul %div3A_22, %get3A_28, %dot_general3A {dimension_numbers = #tpu.dot_dimension_numbers<[1], [0], [0], [1], [0, 0, 1, 1], [], []>, transpose_lhs_hint = false} : vector<2000x128xf32>, vector<128x128xf32>, vector<2000x128xf32> -> vector<2000x128xf32>
    %add3A_30 = arith.addf %get3A_25, %dot_general3A_29 : vector<2000x128xf32>
    %swap3A = arith.constant 0 : index
    %swap3A_31 = arith.constant 0 : index
    %swap3A_32 = vector.load %arg5[%swap3A, %swap3A_31] : memref<2000x128xf32, #tpu.memory_space<vmem>>, vector<2000x128xf32>
    tpu.vector_store %arg5[%swap3A, %swap3A_31], %add3A_30 {strides = array<i32>} : memref<2000x128xf32, #tpu.memory_space<vmem>>, vector<2000x128xf32>,
    return
  }
  func.func @transform_0(%arg0: i32) -> (i32, i32) {
    %c0_i32 = arith.constant 0 : i32
    %c0_i32_0 = arith.constant 0 : i32
    return %arg0, %c0_i32 : i32, i32
  }
  func.func @transform_1(%arg0: i32) -> (i32, i32, i32) {
    %c0_i32 = arith.constant 0 : i32
    %c0_i32_0 = arith.constant 0 : i32
    %c0_i32_1 = arith.constant 0 : i32
    return %c0_i32, %arg0, %c0_i32_0 : i32, i32, i32
  }
  func.func @transform_2(%arg0: i32) -> (i32, i32, i32) {
    %c0_i32 = arith.constant 0 : i32
    %c0_i32_0 = arith.constant 0 : i32
    %c0_i32_1 = arith.constant 0 : i32
    return %c0_i32, %arg0, %c0_i32_0 : i32, i32, i32
  }
  func.func @transform_3(%arg0: i32) -> (i32, i32) {
    %c0_i32 = arith.constant 0 : i32
    %c0_i32_0 = arith.constant 0 : i32
    %c0_i32_1 = arith.constant 0 : i32
    return %c0_i32, %c0_i32_0 : i32, i32
  }
  func.func @transform_4(%arg0: i32) -> (i32, i32) {
    %c0_i32 = arith.constant 0 : i32
    %c0_i32_0 = arith.constant 0 : i32
    return %arg0, %c0_i32 : i32, i32
  }
}

</mosaic_0001>

<sc_bundles>
// kernel: kernel.5.cloned.1.call-start
scs
__scs_entry_jumppad:
0x0: {  	(pc) =	sbr.rel $0x88, $3  }
0x1: {  	(tag) =	ssettag $0x0;
	lr =	simm.s32 $0x1  }
0x2: {  	[smem:$0x3F9B] =	sst lr;
	_ =	strace $0xD0000000  }
0x3: {  	_ = 	snop  }
0x4: {  	_ = 	snop  }
0x5: {  	_ = 	snop  }
0x6: {  	_ = 	snop  }
0x7: {  	_ = 	snop  }
__scs_overlays_trampoline_lowered:
0x8: {  	[smem:$0x3FAA] =	sst s0  }
0x9: {  	[smem:$0x3FAB] =	sst s1  }
0xa: {  	[smem:$0x3FAC] =	sst s2  }
0xb: {  	[smem:$0x3FAD] =	sst s3  }
0xc: {  	[smem:$0x3FAE] =	sst s4  }
0xd: {  	[smem:$0x3FAF] =	sst s5  }
0xe: {  	[smem:$0x3FB0] =	sst s6  }
0xf: {  	[smem:$0x3FB1] =	sst s7  }
0x10: {  	[smem:$0x3FB2] =	sst s8  }
0x11: {  	[smem:$0x3FB3] =	sst s9;
	s0 =	simm.s32 @!p0 $0x0  }
0x12: {  	s1 =	sld [smem:$0x3F99];
	s0 =	simm.s32 @p0 $0x1  }
0x13: {  	[smem:$0x3FB4] =	sst s0;
	s0 =	simm.s32 @!p1 $0x0  }
0x14: {  	s2 =	sld [smem:$0x3F98];
	s0 =	simm.s32 @p1 $0x1  }
0x15: {  	[smem:$0x3FB5] =	sst s0;
	s0 =	simm.s32 @!p2 $0x0  }
0x16: {  	s3 =	sld [smem:$0x3FDB];
	s0 =	simm.s32 @p2 $0x1  }
0x17: {  	s4 =	simm.s32 $0x1BF5;
	[smem:$0x3FB7] =	sst s0  }
0x18: {  	s0 =	sld [smem:$0x3F9A];
	_ =	swait.ge [sflag:s4], $0x0  }
0x19: {  	s7 =	sld [smem:$0x3F9B]  }
0x1a: {  	s8 =	sadd.s32 $0xFFFFE003, lr  }
0x1b: {  	s9 =	sadd.s32 $0xFFFFFEF7, lr;
	s5 =	simm.s32 $0xFFFFFFFF;
	p2 =	slt.u32 s8, $0xFFFFF086  }
0x1c: {  	p1 =	slt.u32 s9, $0xF7A;
	s5 =	simm.s32 @!p2 $0x0  }
0x1d: {  	s5 =	simm.s32 @p1 $0x1;
	p0 =	seq.s32 s7, s2  }
0x1e: {  	s7 =	smul.u32 @!p0 $0xF7A, s2;
	p2 =	seq.s32 @!p0 s5, $0x0  }
0x1f: {  	s9 =	smul.u32 $0xF7A, s1;
	s8 =	simm.s32 @!p0 $0x1BF5;
	p2 =	por !p2, p0  }
0x20: {  	[sflag:s8] =	ssyncset.s32 @!p0 $0xFFFFF086;
	s6 =	sadd.s32 @!p0 s3, s7;
	s7 =	simm.s32 @!p0 $0x108  }
0x21: {  	s3 =	sadd.s32 s3, s9;
	s6 =	sadd.s32 @!p0 $0x88, s6;
	s7 =	simm.s32 @p2 $0x1082  }
0x22: {  	[simem:s7], [sflag:s8] =	dma.local @!p0 [hbm:s6], $0xF7A  }
0x23: {  	s9 =	sor.u32 $0xD0000000, s2;
	s6 =	simm.s32 $0x108;
	_ =	swait.ge @!p0 [sflag:s8], $0x0  }
0x24: {  	s3 =	sadd.s32 $0x88, s3;
	s6 =	simm.s32 @!p1 $0x1082;
	[sflag:s4] =	ssyncset.s32 $0xFFFFF086  }
0x25: {  	[simem:s6], [sflag:s4] =	dma.local [hbm:s3], $0xF7A  }
0x26: {  	[smem:$0x3F9B] =	sst s1;
	(tag) =	ssettag s2;
	_ =	strace s9  }
0x27: {  	s1 =	sld [smem:$0x3FAB]  }
0x28: {  	s2 =	sld [smem:$0x3FAC]  }
0x29: {  	s4 =	sld [smem:$0x3FAE]  }
0x2a: {  	p0 =	seq.s32 s5, $0x0;
	s5 =	sld [smem:$0x3FAF]  }
0x2b: {  	s6 =	sld [smem:$0x3FB0]  }
0x2c: {  	s7 =	sld [smem:$0x3FB1]  }
0x2d: {  	s3 =	simm.s32 $0x108;
	s8 =	sld [smem:$0x3FB2]  }
0x2e: {  	s3 =	simm.s32 @!p0 $0x1082;
	s9 =	sld [smem:$0x3FB3]  }
0x2f: {  	lr =	sadd.s32 s0, s3;
	s0 =	sld [smem:$0x3FAA]  }
0x30: {  	s3 =	sld [smem:$0x3FAD]  }
0x31: {  	[smem:$0x3FB6] =	sst s10  }
0x32: {  	s10 =	sld [smem:$0x3FB4];
	_ =	sdelay $0x3  }
0x33: {  	p0 =	seq.s32 s10, $0x1;
	s10 =	sld [smem:$0x3FB6];
	_ =	sdelay $0x3  }
0x34: {  	[smem:$0x3FB6] =	sst s10  }
0x35: {  	s10 =	sld [smem:$0x3FB5];
	_ =	sdelay $0x3  }
0x36: {  	p1 =	seq.s32 s10, $0x1;
	s10 =	sld [smem:$0x3FB6];
	_ =	sdelay $0x3  }
0x37: {  	[smem:$0x3FB6] =	sst s10  }
0x38: {  	s10 =	sld [smem:$0x3FB7]  }
0x39: {  	_ = 	snop;
	(pc) =	sbr.ind lr, $3  }
0x3a: {  	_ = 	snop  }
0x3b: {  	_ = 	snop  }
0x3c: {  	p2 =	seq.s32 s10, $0x1;
	s10 =	sld [smem:$0x3FB6]  }
0x3d: {  	_ =	shalt  }
0x3e: {  	_ =	shalt  }
0x3f: {  	_ =	shalt  }
0x40: {  	_ =	shalt  }
0x41: {  	_ =	shalt  }
0x42: {  	_ =	shalt  }
0x43: {  	_ =	shalt  }
0x44: {  	_ =	shalt  }
0x45: {  	_ =	shalt  }
0x46: {  	_ =	shalt  }
0x47: {  	_ =	shalt  }
0x48: {  	_ =	shalt  }
0x49: {  	_ =	shalt  }
0x4a: {  	_ =	shalt  }
0x4b: {  	_ =	shalt  }
0x4c: {  	_ =	shalt  }
0x4d: {  	_ =	shalt  }
0x4e: {  	_ =	shalt  }
0x4f: {  	_ =	shalt  }
0x50: {  	_ =	shalt  }
0x51: {  	_ =	shalt  }
0x52: {  	_ =	shalt  }
0x53: {  	_ =	shalt  }
0x54: {  	_ =	shalt  }
0x55: {  	_ =	shalt  }
0x56: {  	_ =	shalt  }
0x57: {  	_ =	shalt  }
0x58: {  	_ =	shalt  }
0x59: {  	_ =	shalt  }
0x5a: {  	_ =	shalt  }
0x5b: {  	_ =	shalt  }
0x5c: {  	_ =	shalt  }
0x5d: {  	_ =	shalt  }
0x5e: {  	_ =	shalt  }
0x5f: {  	_ =	shalt  }
0x60: {  	_ =	shalt  }
0x61: {  	_ =	shalt  }
0x62: {  	_ =	shalt  }
0x63: {  	_ =	shalt  }
0x64: {  	_ =	shalt  }
0x65: {  	_ =	shalt  }
0x66: {  	_ =	shalt  }
0x67: {  	_ =	shalt  }
0x68: {  	_ =	shalt  }
0x69: {  	_ =	shalt  }
0x6a: {  	_ =	shalt  }
0x6b: {  	_ =	shalt  }
0x6c: {  	_ =	shalt  }
0x6d: {  	_ =	shalt  }
0x6e: {  	_ =	shalt  }
0x6f: {  	_ =	shalt  }
0x70: {  	_ =	shalt  }
0x71: {  	_ =	shalt  }
0x72: {  	_ =	shalt  }
0x73: {  	_ =	shalt  }
0x74: {  	_ =	shalt  }
0x75: {  	_ =	shalt  }
0x76: {  	_ =	shalt  }
0x77: {  	_ =	shalt  }
0x78: {  	_ =	shalt  }
0x79: {  	_ =	shalt  }
0x7a: {  	_ =	shalt  }
0x7b: {  	_ =	shalt  }
0x7c: {  	_ =	shalt  }
0x7d: {  	_ =	shalt  }
0x7e: {  	_ =	shalt  }
0x7f: {  	_ =	shalt  }
0x80: {  	_ =	shalt  }
0x81: {  	_ =	shalt  }
0x82: {  	_ =	shalt  }
0x83: {  	_ =	shalt  }
0x84: {  	_ =	shalt  }
0x85: {  	_ =	shalt  }
0x86: {  	_ =	shalt  }
0x87: {  	_ =	shalt  }
.Lfunc_end0:
.L_simem_size_0:
called_computation_lowered:
.L_overlay_start_0:
0x88: {  	s2 =	sld [smem:$0x3FD9]  }
0x89: {  	s3 =	sld [smem:$0x3FFE];
	_ =	sdelay $0x1  }
0x8a: {  	s1 =	srdreg.scid  }
0x8b: {  	s0 =	sand.u32 $0x1, s1  }
0x8c: {  	s17 =	sshll.u32 s0, $0xA;
	s2 =	sadd.s32 s3, s2  }
0x8d: {  	s2 =	sadd.s32 s2, s17  }
0x8e: {  	[smem:$0x3FC2] =	sst s2  }
0x8f: {  	_ = 	snop  }
0x90: {  	s2 =	sld [smem:$0x3FC9]  }
0x91: {  	s18 =	sld [smem:$0x3FC8]  }
0x92: {  	s4 =	sld [smem:$0x3FC7]  }
0x93: {  	s5 =	sld [smem:$0x3FD0];
	(tm) =	ssettm $0x1  }
0x94: {  	s6 =	sld [smem:$0x3FFB];
	_ =	sdelay $0x3  }
0x95: {  	_ =	strace s6  }
0x96: {  	s6 =	sld [smem:$0x3FFC];
	_ =	sdelay $0x3  }
0x97: {  	_ =	strace s6  }
0x98: {  	s6 =	sld [smem:$0x3FFD];
	_ =	sdelay $0x3  }
0x99: {  	_ =	strace s6  }
0x9a: {  	_ =	strace $0x8FFFFFFF  }
0x9b: {  	s19 =	sld [smem:$0x3FDB];
	_ =	sdelay $0x1  }
0x9c: {  	s7 =	simm.s32 $_scs_section_size  }
0x9d: {  	s8 =	simm.s32 $_size__tile_overlayer_lowered;
	s9 =	simm.s32 $_tile_overlayer_lowered  }
0x9e: {  	s22 =	simm.s32 $0x1BFF;
	s21 =	sshll.u32 s9, $0x1;
	s6 =	sadd.s32 s7, s19  }
0x9f: {  	s10 =	simm.s32 $0x0;
	s20 =	sshll.u32 s8, $0x1;
	s8 =	sadd.s32 s21, s6  }
0xa0: {  	[timem:s10], [sflag:s22] =	dma.local [hbm:s8], s20  }
0xa1: {  	_ =	swait.ge [sflag:s22], s20  }
0xa2: {  	s7 =	ssub.s32 $0x0, s20;
	[sflag:s22] =	ssyncset.done $0x0  }
0xa3: {  	[sflag:s22] =	ssyncadd.s32 s7;
	_ =	sdelay $0x1  }
0xa4: {  	s23 =	simm.s32 $0x1B8B  }
0xa5: {  	_ =	swait.ge [sflag:s23], $0x1  }
0xa6: {  	[sflag:s23] =	ssyncset.done $0x0  }
0xa7: {  	s25 =	simm.s32 $0x1B8E;
	s24 =	sld [smem:$0x3FFE];
	[sflag:s23] =	ssyncadd.s32 $0xFFFFFFFF  }
0xa8: {  	s26 =	simm.s32 $execute0_lowered;
	[smem:$0x3FD2] =	sst s25  }
0xa9: {  	s8 =	sshll.u32 s26, $0x1;
	_ =	strace $0x80000046;
	[dreg:$0x1] =	wrdreg $0xFFFFFFFF  }
0xaa: {  	s28 =	simm.s32 $_size_execute0_lowered;
	s6 =	sadd.s32 s6, s8;
	[dreg:$0x0] =	wrdreg $0x0  }
0xab: {  	s8 =	sshll.u32 s28, $0x1;
	[dreg:$0x2] =	wrdreg s6  }
0xac: {  	[dreg:$0x3] =	wrdreg s8  }
0xad: {  	[dreg:$0x4] =	wrdreg $0xC0  }
0xae: {  	_ =	task [dreg:s10], $0x5FFFF  }
0xaf: {  	[dreg:$0x1] =	wrdreg $0xFFFFFFFF  }
0xb0: {  	[dreg:$0x0] =	wrdreg $0x60  }
0xb1: {  	[dreg:$0x2] =	wrdreg s2  }
0xb2: {  	[dreg:$0x3] =	wrdreg s18  }
0xb3: {  	[dreg:$0x4] =	wrdreg s4  }
0xb4: {  	[dreg:$0x5] =	wrdreg s24  }
0xb5: {  	[dreg:$0x6] =	wrdreg s5  }
0xb6: {  	[dreg:$0x7] =	wrdreg $0x93000  }
0xb7: {  	[dreg:$0x8] =	wrdreg $0x1D3000  }
0xb8: {  	[dreg:$0x9] =	wrdreg $0x9  }
0xb9: {  	_ =	task.clear_ibuf [dreg:s10], $0xAFFFF;
	_ =	strace $0x90000046  }
0xba: {  	s29 =	simm.s32 $0x9;
	_ =	strace $0x80000048  }
0xbb: {  	_ =	swait.ge [sflag:s29], $0x1  }
0xbc: {  	[sflag:s29] =	ssyncadd.s32 $0xFFFFFFFF  }
0xbd: {  	_ =	strace $0x90000048  }
0xbe: {  	_ =	sfence  }
0xbf: {  	s30 =	sld [smem:$0x0];
	_ =	sdelay $0x2  }
0xc0: {  	s31 =	sshll.u32 s1, $0xD;
	s1 =	sshrl.u32 s1, $0x2  }
0xc1: {  	s3 =	sand.u32 $0x4000, s31;
	s1 =	sadd.s32 s1, s30  }
0xc2: {  	s0 =	sor.u32 s3, s0;
	s1 =	sshll.u32 s1, $0x11  }
0xc3: {  	s0 =	sor.u32 s1, s0  }
0xc4: {  	s0 =	sadd.s32 $0x8F2B, s0  }
0xc5: {  	[sflag:s0] =	ssyncadd.remote.s32 $0x1  }
0xc6: {  	_ =	sfence.sel $0xFFFF  }
0xc7: {  	[dreg:$0x0] =	wrdreg $0xFFFFFFFF;
	(pc) =	sbr.abs _section_cstart, $3  }
0xc8: {  	[dreg:$0x1] =	wrdreg $0xFFFFFFFF  }
0xc9: {  	_ =	task.clear_ibuf [dreg:s10], $0x2FFFF;
	_ =	strace $0x9FFFFFFF  }
0xca: {  	(tm) =	ssettm $0x7FFFFFFF  }
0xcb: {  	_ =	shalt  }
tec
execute0_lowered:
.L_overlay_start_1:
0x0: {  	(tag) =	ssettag $0x1  }
0x1: {  	s0 =	rddreg [dreg:$0x0]  }
0x2: {  	s12 =	rddreg [dreg:$0x1]  }
0x3: {  	s13 =	rddreg [dreg:$0x2]  }
0x4: {  	s1 =	rddreg [dreg:$0x3]  }
0x5: {  	s2 =	rddreg [dreg:$0x4];
	s14 =	stileid.u32  }
0x6: {  	s4 =	rddreg [dreg:$0x5];
	s7 =	smul.u32 $0x14000, s14  }
0x7: {  	s6 =	rddreg [dreg:$0x6];
	s10 =	smul.u32 $0x50000, s14  }
0x8: {  	s3 =	srdreg.scid;
	s28 =	smul.u32 $0xA00, s14  }
0x9: {  	s9 =	simm.s32 $0x0;
	s3 =	sand.u32 $0x1, s3;
	s30 =	smul.u32 $0x500, s14  }
0xa: {  	[smem:$0x7FF] =	sst s9;
	s5 =	smul.u32 $0x140000, s3;
	s8 =	sshll.u32 s3, $0x4  }
0xb: {  	s17 =	ssub.s32 $0x2, s3;
	_ =	strace $0x80000047;
	s31 =	sshll.u32 s3, $0x7  }
0xc: {  	s3 =	smul.u32 $0x27100, s3;
	s8 =	sor.u32 s14, s8;
	s18 =	sshrl.u32 s17, $0x1  }
0xd: {  	s10 =	sshrl.u32 s10, $0x2;
	s14 =	smul.u32 $0x2710, s14;
	s5 =	sadd.s32 s7, s5  }
0xe: {  	s8 =	smul.u32 $0x2710, s8;
	s29 =	sadd.s32 s10, s4;
	s5 =	sshrl.u32 s5, $0x3  }
0xf: {  	s3 =	sadd.s32 s14, s3;
	s14 =	sadd.s32 $0x4000, s29;
	[dreg:$0x12] =	wrdreg s29  }
0x10: {  	s1 =	sadd.s32 s5, s1;
	s5 =	ssub.s32 s17, s18;
	s19 =	sshrl.u32 s8, $0x3  }
0x11: {  	[smem:$0x7EE] =	sst s14;
	s8 =	sadd.s32 s12, s19;
	s20 =	sadd.s32 s13, s19  }
0x12: {  	s21 =	sadd.s32 $0xA, s19;
	s23 =	sadd.s32 $0x14, s19;
	[dreg:$0x8] =	wrdreg s8  }
0x13: {  	s25 =	sadd.s32 $0x1E, s19;
	s1 =	sadd.s32 $0x1200, s1;
	[dreg:$0x9] =	wrdreg s20  }
0x14: {  	s7 =	sadd.s32 $0x28, s19;
	s19 =	smax.u32 s5, $0x1;
	[dreg:$0x14] =	wrdreg s1  }
0x15: {  	s22 =	sadd.s32 s12, s21;
	[dreg:$0x16] =	wrdreg s19  }
0x16: {  	s8 =	sadd.s32 s13, s21;
	[dreg:$0xa] =	wrdreg s22  }
0x17: {  	s24 =	sadd.s32 s12, s23;
	[dreg:$0xb] =	wrdreg s8  }
0x18: {  	s26 =	sadd.s32 s12, s25;
	[dreg:$0xc] =	wrdreg s24  }
0x19: {  	s9 =	sadd.s32 s13, s25;
	[dreg:$0xe] =	wrdreg s26  }
0x1a: {  	s11 =	sadd.s32 s12, s7;
	[dreg:$0xf] =	wrdreg s9  }
0x1b: {  	s18 =	sadd.s32 $0x320, s3;
	s7 =	sadd.s32 s13, s7;
	[dreg:$0x10] =	wrdreg s11  }
0x1c: {  	s1 =	sshrl.u32 s18, $0x3;
	s18 =	sadd.s32 $0x8000, s29;
	[dreg:$0x11] =	wrdreg s7  }
0x1d: {  	s19 =	sadd.s32 $0x9000, s29;
	[smem:$0x7F2] =	sst s18  }
0x1e: {  	s15 =	sshrl.u32 s28, $0x2;
	s8 =	sadd.s32 s13, s23;
	[smem:$0x7F3] =	sst s19  }
0x1f: {  	s9 =	sor.u32 s31, s30;
	s21 =	sadd.s32 s1, s13;
	[dreg:$0xd] =	wrdreg s8  }
0x20: {  	s22 =	sadd.s32 $0x280, s3;
	s1 =	sadd.s32 s1, s12;
	[dreg:$0x17] =	wrdreg s21  }
0x21: {  	s26 =	sadd.s32 $0x230, s3;
	s11 =	sadd.s32 $0x1000, s29;
	[dreg:$0x18] =	wrdreg s1  }
0x22: {  	s16 =	sshrl.u32 s9, $0x3;
	s9 =	sadd.s32 $0x1E0, s3;
	[smem:$0x7EB] =	sst s11  }
0x23: {  	s8 =	sadd.s32 s15, s6;
	s15 =	sadd.s32 $0x5000, s29;
	[dreg:$0x1f] =	wrdreg s9  }
0x24: {  	s30 =	sadd.s32 $0x190, s3;
	s21 =	sadd.s32 $0xB000, s29;
	[smem:$0x7EF] =	sst s15  }
0x25: {  	s23 =	sshrl.u32 s22, $0x3;
	s22 =	sadd.s32 $0xC000, s29;
	[smem:$0x7F5] =	sst s21  }
0x26: {  	s28 =	sshrl.u32 s26, $0x3;
	s26 =	sadd.s32 $0x10000, s29;
	[smem:$0x7F6] =	sst s22  }
0x27: {  	s7 =	sshrl.u32 s30, $0x3;
	s30 =	sadd.s32 $0x12000, s29;
	[smem:$0x7FA] =	sst s26  }
0x28: {  	s14 =	simm.s32 $0x50;
	[smem:$0x7FC] =	sst s30  }
0x29: {  	s20 =	sadd.s32 $0x2D0, s3;
	s17 =	sadd.s32 s2, s16;
	[dreg:$0x13] =	wrdreg s8  }
0x2a: {  	s19 =	simm.s32 $0x800;
	s25 =	sadd.s32 s23, s13;
	[dreg:$0x15] =	wrdreg s17  }
0x2b: {  	s18 =	simm.s32 $0x5;
	s1 =	sadd.s32 s23, s12;
	[dreg:$0x1b] =	wrdreg s25  }
0x2c: {  	s11 =	simm.s32 $0x3000;
	s31 =	sadd.s32 s28, s13;
	[dreg:$0x1c] =	wrdreg s1  }
0x2d: {  	s3 =	simm.s32 $0x5800;
	s10 =	sadd.s32 s7, s13;
	[dreg:$0x1d] =	wrdreg s31  }
0x2e: {  	s2 =	sshrl.u32 s20, $0x3;
	s16 =	sadd.s32 $0x6000, s29;
	[smem:$0x7E9] =	sst s10  }
0x2f: {  	s20 =	sadd.s32 $0xA000, s29;
	s23 =	sadd.s32 $0xD000, s29;
	[smem:$0x7F0] =	sst s16  }
0x30: {  	s15 =	simm.s32 $0x400;
	s21 =	simm.s32 $0x500;
	[smem:$0x7F4] =	sst s20  }
0x31: {  	s9 =	simm.s32 $0x580;
	s24 =	sadd.s32 s2, s13;
	[smem:$0x7F7] =	sst s23  }
0x32: {  	s22 =	simm.s32 $0x7;
	s2 =	sadd.s32 s2, s12;
	[dreg:$0x19] =	wrdreg s24  }
0x33: {  	s26 =	simm.s32 $0x680;
	s1 =	sadd.s32 s28, s12;
	[dreg:$0x1a] =	wrdreg s2  }
0x34: {  	s13 =	sadd.s32 $0x3000, s29;
	s17 =	sadd.s32 $0x7000, s29;
	[dreg:$0x1e] =	wrdreg s1  }
0x35: {  	s25 =	sadd.s32 $0xF000, s29;
	s28 =	sadd.s32 $0x11000, s29;
	[smem:$0x7ED] =	sst s13  }
0x36: {  	s31 =	sadd.s32 $0x13000, s29;
	s10 =	simm.s32 $0x200;
	[smem:$0x7F1] =	sst s17  }
0x37: {  	s16 =	simm.s32 $0x1;
	s20 =	simm.s32 $0x8000;
	[smem:$0x7F9] =	sst s25  }
0x38: {  	s23 =	simm.s32 $0x8;
	s1 =	sadd.s32 s7, s12;
	[smem:$0x7FB] =	sst s28  }
.Ltmp0:
0x39: {  	s12 =	sadd.s32 $0x2000, s29;
	[smem:$0x7FD] =	sst s31;
	(pc) =	sbr.rel .LBB2_1-.Ltmp0, $4  }
0x3a: {  	s24 =	sadd.s32 $0xE000, s29;
	s17 =	simm.s32 $0x480;
	[smem:$0x7EA] =	sst s1  }
0x3b: {  	s2 =	simm.s32 $0x600;
	s13 =	simm.s32 $0x4;
	[smem:$0x7EC] =	sst s12  }
0x3c: {  	s25 =	simm.s32 $0x3;
	s7 =	simm.s32 $0x0;
	[smem:$0x7F8] =	sst s24  }
0x3d: {  	v0 =	vimm.f32 $0.0e+00;
	v1 =	vimm.f32 $1.000000000e+00;
	s12 =	simm.s32 $0x9;
	s1 =	simm.s32 $0x6;
	s24 =	simm.s32 $0x2  }
.LBB2_6:
0x3e: {  	s5 =	stileid.u32;
	[bflag:$0x0] =	sbarrier.arrive $0xFFFF  }
0x3f: {  	s5 =	sshll.u32 s5, $0x6;
	s29 =	rddreg [dreg:$0x12]  }
0x40: {  	s8 =	rddreg [dreg:$0x14];
	s5 =	sor.u32 $0x1C09, s5;
	s7 =	sshrl.u32 s29, $0x3  }
0x41: {  	[hbm:s8], [sflag:s5] =	dma.local [spmem:s7], $0x2800  }
0x42: {  	s30 =	simm.s32 $0x20;
	_ =	swait.ge [sflag:s12], $0x2800  }
0x43: {  	s31 =	simm.s32 $0x10;
	[sflag:s12] =	ssyncset.done $0x0;
	s8 =	rddreg [dreg:$0x13]  }
0x44: {  	s28 =	rddreg [dreg:$0x15];
	[sflag:s12] =	ssyncadd.s32 $0xFFFFD800;
	s7 =	sshrl.u32 s8, $0x3  }
0x45: {  	[hbm:s28@s30], [sflag:s5] =	dma.strided [spmem:s7@s31], $0x50, s16, $0x10   }
0x46: {  	_ =	swait.ge [sflag:s12], $0x50  }
0x47: {  	s30 =	sld [smem:$0x7E8];
	_ =	sdelay $0x2  }
0x48: {  	s31 =	rddreg [dreg:$0x16];
	s7 =	sadd.s32 $0x1, s30  }
0x49: {  	p0 =	sne.s32 s7, s31  }
.Ltmp1:
0x4a: {  	_ = 	snop;
	(pc) =	sbr.rel @!p0 .LBB2_7-.Ltmp1, $3  }
0x4b: {  	_ =	sdelay $0x1  }
0x4c: {  	[sflag:s12] =	ssyncset.done $0x0  }
0x4d: {  	[sflag:s12] =	ssyncadd.s32 $0xFFFFFFB0  }
.LBB2_1:
0x4e: {  	[smem:$0x7E8] =	sst s7  }
0x4f: {  	s5 =	simm.s32 $0x0;
	s30 =	rddreg [dreg:$0x8]  }
0x50: {  	[tilespmem:s5], [sflag:$0x4] =	stream.linear.gather [hbm4b:s30+s5], $0x50, $0x38;
	[tilespmem:$0x1D580] =	vst v63  }
0x51: {  	s31 =	rddreg [dreg:$0x9]  }
0x52: {  	[tilespmem:s15], [sflag:$0x4] =	stream.linear.gather [hbm4b:s31+s5], $0x50, $0x38;
	[tilespmem:$0x1D580] =	vst v63  }
0x53: {  	s28 =	simm.s32 $0x80;
	s30 =	rddreg [dreg:$0xa]  }
0x54: {  	[tilespmem:s28], [sflag:$0x5] =	stream.linear.gather [hbm4b:s30+s5], $0x50, $0x38;
	[tilespmem:$0x1D580] =	vst v63  }
0x55: {  	s31 =	rddreg [dreg:$0xb]  }
0x56: {  	[tilespmem:s17], [sflag:$0x5] =	stream.linear.gather [hbm4b:s31+s5], $0x50, $0x38;
	[tilespmem:$0x1D580] =	vst v63  }
0x57: {  	s30 =	rddreg [dreg:$0xc];
	s28 =	simm.s32 $0x100  }
0x58: {  	[tilespmem:s28], [sflag:$0x6] =	stream.linear.gather [hbm4b:s30+s5], $0x50, $0x38;
	[tilespmem:$0x1D580] =	vst v63  }
0x59: {  	s31 =	rddreg [dreg:$0xd]  }
0x5a: {  	[tilespmem:s21], [sflag:$0x6] =	stream.linear.gather [hbm4b:s31+s5], $0x50, $0x38;
	[tilespmem:$0x1D580] =	vst v63  }
0x5b: {  	s30 =	rddreg [dreg:$0xe];
	s28 =	simm.s32 $0x180  }
0x5c: {  	[tilespmem:s28], [sflag:$0x4] =	stream.linear.gather [hbm4b:s30+s5], $0x50, $0x38;
	[tilespmem:$0x1D580] =	vst v63  }
0x5d: {  	s31 =	rddreg [dreg:$0xf]  }
0x5e: {  	[tilespmem:s9], [sflag:$0x4] =	stream.linear.gather [hbm4b:s31+s5], $0x50, $0x38;
	[tilespmem:$0x1D580] =	vst v63  }
0x5f: {  	s30 =	rddreg [dreg:$0x10]  }
0x60: {  	[tilespmem:s10], [sflag:$0x5] =	stream.linear.gather [hbm4b:s30+s5], $0x50, $0x38;
	[tilespmem:$0x1D580] =	vst v63  }
0x61: {  	s7 =	simm.s32 $0x0;
	s28 =	simm.s32 $0x200;
	s31 =	rddreg [dreg:$0x11]  }
0x62: {  	[tilespmem:s2], [sflag:$0x5] =	stream.linear.gather [hbm4b:s31+s5], $0x50, $0x38;
	[tilespmem:$0x1D580] =	vst v63  }
.LBB2_2:
0x63: {  	p0 =	sne.s32 s28, $0x3E00;
	[tilespmem:s7+$0x80F0] =	vst v0  }
0x64: {  	[tilespmem:s7+$0x8080] =	vst v0  }
0x65: {  	[tilespmem:s7+$0x8090] =	vst v0  }
.Ltmp2:
0x66: {  	[tilespmem:s7+$0x80A0] =	vst v0;
	(pc) =	sbr.rel @p0 .LBB2_2-.Ltmp2, $4  }
0x67: {  	[tilespmem:s7+$0x80B0] =	vst v0  }
0x68: {  	[tilespmem:s7+$0x80C0] =	vst v0  }
0x69: {  	[tilespmem:s7+$0x80D0] =	vst v0  }
0x6a: {  	[tilespmem:s7+$0x80E0] =	vst v0;
	s7 =	sshra.s32 s28, $0x2;
	s28 =	sadd.s32 $0x200, s28  }
0x6b: {  	[tilespmem:s7+$0x80F0] =	vst v0  }
0x6c: {  	[tilespmem:s7+$0x8080] =	vst v0  }
0x6d: {  	[tilespmem:s7+$0x8090] =	vst v0  }
0x6e: {  	[tilespmem:s7+$0x80A0] =	vst v0  }
0x6f: {  	[tilespmem:s7+$0x80B0] =	vst v0  }
0x70: {  	[tilespmem:s7+$0x80C0] =	vst v0  }
0x71: {  	[tilespmem:s7+$0x80D0] =	vst v0  }
0x72: {  	[tilespmem:s7+$0x80E0] =	vst v0  }
0x73: {  	[tilespmem:$0x9080] =	vst v0  }
0x74: {  	[tilespmem:$0x9090] =	vst v0  }
0x75: {  	[tilespmem:$0x90A0] =	vst v0  }
0x76: {  	[tilespmem:$0x90B0] =	vst v0  }
0x77: {  	[tilespmem:$0x90C0] =	vst v0  }
0x78: {  	[tilespmem:$0x90D0] =	vst v0  }
0x79: {  	[tilespmem:$0x90E0] =	vst v0  }
0x7a: {  	[tilespmem:$0x90F0] =	vst v0  }
0x7b: {  	[tilespmem:$0x9100] =	vst v0  }
0x7c: {  	[tilespmem:$0x9110] =	vst v0  }
0x7d: {  	[tilespmem:$0x9120] =	vst v0  }
0x7e: {  	[tilespmem:$0x9130] =	vst v0  }
0x7f: {  	[tilespmem:$0x9140] =	vst v0  }
0x80: {  	[tilespmem:$0x9150] =	vst v0  }
0x81: {  	[tilespmem:$0x9160] =	vst v0  }
0x82: {  	[tilespmem:$0x9170] =	vst v0  }
0x83: {  	[tilespmem:$0x9180] =	vst v0  }
0x84: {  	[tilespmem:$0x9190] =	vst v0  }
0x85: {  	[tilespmem:$0x91A0] =	vst v0  }
0x86: {  	[tilespmem:$0x91B0] =	vst v0  }
0x87: {  	[tilespmem:$0x91C0] =	vst v0  }
0x88: {  	[tilespmem:$0x91D0] =	vst v0  }
0x89: {  	[tilespmem:$0x91E0] =	vst v0  }
0x8a: {  	[tilespmem:$0x91F0] =	vst v0  }
0x8b: {  	[tilespmem:$0x9200] =	vst v0  }
0x8c: {  	[tilespmem:$0x9210] =	vst v0  }
0x8d: {  	[tilespmem:$0x9220] =	vst v0  }
0x8e: {  	[tilespmem:$0x9230] =	vst v0  }
0x8f: {  	[tilespmem:$0x9240] =	vst v0  }
0x90: {  	[tilespmem:$0x9250] =	vst v0  }
0x91: {  	[tilespmem:$0x9260] =	vst v0  }
0x92: {  	[tilespmem:$0x9270] =	vst v0  }
0x93: {  	[tilespmem:$0x9280] =	vst v0  }
0x94: {  	[tilespmem:$0x9290] =	vst v0  }
0x95: {  	[tilespmem:$0x92A0] =	vst v0  }
0x96: {  	[tilespmem:$0x92B0] =	vst v0  }
0x97: {  	[tilespmem:$0x92C0] =	vst v0  }
0x98: {  	[tilespmem:$0x92D0] =	vst v0  }
0x99: {  	[tilespmem:$0x92E0] =	vst v0  }
0x9a: {  	[tilespmem:$0x92F0] =	vst v0  }
0x9b: {  	[tilespmem:$0x8000] =	vst v1  }
0x9c: {  	[tilespmem:$0x8010] =	vst v1  }
0x9d: {  	[tilespmem:$0x8020] =	vst v1  }
0x9e: {  	[tilespmem:$0x8030] =	vst v1  }
0x9f: {  	[tilespmem:$0x8040] =	vst v1  }
0xa0: {  	[tilespmem:$0x8050] =	vst v1  }
0xa1: {  	[tilespmem:$0x8060] =	vst v1  }
0xa2: {  	s7 =	simm.s32 $0x8080;
	[tilespmem:$0x8070] =	vst v1  }
0xa3: {  	[spmem:s29] =	stream.linear.scatter [tilespmem:s7], [sflag:$0x9], $0x1000, $0x38;
	[tilespmem:$0x1D580] =	vst v63  }
0xa4: {  	_ =	swait.ge [sflag:s12], $0x1000  }
0xa5: {  	s5 =	sld [smem:$0x7EB]  }
0xa6: {  	[sflag:s12] =	ssyncset.done $0x0  }
0xa7: {  	[sflag:s12] =	ssyncadd.s32 $0xFFFFF000  }
0xa8: {  	[spmem:s5] =	stream.linear.scatter [tilespmem:s7], [sflag:$0x9], $0x1000, $0x38;
	[tilespmem:$0x1D580] =	vst v63  }
0xa9: {  	_ =	swait.ge [sflag:s12], $0x1000  }
0xaa: {  	s30 =	sld [smem:$0x7EC]  }
0xab: {  	[sflag:s12] =	ssyncset.done $0x0  }
0xac: {  	[sflag:s12] =	ssyncadd.s32 $0xFFFFF000  }
0xad: {  	[spmem:s30] =	stream.linear.scatter [tilespmem:s7], [sflag:$0x9], $0x1000, $0x38;
	[tilespmem:$0x1D580] =	vst v63  }
0xae: {  	_ =	swait.ge [sflag:s12], $0x1000  }
0xaf: {  	s31 =	sld [smem:$0x7ED]  }
0xb0: {  	[sflag:s12] =	ssyncset.done $0x0  }
0xb1: {  	[sflag:s12] =	ssyncadd.s32 $0xFFFFF000  }
0xb2: {  	[spmem:s31] =	stream.linear.scatter [tilespmem:s7], [sflag:$0x9], $0x1000, $0x38;
	[tilespmem:$0x1D580] =	vst v63  }
0xb3: {  	_ =	swait.ge [sflag:s12], $0x1000  }
0xb4: {  	s30 =	sld [smem:$0x7EE]  }
0xb5: {  	[sflag:s12] =	ssyncset.done $0x0  }
0xb6: {  	[sflag:s12] =	ssyncadd.s32 $0xFFFFF000  }
0xb7: {  	[spmem:s30] =	stream.linear.scatter [tilespmem:s7], [sflag:$0x9], $0x1000, $0x38;
	[tilespmem:$0x1D580] =	vst v63  }
0xb8: {  	_ =	swait.ge [sflag:s12], $0x1000  }
0xb9: {  	s31 =	sld [smem:$0x7EF]  }
0xba: {  	[sflag:s12] =	ssyncset.done $0x0  }
0xbb: {  	[sflag:s12] =	ssyncadd.s32 $0xFFFFF000  }
0xbc: {  	[spmem:s31] =	stream.linear.scatter [tilespmem:s7], [sflag:$0x9], $0x1000, $0x38;
	[tilespmem:$0x1D580] =	vst v63  }
0xbd: {  	_ =	swait.ge [sflag:s12], $0x1000  }
0xbe: {  	s30 =	sld [smem:$0x7F0]  }
0xbf: {  	[sflag:s12] =	ssyncset.done $0x0  }
0xc0: {  	[sflag:s12] =	ssyncadd.s32 $0xFFFFF000  }
0xc1: {  	[spmem:s30] =	stream.linear.scatter [tilespmem:s7], [sflag:$0x9], $0x1000, $0x38;
	[tilespmem:$0x1D580] =	vst v63  }
0xc2: {  	_ =	swait.ge [sflag:s12], $0x1000  }
0xc3: {  	s31 =	sld [smem:$0x7F1]  }
0xc4: {  	[sflag:s12] =	ssyncset.done $0x0  }
0xc5: {  	[sflag:s12] =	ssyncadd.s32 $0xFFFFF000  }
0xc6: {  	[spmem:s31] =	stream.linear.scatter [tilespmem:s7], [sflag:$0x9], $0x1000, $0x38;
	[tilespmem:$0x1D580] =	vst v63  }
0xc7: {  	_ =	swait.ge [sflag:s12], $0x1000  }
0xc8: {  	s30 =	sld [smem:$0x7F2]  }
0xc9: {  	[sflag:s12] =	ssyncset.done $0x0  }
0xca: {  	[sflag:s12] =	ssyncadd.s32 $0xFFFFF000  }
0xcb: {  	[spmem:s30] =	stream.linear.scatter [tilespmem:s7], [sflag:$0x9], $0x1000, $0x38;
	[tilespmem:$0x1D580] =	vst v63  }
0xcc: {  	_ =	swait.ge [sflag:s12], $0x1000  }
0xcd: {  	s31 =	sld [smem:$0x7F3]  }
0xce: {  	[sflag:s12] =	ssyncset.done $0x0  }
0xcf: {  	[sflag:s12] =	ssyncadd.s32 $0xFFFFF000  }
0xd0: {  	[spmem:s31] =	stream.linear.scatter [tilespmem:s7], [sflag:$0x9], $0x1000, $0x38;
	[tilespmem:$0x1D580] =	vst v63  }
0xd1: {  	_ =	swait.ge [sflag:s12], $0x1000  }
0xd2: {  	s30 =	sld [smem:$0x7F4]  }
0xd3: {  	[sflag:s12] =	ssyncset.done $0x0  }
0xd4: {  	[sflag:s12] =	ssyncadd.s32 $0xFFFFF000  }
0xd5: {  	[spmem:s30] =	stream.linear.scatter [tilespmem:s7], [sflag:$0x9], $0x1000, $0x38;
	[tilespmem:$0x1D580] =	vst v63  }
0xd6: {  	_ =	swait.ge [sflag:s12], $0x1000  }
0xd7: {  	s31 =	sld [smem:$0x7F5]  }
0xd8: {  	[sflag:s12] =	ssyncset.done $0x0  }
0xd9: {  	[sflag:s12] =	ssyncadd.s32 $0xFFFFF000  }
0xda: {  	[spmem:s31] =	stream.linear.scatter [tilespmem:s7], [sflag:$0x9], $0x1000, $0x38;
	[tilespmem:$0x1D580] =	vst v63  }
0xdb: {  	_ =	swait.ge [sflag:s12], $0x1000  }
0xdc: {  	s30 =	sld [smem:$0x7F6]  }
0xdd: {  	[sflag:s12] =	ssyncset.done $0x0  }
0xde: {  	[sflag:s12] =	ssyncadd.s32 $0xFFFFF000  }
0xdf: {  	[spmem:s30] =	stream.linear.scatter [tilespmem:s7], [sflag:$0x9], $0x1000, $0x38;
	[tilespmem:$0x1D580] =	vst v63  }
0xe0: {  	_ =	swait.ge [sflag:s12], $0x1000  }
0xe1: {  	s31 =	sld [smem:$0x7F7]  }
0xe2: {  	[sflag:s12] =	ssyncset.done $0x0  }
0xe3: {  	[sflag:s12] =	ssyncadd.s32 $0xFFFFF000  }
0xe4: {  	[spmem:s31] =	stream.linear.scatter [tilespmem:s7], [sflag:$0x9], $0x1000, $0x38;
	[tilespmem:$0x1D580] =	vst v63  }
0xe5: {  	_ =	swait.ge [sflag:s12], $0x1000  }
0xe6: {  	s30 =	sld [smem:$0x7F8]  }
0xe7: {  	[sflag:s12] =	ssyncset.done $0x0  }
0xe8: {  	[sflag:s12] =	ssyncadd.s32 $0xFFFFF000  }
0xe9: {  	[spmem:s30] =	stream.linear.scatter [tilespmem:s7], [sflag:$0x9], $0x1000, $0x38;
	[tilespmem:$0x1D580] =	vst v63  }
0xea: {  	_ =	swait.ge [sflag:s12], $0x1000  }
0xeb: {  	s31 =	sld [smem:$0x7F9]  }
0xec: {  	[sflag:s12] =	ssyncset.done $0x0  }
0xed: {  	[sflag:s12] =	ssyncadd.s32 $0xFFFFF000  }
0xee: {  	[spmem:s31] =	stream.linear.scatter [tilespmem:s7], [sflag:$0x9], $0x1000, $0x38;
	[tilespmem:$0x1D580] =	vst v63  }
0xef: {  	_ =	swait.ge [sflag:s12], $0x1000  }
0xf0: {  	s30 =	sld [smem:$0x7FA]  }
0xf1: {  	[sflag:s12] =	ssyncset.done $0x0  }
0xf2: {  	[sflag:s12] =	ssyncadd.s32 $0xFFFFF000  }
0xf3: {  	[spmem:s30] =	stream.linear.scatter [tilespmem:s7], [sflag:$0x9], $0x1000, $0x38;
	[tilespmem:$0x1D580] =	vst v63  }
0xf4: {  	_ =	swait.ge [sflag:s12], $0x1000  }
0xf5: {  	s31 =	sld [smem:$0x7FB]  }
0xf6: {  	[sflag:s12] =	ssyncset.done $0x0  }
0xf7: {  	[sflag:s12] =	ssyncadd.s32 $0xFFFFF000  }
0xf8: {  	[spmem:s31] =	stream.linear.scatter [tilespmem:s7], [sflag:$0x9], $0x1000, $0x38;
	[tilespmem:$0x1D580] =	vst v63  }
0xf9: {  	_ =	swait.ge [sflag:s12], $0x1000  }
0xfa: {  	s30 =	sld [smem:$0x7FC]  }
0xfb: {  	[sflag:s12] =	ssyncset.done $0x0  }
0xfc: {  	[sflag:s12] =	ssyncadd.s32 $0xFFFFF000  }
0xfd: {  	[spmem:s30] =	stream.linear.scatter [tilespmem:s7], [sflag:$0x9], $0x1000, $0x38;
	[tilespmem:$0x1D580] =	vst v63  }
0xfe: {  	_ =	swait.ge [sflag:s12], $0x1000  }
0xff: {  	s31 =	sld [smem:$0x7FD]  }
0x100: {  	[sflag:s12] =	ssyncset.done $0x0  }
0x101: {  	[sflag:s12] =	ssyncadd.s32 $0xFFFFF000  }
0x102: {  	[spmem:s31] =	stream.linear.scatter [tilespmem:s7], [sflag:$0x9], $0x1000, $0x38;
	[tilespmem:$0x1D580] =	vst v63  }
0x103: {  	_ =	swait.ge [sflag:s12], $0x1000  }
0x104: {  	[sflag:s12] =	ssyncset.done $0x0  }
0x105: {  	s30 =	simm.s32 $0x9080;
	[sflag:s12] =	ssyncadd.s32 $0xFFFFF000  }
0x106: {  	[spmem:s8] =	stream.linear.scatter [tilespmem:s30], [sflag:$0x9], $0x280, $0x38;
	[tilespmem:$0x1D580] =	vst v63  }
0x107: {  	_ =	swait.ge [sflag:s12], $0x280  }
0x108: {  	[sflag:s12] =	ssyncset.done $0x0  }
0x109: {  	[sflag:s12] =	ssyncadd.s32 $0xFFFFFD80  }
0x10a: {  	[bflag:$0x0] =	sbarrier.arrive $0xFFFF  }
0x10b: {  	_ =	swait.ge [sflag:s13], $0x50  }
0x10c: {  	[sflag:s13] =	ssyncset.done $0x0  }
0x10d: {  	[sflag:s13] =	ssyncadd.s32 $0xFFFFFFB0  }
0x10e: {  	_ =	swait.ge [sflag:s13], $0x50  }
0x10f: {  	[sflag:s13] =	ssyncset.done $0x0  }
0x110: {  	s28 =	simm.s32 $0x0;
	[sflag:s13] =	ssyncadd.s32 $0xFFFFFFB0  }
0x111: {  	[tilespmem:s19], [sflag:$0x1] =	stream.indirect.gather [hbm4b:s0+s14], $0x80, s28, s14, $0xb8;
	[tilespmem:$0x1D580] =	vst v63  }
0x112: {  	_ =	swait.ge [sflag:s18], $0x50  }
0x113: {  	[sflag:s18] =	ssyncset.done $0x0  }
0x114: {  	[sflag:s18] =	ssyncadd.s32 $0xFFFFFFB0  }
0x115: {  	_ =	swait.ge [sflag:s18], $0x50  }
0x116: {  	s29 =	simm.s32 $0xFFFFFFFF;
	[sflag:s18] =	ssyncset.done $0x0  }
0x117: {  	s31 =	simm.s32 $0x80;
	s7 =	rddreg [dreg:$0x1f];
	[sflag:s18] =	ssyncadd.s32 $0xFFFFFFB0  }
0x118: {  	[tilespmem:s11], [sflag:$0x2] =	stream.indirect.gather [hbm4b:s0+s14], $0x80, s31, s14, $0xb8;
	[tilespmem:$0x1D580] =	vst v63  }
.LBB2_4:
0x119: {  	p0 =	sgt.u32 s29, $0x7C  }
0x11a: {  	s30 =	simm.s32 @!p0 $0x7  }
0x11b: {  	_ =	swait.ge @!p0 [sflag:s30], $0x2800  }
0x11c: {  	[sflag:s30] =	ssyncset.done @!p0 $0x0  }
0x11d: {  	[sflag:s30] =	ssyncadd.s32 @!p0 $0xFFFFD800;
	s30 =	simm.s32 @!p0 $0x8  }
0x11e: {  	_ =	swait.ge @!p0 [sflag:s30], $0x50  }
0x11f: {  	s5 =	sld [smem:$0x7EA]  }
0x120: {  	[sflag:s30] =	ssyncset.done @!p0 $0x0  }
0x121: {  	[sflag:s30] =	ssyncadd.s32 @!p0 $0xFFFFFFB0;
	p0 =	seq.s32 s28, $0x4B0  }
0x122: {  	s30 =	simm.s32 @!p0 $0x0;
	s31 =	simm.s32 @!p0 $0x280;
	s5 =	sadd.s32 @!p0 s28, s5  }
0x123: {  	[tilespmem:s31], [sflag:$0x6] =	stream.linear.gather @!p0 [hbm4b:s5+s30], $0x50, $0x38;
	[tilespmem:$0x1D580] =	vst v63  }
0x124: {  	s5 =	sld [smem:$0x7E9];
	_ =	sdelay $0x2  }
0x125: {  	s8 =	simm.s32 @!p0 $0x680;
	s5 =	sadd.s32 @!p0 s28, s5  }
0x126: {  	[tilespmem:s8], [sflag:$0x6] =	stream.linear.gather @!p0 [hbm4b:s5+s30], $0x50, $0x38;
	[tilespmem:$0x1D580] =	vst v63  }
0x127: {  	_ =	swait.ge [sflag:s1], $0x50  }
0x128: {  	[sflag:s1] =	ssyncset.done $0x0  }
0x129: {  	[sflag:s1] =	ssyncadd.s32 $0xFFFFFFB0  }
0x12a: {  	_ =	swait.ge [sflag:s1], $0x50  }
0x12b: {  	[sflag:s1] =	ssyncset.done $0x0  }
0x12c: {  	s8 =	simm.s32 $0x100;
	[sflag:s1] =	ssyncadd.s32 $0xFFFFFFB0  }
0x12d: {  	[tilespmem:s3], [sflag:$0x3] =	stream.indirect.gather [hbm4b:s0+s14], $0x80, s8, s14, $0xb8;
	[tilespmem:$0x1D580] =	vst v63  }
0x12e: {  	_ =	swait.ge [sflag:s16], $0x2800  }
0x12f: {  	[sflag:s16] =	ssyncset.done $0x0  }
0x130: {  	[sflag:s16] =	ssyncadd.s32 $0xFFFFD800  }
0x131: {  	[spmem:s4] =	stream.indirect.scatter.add.f32 [tilespmem:s19], [sflag:$0x7], $0x80, s15, s14, $0xb8;
	[tilespmem:$0x1D580] =	vst v63  }
0x132: {  	_ = 	snop  }
0x133: {  	[spmem:s6] =	stream.indirect.scatter.add.f32 [tilespmem:s20], [sflag:$0x8], $0x1, s15, s14, $0xb8;
	[tilespmem:$0x1D580] =	vst v63  }
0x134: {  	_ =	swait.ge [sflag:s22], $0x2800  }
0x135: {  	[sflag:s22] =	ssyncset.done $0x0  }
0x136: {  	[sflag:s22] =	ssyncadd.s32 $0xFFFFD800  }
0x137: {  	_ =	swait.ge [sflag:s23], $0x50  }
0x138: {  	[sflag:s23] =	ssyncset.done $0x0  }
0x139: {  	[sflag:s23] =	ssyncadd.s32 $0xFFFFFFB0  }
0x13a: {  	s5 =	sshrl.u32 @!p0 s7, $0x3;
	s8 =	rddreg [dreg:$0x1]  }
0x13b: {  	s8 =	sadd.s32 @!p0 s8, s5  }
0x13c: {  	[tilespmem:s30], [sflag:$0x4] =	stream.linear.gather @!p0 [hbm4b:s8+s30], $0x50, $0x38;
	[tilespmem:$0x1D580] =	vst v63  }
0x13d: {  	s8 =	rddreg [dreg:$0x2]  }
0x13e: {  	s5 =	sadd.s32 @!p0 s8, s5;
	s8 =	simm.s32 @!p0 $0x400  }
0x13f: {  	[tilespmem:s8], [sflag:$0x4] =	stream.linear.gather @!p0 [hbm4b:s5+s30], $0x50, $0x38;
	[tilespmem:$0x1D580] =	vst v63  }
0x140: {  	_ =	swait.ge [sflag:s13], $0x50  }
0x141: {  	[sflag:s13] =	ssyncset.done $0x0  }
0x142: {  	[sflag:s13] =	ssyncadd.s32 $0xFFFFFFB0  }
0x143: {  	_ =	swait.ge [sflag:s13], $0x50  }
0x144: {  	[sflag:s13] =	ssyncset.done $0x0  }
0x145: {  	s8 =	simm.s32 $0x180;
	[sflag:s13] =	ssyncadd.s32 $0xFFFFFFB0  }
0x146: {  	[tilespmem:s19], [sflag:$0x1] =	stream.indirect.gather [hbm4b:s0+s14], $0x80, s8, s14, $0xb8;
	[tilespmem:$0x1D580] =	vst v63  }
0x147: {  	_ =	swait.ge [sflag:s24], $0x2800  }
0x148: {  	[sflag:s24] =	ssyncset.done $0x0  }
0x149: {  	[sflag:s24] =	ssyncadd.s32 $0xFFFFD800  }
0x14a: {  	[spmem:s4] =	stream.indirect.scatter.add.f32 [tilespmem:s11], [sflag:$0x7], $0x80, s17, s14, $0xb8;
	[tilespmem:$0x1D580] =	vst v63  }
0x14b: {  	_ = 	snop  }
0x14c: {  	[spmem:s6] =	stream.indirect.scatter.add.f32 [tilespmem:s20], [sflag:$0x8], $0x1, s17, s14, $0xb8;
	[tilespmem:$0x1D580] =	vst v63  }
0x14d: {  	_ =	swait.ge [sflag:s22], $0x2800  }
0x14e: {  	[sflag:s22] =	ssyncset.done $0x0  }
0x14f: {  	[sflag:s22] =	ssyncadd.s32 $0xFFFFD800  }
0x150: {  	_ =	swait.ge [sflag:s23], $0x50  }
0x151: {  	[sflag:s23] =	ssyncset.done $0x0;
	s5 =	rddreg [dreg:$0x1e]  }
0x152: {  	s8 =	simm.s32 @!p0 $0x80;
	[sflag:s23] =	ssyncadd.s32 $0xFFFFFFB0;
	s5 =	sadd.s32 @!p0 s28, s5  }
0x153: {  	[tilespmem:s8], [sflag:$0x5] =	stream.linear.gather @!p0 [hbm4b:s5+s30], $0x50, $0x38;
	[tilespmem:$0x1D580] =	vst v63  }
0x154: {  	s5 =	rddreg [dreg:$0x1d]  }
0x155: {  	s8 =	simm.s32 @!p0 $0x480;
	s5 =	sadd.s32 @!p0 s28, s5  }
0x156: {  	[tilespmem:s8], [sflag:$0x5] =	stream.linear.gather @!p0 [hbm4b:s5+s30], $0x50, $0x38;
	[tilespmem:$0x1D580] =	vst v63  }
0x157: {  	_ =	swait.ge [sflag:s18], $0x50  }
0x158: {  	[sflag:s18] =	ssyncset.done $0x0  }
0x159: {  	[sflag:s18] =	ssyncadd.s32 $0xFFFFFFB0  }
0x15a: {  	_ =	swait.ge [sflag:s18], $0x50  }
0x15b: {  	[sflag:s18] =	ssyncset.done $0x0  }
0x15c: {  	[sflag:s18] =	ssyncadd.s32 $0xFFFFFFB0  }
0x15d: {  	[tilespmem:s11], [sflag:$0x2] =	stream.indirect.gather [hbm4b:s0+s14], $0x80, s10, s14, $0xb8;
	[tilespmem:$0x1D580] =	vst v63  }
0x15e: {  	_ =	swait.ge [sflag:s25], $0x2800  }
0x15f: {  	[sflag:s25] =	ssyncset.done $0x0  }
0x160: {  	[sflag:s25] =	ssyncadd.s32 $0xFFFFD800  }
0x161: {  	[spmem:s4] =	stream.indirect.scatter.add.f32 [tilespmem:s3], [sflag:$0x7], $0x80, s21, s14, $0xb8;
	[tilespmem:$0x1D580] =	vst v63  }
0x162: {  	_ = 	snop  }
0x163: {  	[spmem:s6] =	stream.indirect.scatter.add.f32 [tilespmem:s20], [sflag:$0x8], $0x1, s21, s14, $0xb8;
	[tilespmem:$0x1D580] =	vst v63  }
0x164: {  	_ =	swait.ge [sflag:s22], $0x2800  }
0x165: {  	[sflag:s22] =	ssyncset.done $0x0  }
0x166: {  	[sflag:s22] =	ssyncadd.s32 $0xFFFFD800  }
0x167: {  	_ =	swait.ge [sflag:s23], $0x50  }
0x168: {  	[sflag:s23] =	ssyncset.done $0x0;
	s5 =	rddreg [dreg:$0x1c]  }
0x169: {  	s8 =	simm.s32 @!p0 $0x100;
	[sflag:s23] =	ssyncadd.s32 $0xFFFFFFB0;
	s5 =	sadd.s32 @!p0 s28, s5  }
0x16a: {  	[tilespmem:s8], [sflag:$0x6] =	stream.linear.gather @!p0 [hbm4b:s5+s30], $0x50, $0x38;
	[tilespmem:$0x1D580] =	vst v63  }
0x16b: {  	s5 =	rddreg [dreg:$0x1b]  }
0x16c: {  	s8 =	simm.s32 @!p0 $0x500;
	s5 =	sadd.s32 @!p0 s28, s5  }
0x16d: {  	[tilespmem:s8], [sflag:$0x6] =	stream.linear.gather @!p0 [hbm4b:s5+s30], $0x50, $0x38;
	[tilespmem:$0x1D580] =	vst v63  }
0x16e: {  	s5 =	simm.s32 @!p0 $0x6  }
0x16f: {  	_ =	swait.ge @!p0 [sflag:s5], $0x50  }
0x170: {  	[sflag:s5] =	ssyncset.done @!p0 $0x0  }
0x171: {  	[sflag:s5] =	ssyncadd.s32 @!p0 $0xFFFFFFB0  }
0x172: {  	_ =	swait.ge @!p0 [sflag:s5], $0x50  }
0x173: {  	[sflag:s5] =	ssyncset.done @!p0 $0x0  }
0x174: {  	s8 =	simm.s32 @!p0 $0x5800;
	[sflag:s5] =	ssyncadd.s32 @!p0 $0xFFFFFFB0;
	s5 =	simm.s32 @!p0 $0x50  }
0x175: {  	[tilespmem:s8], [sflag:$0x3] =	stream.indirect.gather @!p0 [hbm4b:s0+s5], $0x80, s31, s5, $0xb8;
	[tilespmem:$0x1D580] =	vst v63  }
0x176: {  	_ =	swait.ge [sflag:s16], $0x2800  }
0x177: {  	[sflag:s16] =	ssyncset.done $0x0  }
0x178: {  	[sflag:s16] =	ssyncadd.s32 $0xFFFFD800  }
0x179: {  	[spmem:s4] =	stream.indirect.scatter.add.f32 [tilespmem:s19], [sflag:$0x7], $0x80, s9, s14, $0xb8;
	[tilespmem:$0x1D580] =	vst v63  }
0x17a: {  	_ = 	snop  }
0x17b: {  	[spmem:s6] =	stream.indirect.scatter.add.f32 [tilespmem:s20], [sflag:$0x8], $0x1, s9, s14, $0xb8;
	[tilespmem:$0x1D580] =	vst v63  }
0x17c: {  	_ =	swait.ge [sflag:s22], $0x2800  }
0x17d: {  	[sflag:s22] =	ssyncset.done $0x0  }
0x17e: {  	[sflag:s22] =	ssyncadd.s32 $0xFFFFD800  }
0x17f: {  	_ =	swait.ge [sflag:s23], $0x50  }
0x180: {  	[sflag:s23] =	ssyncset.done $0x0;
	s8 =	rddreg [dreg:$0x1a]  }
0x181: {  	s31 =	simm.s32 @!p0 $0x180;
	[sflag:s23] =	ssyncadd.s32 $0xFFFFFFB0;
	s8 =	sadd.s32 @!p0 s28, s8  }
0x182: {  	[tilespmem:s31], [sflag:$0x4] =	stream.linear.gather @!p0 [hbm4b:s8+s30], $0x50, $0x38;
	[tilespmem:$0x1D580] =	vst v63  }
0x183: {  	s8 =	rddreg [dreg:$0x19]  }
0x184: {  	s31 =	simm.s32 @!p0 $0x580;
	s8 =	sadd.s32 @!p0 s28, s8  }
0x185: {  	[tilespmem:s31], [sflag:$0x4] =	stream.linear.gather @!p0 [hbm4b:s8+s30], $0x50, $0x38;
	[tilespmem:$0x1D580] =	vst v63  }
0x186: {  	s8 =	simm.s32 @!p0 $0x4  }
0x187: {  	_ =	swait.ge @!p0 [sflag:s8], $0x50  }
0x188: {  	[sflag:s8] =	ssyncset.done @!p0 $0x0  }
0x189: {  	[sflag:s8] =	ssyncadd.s32 @!p0 $0xFFFFFFB0  }
0x18a: {  	_ =	swait.ge @!p0 [sflag:s8], $0x50  }
0x18b: {  	[sflag:s8] =	ssyncset.done @!p0 $0x0  }
0x18c: {  	[sflag:s8] =	ssyncadd.s32 @!p0 $0xFFFFFFB0;
	s8 =	simm.s32 @!p0 $0x800  }
0x18d: {  	[tilespmem:s8], [sflag:$0x1] =	stream.indirect.gather @!p0 [hbm4b:s0+s5], $0x80, s30, s5, $0xb8;
	[tilespmem:$0x1D580] =	vst v63  }
0x18e: {  	_ =	swait.ge [sflag:s24], $0x2800  }
0x18f: {  	[sflag:s24] =	ssyncset.done $0x0  }
0x190: {  	[sflag:s24] =	ssyncadd.s32 $0xFFFFD800  }
0x191: {  	[spmem:s4] =	stream.indirect.scatter.add.f32 [tilespmem:s11], [sflag:$0x7], $0x80, s2, s14, $0xb8;
	[tilespmem:$0x1D580] =	vst v63  }
0x192: {  	_ = 	snop  }
0x193: {  	[spmem:s6] =	stream.indirect.scatter.add.f32 [tilespmem:s20], [sflag:$0x8], $0x1, s2, s14, $0xb8;
	[tilespmem:$0x1D580] =	vst v63  }
0x194: {  	_ =	swait.ge [sflag:s22], $0x2800  }
.Ltmp3:
0x195: {  	[sflag:s22] =	ssyncset.done $0x0;
	(pc) =	sbr.rel @p0 .LBB2_6-.Ltmp3, $4  }
0x196: {  	[sflag:s22] =	ssyncadd.s32 $0xFFFFD800  }
0x197: {  	_ =	swait.ge [sflag:s23], $0x50  }
0x198: {  	[sflag:s23] =	ssyncset.done $0x0  }
0x199: {  	[sflag:s23] =	ssyncadd.s32 $0xFFFFFFB0  }
0x19a: {  	s5 =	rddreg [dreg:$0x18]  }
0x19b: {  	s8 =	simm.s32 $0x0;
	s30 =	rddreg [dreg:$0x17];
	s5 =	sadd.s32 s28, s5  }
0x19c: {  	[tilespmem:s10], [sflag:$0x5] =	stream.linear.gather [hbm4b:s5+s8], $0x50, $0x38;
	[tilespmem:$0x1D580] =	vst v63  }
0x19d: {  	s5 =	sadd.s32 s28, s30  }
0x19e: {  	[tilespmem:s2], [sflag:$0x5] =	stream.linear.gather [hbm4b:s5+s8], $0x50, $0x38;
	[tilespmem:$0x1D580] =	vst v63  }
0x19f: {  	_ =	swait.ge [sflag:s18], $0x50  }
0x1a0: {  	[sflag:s18] =	ssyncset.done $0x0  }
0x1a1: {  	[sflag:s18] =	ssyncadd.s32 $0xFFFFFFB0  }
0x1a2: {  	_ =	swait.ge [sflag:s18], $0x50  }
0x1a3: {  	[sflag:s18] =	ssyncset.done $0x0  }
0x1a4: {  	s31 =	simm.s32 $0x80;
	[sflag:s18] =	ssyncadd.s32 $0xFFFFFFB0  }
0x1a5: {  	[tilespmem:s11], [sflag:$0x2] =	stream.indirect.gather [hbm4b:s0+s14], $0x80, s31, s14, $0xb8;
	[tilespmem:$0x1D580] =	vst v63  }
0x1a6: {  	_ =	swait.ge [sflag:s25], $0x2800  }
.Ltmp4:
0x1a7: {  	[sflag:s25] =	ssyncset.done $0x0;
	(pc) =	sbr.rel .LBB2_4-.Ltmp4, $4  }
0x1a8: {  	[sflag:s25] =	ssyncadd.s32 $0xFFFFD800  }
0x1a9: {  	[spmem:s4] =	stream.indirect.scatter.add.f32 [tilespmem:s3], [sflag:$0x7], $0x80, s26, s14, $0xb8;
	[tilespmem:$0x1D580] =	vst v63  }
0x1aa: {  	s7 =	sadd.s32 $0x1E0, s7;
	s29 =	sadd.s32 $0x6, s29;
	s28 =	sadd.s32 $0x3C, s28  }
0x1ab: {  	[spmem:s6] =	stream.indirect.scatter.add.f32 [tilespmem:s20], [sflag:$0x8], $0x1, s26, s14, $0xb8;
	[tilespmem:$0x1D580] =	vst v63  }
.LBB2_7:
0x1ac: {  	_ =	sfence.sel $0x180000  }
0x1ad: {  	[bflag:$0x0] =	sbarrier.arrive $0xFFFF  }
0x1ae: {  	_ =	strace $0x90000047  }
0x1af: {  	s0 =	stileid.u32;
	[bflag:$0x2] =	sbarrier.arrive $0xFFFF  }
0x1b0: {  	p0 =	sne.s32 s0, $0x0;
	s0 =	rddreg [dreg:$0x7]  }
0x1b1: {  	s0 =	sadd.s32 @!p0 $0x100000, s0  }
0x1b2: {  	[sflag:s0] =	ssyncadd.tile.s32 @!p0 $0x1;
	_ =	shalt  }
.Lfunc_end2:
_tile_overlayer_lowered:
.L_overlay_start_2:
0x1b3: {  	(tag) =	ssettag $0x2  }
0x1b4: {  	s0 =	rddreg [dreg:$0x0];
	s2 =	stileid.u32  }
0x1b5: {  	s1 =	rddreg [dreg:$0x1];
	p0 =	sne.s32 s2, $0x0  }
0x1b6: {  	s3 =	rddreg [dreg:$0x2];
	[bflag:$0x3] =	sbarrier.arrive $0xFFFF;
	s2 =	simm.s32 @!p0 $0x1C09  }
0x1b7: {  	[timem:s3], [sflag:s2] =	dma.local @!p0 [hbm:s0], s1  }
0x1b8: {  	s0 =	simm.s32 @!p0 $0x9  }
0x1b9: {  	_ =	swait.ge @!p0 [sflag:s0], s1  }
0x1ba: {  	s1 =	ssub.s32 @!p0 $0x0, s1;
	[sflag:s0] =	ssyncset.done @!p0 $0x0  }
0x1bb: {  	[sflag:s0] =	ssyncadd.s32 @!p0 s1  }
0x1bc: {  	[bflag:$0x3] =	sbarrier.arrive $0xFFFF  }
0x1bd: {  	_ =	shalt  }

</sc_bundles>
